<compile_context>
chip_gen: v7x
topology: tpu7x:2x2x1
jax: 0.10.2.dev20260603
libtpu: 0.0.44.dev20260713+nightly
codegen_flags: <defaults>
</compile_context>

<pallas_src>
import functools

import jax
import jax.numpy as jnp
from jax import lax
from jax.experimental import pallas as pl
from jax.experimental.pallas import tpu as pltpu
from jax.experimental.pallas import tpu_sc as plsc

B = 2
N = 10000
F = 128
E = 320000
NN = B * N

NC = 2
NT = 16
NW = NC * NT
CH = 128

E_TOT = B * E
EP = 160 * NW * CH
TCH = EP // CH
BLK = 8
RING = 5
DR = TCH // NW
CPT_C0 = 160
CPT_C1 = (TCH - NT * CPT_C0) // NT

DUMMY = NN
ACC_ROWS = 20480
DEG_ROWS = 160

_mesh = plsc.VectorSubcoreMesh(core_axis_name="c", subcore_axis_name="s")


def _deg_body(dstd_hbm, zeros_hbm, out_hbm, accv, idxv):
    c = lax.axis_index("c")
    s = lax.axis_index("s")
    pltpu.sync_copy(zeros_hbm, accv)
    w = s * NC + c
    pltpu.sync_copy(dstd_hbm.at[w], idxv)

    ones = jnp.full((16,), 1.0, jnp.float32)

    def acc_one(i, carry):
        r = i // 8
        j = i - r * 8
        idx = idxv[r, pl.ds(j * 16, 16)]
        plsc.addupdate_scatter(accv, [idx], ones)
        return carry

    lax.fori_loop(0, DR * 8, acc_one, 0)
    pltpu.sync_copy(accv, out_hbm.at[w])


_deg_kernel = functools.partial(
    pl.kernel,
    out_type=jax.ShapeDtypeStruct((NW, DEG_ROWS * 128), jnp.float32),
    mesh=_mesh,
    scratch_types=[
        pltpu.VMEM((DEG_ROWS * 128,), jnp.float32),
        pltpu.VMEM((DR, 128), jnp.int32),
    ],
    compiler_params=pltpu.CompilerParams(needs_layout_passes=False),
)(_deg_body)


JW = BLK - (RING - 1)


def _agg_body(
    hp_hbm, src_hbm, dst_hbm, out_hbm, srcv, dstv, rows, acc_sh, gsems, ssems, stsem
):
    c = lax.axis_index("c")
    s = lax.axis_index("s")
    base = jnp.where(c == 0, s * CPT_C0, NT * CPT_C0 + s * CPT_C1)
    cnt = jnp.where(c == 0, CPT_C0, CPT_C1)
    nblk = cnt // BLK
    z = jnp.zeros((32,), jnp.bfloat16)

    def zb(i, carry):
        r = i // 4
        k = i - r * 4
        rows[0, r, pl.ds(k * 32, 32)] = z
        return carry

    lax.fori_loop(0, CH * 4, zb, 0)

    def zacc(j, carry):
        pltpu.sync_copy(rows.at[0], acc_sh.at[pl.ds(1280 * s + CH * j, CH)])
        return carry

    lax.fori_loop(0, 10, zacc, 0)
    pltpu.sync_copy(src_hbm.at[pl.ds(base, BLK)], srcv.at[0])
    pltpu.sync_copy(dst_hbm.at[pl.ds(base, BLK)], dstv.at[0])
    plsc.subcore_barrier()

    for gg in range(RING - 1):
        pltpu.async_copy(hp_hbm.at[srcv.at[0, gg]], rows.at[gg], gsems.at[gg])

    def chunk(g, carry):
        bk = g // BLK
        b = g % RING
        pg = bk % 2
        jg = g - bk * BLK
        pltpu.make_async_copy(
            hp_hbm.at[srcv.at[pg, jg]], rows.at[b], gsems.at[b]
        ).wait()
        pltpu.async_copy(rows.at[b], acc_sh.at[dstv.at[pg, jg]], ssems.at[b], add=True)

        @pl.when(g > 0)
        def _drain_prev():
            g1 = g - 1
            bk1 = g1 // BLK
            b1 = g1 % RING
            pltpu.make_async_copy(
                rows.at[b1],
                acc_sh.at[dstv.at[bk1 % 2, g1 - bk1 * BLK]],
                ssems.at[b1],
            ).wait()

        @pl.when(jnp.logical_and(jg == 0, bk + 1 < nblk))
        def _stage_next():
            p = (bk + 1) % 2
            pltpu.async_copy(
                src_hbm.at[pl.ds(base + BLK * (bk + 1), BLK)], srcv.at[p], stsem
            )
            pltpu.async_copy(
                dst_hbm.at[pl.ds(base + BLK * (bk + 1), BLK)], dstv.at[p], stsem
            )

        @pl.when(jnp.logical_and(jg == JW, bk + 1 < nblk))
        def _stage_wait():
            p = (bk + 1) % 2
            pltpu.make_async_copy(
                src_hbm.at[pl.ds(base + BLK * (bk + 1), BLK)], srcv.at[p], stsem
            ).wait()
            pltpu.make_async_copy(
                dst_hbm.at[pl.ds(base + BLK * (bk + 1), BLK)], dstv.at[p], stsem
            ).wait()

        g2 = g + RING - 1

        @pl.when(g2 < cnt)
        def _issue_next():
            bk2 = g2 // BLK
            pltpu.async_copy(
                hp_hbm.at[srcv.at[bk2 % 2, g2 - bk2 * BLK]],
                rows.at[g2 % RING],
                gsems.at[g2 % RING],
            )

        return carry

    lax.fori_loop(0, cnt, chunk, 0)
    gl = cnt - 1
    glb = gl // BLK
    pltpu.make_async_copy(
        rows.at[gl % RING],
        acc_sh.at[dstv.at[glb % 2, gl - glb * BLK]],
        ssems.at[gl % RING],
    ).wait()
    plsc.subcore_barrier()
    pltpu.sync_copy(
        acc_sh.at[pl.ds(1248 * s, 1248)], out_hbm.at[c, pl.ds(1248 * s, 1248)]
    )

    @pl.when(s == NT - 1)
    def _writeback_tail():
        pltpu.sync_copy(acc_sh.at[pl.ds(19968, 32)], out_hbm.at[c, pl.ds(19968, 32)])


_agg_kernel = functools.partial(
    pl.kernel,
    out_type=jax.ShapeDtypeStruct((NC, NN, F), jnp.bfloat16),
    mesh=_mesh,
    scratch_types=[
        pltpu.VMEM((2, BLK, CH), jnp.int32),
        pltpu.VMEM((2, BLK, CH), jnp.int32),
        pltpu.VMEM((RING, CH, F), jnp.bfloat16),
        pltpu.VMEM_SHARED((ACC_ROWS, F), jnp.bfloat16),
        pltpu.SemaphoreType.DMA((RING,)),
        pltpu.SemaphoreType.DMA((RING,)),
        pltpu.SemaphoreType.DMA,
    ],
    compiler_params=pltpu.CompilerParams(
        needs_layout_passes=False, use_tc_tiling_on_sc=False
    ),
)(_agg_body)


BM = 2000
GRID = NN // BM


def _tc0_body(p_ref, r_ref):
    r_ref[...] = lax.rsqrt(1.0 + jnp.sum(p_ref[...], axis=0))


def _tc0(degp):
    return pl.pallas_call(
        _tc0_body,
        out_shape=jax.ShapeDtypeStruct((DEG_ROWS, 128), jnp.float32),
    )(degp)


def _tc1_body(x_ref, w_ref, dinv_ref, hp_ref):
    h = jnp.dot(x_ref[...], w_ref[...], preferred_element_type=jnp.float32)
    hp_ref[...] = (h * dinv_ref[...]).astype(jnp.bfloat16)


def _tc1(xf, W1, dinv):
    return pl.pallas_call(
        _tc1_body,
        grid=(GRID,),
        in_specs=[
            pl.BlockSpec((BM, F), lambda i: (i, 0)),
            pl.BlockSpec((F, F), lambda i: (0, 0)),
            pl.BlockSpec((BM, 1), lambda i: (i, 0)),
        ],
        out_specs=pl.BlockSpec((BM, F), lambda i: (i, 0)),
        out_shape=jax.ShapeDtypeStruct((NN, F), jnp.bfloat16),
    )(xf, W1, dinv)


def _tc2_body(x_ref, hp1_ref, o1_ref, dinv_ref, b1_ref, w2_ref, h_ref, hp2_ref):
    dinv = dinv_ref[...]
    sc = o1_ref[0].astype(jnp.float32) + o1_ref[1].astype(jnp.float32)
    t = sc + hp1_ref[...].astype(jnp.float32)
    conv = dinv * t + b1_ref[...]
    gelu = conv * 0.5 * (1.0 + lax.erf(conv * 0.7071067811865476))
    h = x_ref[...] + gelu
    h_ref[...] = h
    hp2 = jnp.dot(h, w2_ref[...], preferred_element_type=jnp.float32) * dinv
    hp2_ref[...] = hp2.astype(jnp.bfloat16)


def _tc2(xf, hp1, o1, dinv, b1, W2):
    return pl.pallas_call(
        _tc2_body,
        grid=(GRID,),
        in_specs=[
            pl.BlockSpec((BM, F), lambda i: (i, 0)),
            pl.BlockSpec((BM, F), lambda i: (i, 0)),
            pl.BlockSpec((2, BM, F), lambda i: (0, i, 0)),
            pl.BlockSpec((BM, 1), lambda i: (i, 0)),
            pl.BlockSpec((1, F), lambda i: (0, 0)),
            pl.BlockSpec((F, F), lambda i: (0, 0)),
        ],
        out_specs=[
            pl.BlockSpec((BM, F), lambda i: (i, 0)),
            pl.BlockSpec((BM, F), lambda i: (i, 0)),
        ],
        out_shape=[
            jax.ShapeDtypeStruct((NN, F), jnp.float32),
            jax.ShapeDtypeStruct((NN, F), jnp.bfloat16),
        ],
    )(xf, hp1, o1, dinv, b1, W2)


def _tc3_body(h_ref, hp2_ref, o2_ref, dinv_ref, b2_ref, out_ref):
    sc = o2_ref[0].astype(jnp.float32) + o2_ref[1].astype(jnp.float32)
    t = sc + hp2_ref[...].astype(jnp.float32)
    out_ref[...] = h_ref[...] + dinv_ref[...] * t + b2_ref[...]


def _tc3(h, hp2, o2, dinv, b2):
    return pl.pallas_call(
        _tc3_body,
        grid=(GRID,),
        in_specs=[
            pl.BlockSpec((BM, F), lambda i: (i, 0)),
            pl.BlockSpec((BM, F), lambda i: (i, 0)),
            pl.BlockSpec((2, BM, F), lambda i: (0, i, 0)),
            pl.BlockSpec((BM, 1), lambda i: (i, 0)),
            pl.BlockSpec((1, F), lambda i: (0, 0)),
        ],
        out_specs=pl.BlockSpec((BM, F), lambda i: (i, 0)),
        out_shape=jax.ShapeDtypeStruct((NN, F), jnp.float32),
    )(h, hp2, o2, dinv, b2)


def kernel(x, edge_index, W1, b1, W2, b2):
    xf = x.reshape(NN, F)
    offs = (jnp.arange(B, dtype=edge_index.dtype) * N)[:, None, None]
    ei = edge_index + offs
    src = ei[:, 0, :].reshape(-1)
    dst = ei[:, 1, :].reshape(-1)
    pad = EP - E_TOT
    parange = jnp.arange(pad, dtype=jnp.int32)
    src_p = jnp.concatenate([src, parange % NN])
    dst_p = jnp.concatenate([dst, DUMMY + parange % (ACC_ROWS - NN)])
    srcm = src_p.reshape(TCH, CH)
    dstm = dst_p.reshape(TCH, CH)
    zeros = jnp.zeros((DEG_ROWS * 128,), jnp.float32)

    degp = _deg_kernel(dst_p.reshape(NW, DR, CH), zeros)
    r = _tc0(degp.reshape(NW, DEG_ROWS, 128))
    dinv = r.reshape(DEG_ROWS * 128, 1)[:NN]

    hp1 = _tc1(xf, W1, dinv)
    o1 = _agg_kernel(hp1, srcm, dstm)
    h, hp2 = _tc2(xf, hp1, o1, dinv, b1.reshape(1, F), W2)
    o2 = _agg_kernel(hp2, srcm, dstm)
    out = _tc3(h, hp2, o2, dinv, b2.reshape(1, F))
    return out.reshape(B, N, F)

# --- scband reference (transcript-rebuilt; emitter-appended) ---
"""Pipeline reference for scband-graph-encoder-18494129177081 (READ-ONLY COPY).

The authoritative reference and input builder live on the scoring server;
editing this copy changes nothing except your own understanding.
"""

import jax, jax.numpy as jnp
import numpy as np

B, N, F_DIM, E = 2, 10000, 128, 320000


def setup_inputs(seed: int = 0) -> dict:
    key = jax.random.key(seed)
    k1, k2, k3, k4, k5, k6 = jax.random.split(key, 6)
    x = jax.random.normal(k1, (B, N, F_DIM), dtype=jnp.float32)
    edge_index = jax.random.randint(k2, (B, 2, E), 0, N, dtype=jnp.int32)
    s = 1.0 / np.sqrt(F_DIM)
    W1 = jax.random.normal(k3, (F_DIM, F_DIM), dtype=jnp.float32) * s
    b1 = jnp.zeros((F_DIM,), dtype=jnp.float32)
    W2 = jax.random.normal(k4, (F_DIM, F_DIM), dtype=jnp.float32) * s
    b2 = jnp.zeros((F_DIM,), dtype=jnp.float32)
    return {"x": x, "edge_index": edge_index, "W1": W1, "b1": b1, "W2": W2, "b2": b2}


def _gcn_conv(x, src, dst, W, b, num_nodes):
    # PyG GCNConv with add_self_loops=True:
    # out = D^{-1/2} (A + I) D^{-1/2} X W + b
    loop = jnp.arange(num_nodes, dtype=src.dtype)
    s = jnp.concatenate([src, loop])
    d = jnp.concatenate([dst, loop])
    deg = jnp.zeros((num_nodes,), dtype=x.dtype).at[d].add(1.0)
    dinv = jnp.where(deg > 0, jax.lax.rsqrt(deg), 0.0)
    norm = dinv[s] * dinv[d]
    h = x @ W
    msg = h[s] * norm[:, None]
    out = jnp.zeros((num_nodes, W.shape[1]), dtype=x.dtype).at[d].add(msg)
    return out + b


def reference(x, edge_index, W1, b1, W2, b2):
    # Batch.from_data_list: flatten nodes, offset edge indices per graph
    num_nodes = B * N
    xf = x.reshape(num_nodes, F_DIM)
    offsets = (jnp.arange(B, dtype=edge_index.dtype) * N)[:, None, None]
    ei = (edge_index + offsets)
    src = ei[:, 0, :].reshape(-1)
    dst = ei[:, 1, :].reshape(-1)
    # eval mode: dropout is identity
    h = xf
    # all convs except last: conv -> gelu -> residual
    x_new = _gcn_conv(h, src, dst, W1, b1, num_nodes)
    x_new = jax.nn.gelu(x_new, approximate=False)
    h = h + x_new
    # last conv: conv -> residual
    x_new = _gcn_conv(h, src, dst, W2, b2, num_nodes)
    h = h + x_new
    return h.reshape(B, N, F_DIM)

if __name__ == "__main__":
    import jax
    _d = setup_inputs()
    print(jax.jit(kernel)(*tuple(_d.values())))

</pallas_src>

<mosaic_0001>
#map = affine_map<(d0, d1) -> (0, 0, 0)>
#map1 = affine_map<(d0, d1) -> (0)>
#map2 = affine_map<(d0, d1) -> (0, 0)>
module attributes {stable_mosaic.version = 14 : i64} {
  func.func @_deg_body(%arg0: i32, %arg1: i32, %arg2: memref<32x160x128xi32, #tpu.memory_space<hbm>>, %arg3: memref<20480xf32, #tpu.memory_space<hbm>>, %arg4: memref<32x20480xf32, #tpu.memory_space<hbm>>, %arg5: memref<20480xf32, #tpu.memory_space<vmem>>, %arg6: memref<160x128xi32, #tpu.memory_space<vmem>>) attributes {dimension_semantics = [#tpu.dimension_semantics<core_parallel>, #tpu.dimension_semantics<subcore_parallel>], iteration_bounds = array<i64: 2, 16>, scalar_prefetch = 0 : i64, scratch_operands = 2 : i64, tpu.core_type = #tpu.core_type<sc_vector_subcore>, window_params = [{transform_indices = #map}, {transform_indices = #map1}, {transform_indices = #map2}]} {
    "tpu.region"() ({
      %run_scoped3A = tpu.sem_alloc : memref<!tpu.dma_semaphore, #tpu.memory_space<semaphore_mem>>
      tpu.enqueue_dma source(%arg3 : memref<20480xf32, #tpu.memory_space<hbm>>) target(%arg5 : memref<20480xf32, #tpu.memory_space<vmem>>) target_semaphore(%run_scoped3A : memref<!tpu.dma_semaphore, #tpu.memory_space<semaphore_mem>>)
      tpu.wait_dma2 semaphore(%run_scoped3A : memref<!tpu.dma_semaphore, #tpu.memory_space<semaphore_mem>>) src(%arg3 : memref<20480xf32, #tpu.memory_space<hbm>>) dst(%arg5 : memref<20480xf32, #tpu.memory_space<vmem>>)
      tpu.yield
    }) : () -> ()
    %mul3A = arith.constant 2 : i32
    %mul3A_0 = arith.muli %arg1, %mul3A : i32
    %add3A = arith.addi %mul3A_0, %arg0 : i32
    "tpu.region"() ({
      %run_scoped3A = tpu.sem_alloc : memref<!tpu.dma_semaphore, #tpu.memory_space<semaphore_mem>>
      %dma_start3A = arith.constant 0 : i32
      %dma_start3A_7 = arith.constant 0 : i32
      %dma_start3A_8 = tpu.memref_slice %arg2[%add3A, %dma_start3A, %dma_start3A_7] : memref<32x160x128xi32, #tpu.memory_space<hbm>> -> memref<1x160x128xi32, #tpu.memory_space<hbm>>
      %dma_start3A_9 = tpu.memref_squeeze %dma_start3A_8 : memref<1x160x128xi32, #tpu.memory_space<hbm>> -> memref<160x128xi32, #tpu.memory_space<hbm>>
      %dma_start3A_10 = arith.constant 0 : i32
      %dma_start3A_11 = arith.constant 0 : i32
      %dma_start3A_12 = tpu.memref_slice %arg2[%add3A, %dma_start3A_10, %dma_start3A_11] : memref<32x160x128xi32, #tpu.memory_space<hbm>> -> memref<1x160x128xi32, #tpu.memory_space<hbm>>
      %dma_start3A_13 = tpu.memref_squeeze %dma_start3A_12 : memref<1x160x128xi32, #tpu.memory_space<hbm>> -> memref<160x128xi32, #tpu.memory_space<hbm>>
      tpu.enqueue_dma source(%dma_start3A_13 : memref<160x128xi32, #tpu.memory_space<hbm>>) target(%arg6 : memref<160x128xi32, #tpu.memory_space<vmem>>) target_semaphore(%run_scoped3A : memref<!tpu.dma_semaphore, #tpu.memory_space<semaphore_mem>>)
      %dma_wait3A = arith.constant 0 : i32
      %dma_wait3A_14 = arith.constant 0 : i32
      %dma_wait3A_15 = tpu.memref_slice %arg2[%add3A, %dma_wait3A, %dma_wait3A_14] : memref<32x160x128xi32, #tpu.memory_space<hbm>> -> memref<1x160x128xi32, #tpu.memory_space<hbm>>
      %dma_wait3A_16 = tpu.memref_squeeze %dma_wait3A_15 : memref<1x160x128xi32, #tpu.memory_space<hbm>> -> memref<160x128xi32, #tpu.memory_space<hbm>>
      %dma_wait3A_17 = arith.constant 0 : i32
      %dma_wait3A_18 = arith.constant 0 : i32
      %dma_wait3A_19 = tpu.memref_slice %arg2[%add3A, %dma_wait3A_17, %dma_wait3A_18] : memref<32x160x128xi32, #tpu.memory_space<hbm>> -> memref<1x160x128xi32, #tpu.memory_space<hbm>>
      %dma_wait3A_20 = tpu.memref_squeeze %dma_wait3A_19 : memref<1x160x128xi32, #tpu.memory_space<hbm>> -> memref<160x128xi32, #tpu.memory_space<hbm>>
      tpu.wait_dma2 semaphore(%run_scoped3A : memref<!tpu.dma_semaphore, #tpu.memory_space<semaphore_mem>>) src(%dma_wait3A_20 : memref<160x128xi32, #tpu.memory_space<hbm>>) dst(%arg6 : memref<160x128xi32, #tpu.memory_space<vmem>>)
      tpu.yield
    }) : () -> ()
    %broadcast_in_dim3A = arith.constant 1.000000e+00 : f32
    %broadcast_in_dim3A_1 = vector.broadcast %broadcast_in_dim3A : f32 to vector<16xf32>
    %scan3A = arith.constant 0 : i32
    %scan3A_2 = arith.constant 0 : i32
    %scan3A_3 = arith.constant 1280 : i32
    %scan3A_4 = arith.addi %scan3A_2, %scan3A_3 : i32
    %scan3A_5 = arith.constant 1 : i32
    scf.for %scan3A_7 = %scan3A_2 to %scan3A_4 step %scan3A_5  : i32 {
      %jit3A = arith.constant 8 : i32
      %div3A = arith.divsi %scan3A_7, %jit3A : i32
      %sign3A = arith.constant 0 : i32
      %sign3A_8 = arith.cmpi sgt, %scan3A_7, %sign3A : i32
      %sign3A_9 = arith.extui %sign3A_8 : i1 to i32
      %sign3A_10 = arith.constant 0 : i32
      %sign3A_11 = arith.cmpi slt, %scan3A_7, %sign3A_10 : i32
      %sign3A_12 = arith.extui %sign3A_11 : i1 to i32
      %sign3A_13 = arith.subi %sign3A_9, %sign3A_12 : i32
      %sign3A_14 = arith.constant 0 : i32
      %sign3A_15 = arith.cmpi sgt, %jit3A, %sign3A_14 : i32
      %sign3A_16 = arith.extui %sign3A_15 : i1 to i32
      %sign3A_17 = arith.constant 0 : i32
      %sign3A_18 = arith.cmpi slt, %jit3A, %sign3A_17 : i32
      %sign3A_19 = arith.extui %sign3A_18 : i1 to i32
      %sign3A_20 = arith.subi %sign3A_16, %sign3A_19 : i32
      %ne3A = arith.cmpi ne, %sign3A_13, %sign3A_20 : i32
      %rem3A = arith.remsi %scan3A_7, %jit3A : i32
      %ne3A_21 = arith.constant 0 : i32
      %ne3A_22 = arith.cmpi ne, %rem3A, %ne3A_21 : i32
      %and3A = arith.andi %ne3A, %ne3A_22 : i1
      %sub3A = arith.constant 1 : i32
      %sub3A_23 = arith.subi %div3A, %sub3A : i32
      %select_n3A = arith.select %and3A, %sub3A_23, %div3A : i32
      %mul3A_24 = arith.constant 8 : i32
      %mul3A_25 = arith.muli %select_n3A, %mul3A_24 : i32
      %sub3A_26 = arith.subi %scan3A_7, %mul3A_25 : i32
      %mul3A_27 = arith.constant 16 : i32
      %mul3A_28 = arith.muli %sub3A_26, %mul3A_27 : i32
      %get3A = arith.index_cast %select_n3A : i32 to index
      %get3A_29 = arith.index_cast %mul3A_28 : i32 to index
      %get3A_30 = tpu.vector_load %arg6[%get3A, %get3A_29] {strides = array<i32>} : memref<160x128xi32, #tpu.memory_space<vmem>>, vector<16xi32>,
      tpu.vector_store_idx %arg5[%get3A_30], %broadcast_in_dim3A_1 {add = true} : memref<20480xf32, #tpu.memory_space<vmem>>[vector<16xi32>], vector<16xf32>,
    }
    %scan3A_6 = arith.constant 1280 : i32
    "tpu.region"() ({
      %run_scoped3A = tpu.sem_alloc : memref<!tpu.dma_semaphore, #tpu.memory_space<semaphore_mem>>
      %dma_start3A = arith.constant 0 : i32
      %dma_start3A_7 = tpu.memref_slice %arg4[%add3A, %dma_start3A] : memref<32x20480xf32, #tpu.memory_space<hbm>> -> memref<1x20480xf32, #tpu.memory_space<hbm>>
      %dma_start3A_8 = tpu.memref_squeeze %dma_start3A_7 : memref<1x20480xf32, #tpu.memory_space<hbm>> -> memref<20480xf32, #tpu.memory_space<hbm>>
      %dma_start3A_9 = arith.constant 0 : i32
      %dma_start3A_10 = tpu.memref_slice %arg4[%add3A, %dma_start3A_9] : memref<32x20480xf32, #tpu.memory_space<hbm>> -> memref<1x20480xf32, #tpu.memory_space<hbm>>
      %dma_start3A_11 = tpu.memref_squeeze %dma_start3A_10 : memref<1x20480xf32, #tpu.memory_space<hbm>> -> memref<20480xf32, #tpu.memory_space<hbm>>
      tpu.enqueue_dma source(%arg5 : memref<20480xf32, #tpu.memory_space<vmem>>) target(%dma_start3A_11 : memref<20480xf32, #tpu.memory_space<hbm>>) target_semaphore(%run_scoped3A : memref<!tpu.dma_semaphore, #tpu.memory_space<semaphore_mem>>)
      %dma_wait3A = arith.constant 0 : i32
      %dma_wait3A_12 = tpu.memref_slice %arg4[%add3A, %dma_wait3A] : memref<32x20480xf32, #tpu.memory_space<hbm>> -> memref<1x20480xf32, #tpu.memory_space<hbm>>
      %dma_wait3A_13 = tpu.memref_squeeze %dma_wait3A_12 : memref<1x20480xf32, #tpu.memory_space<hbm>> -> memref<20480xf32, #tpu.memory_space<hbm>>
      %dma_wait3A_14 = arith.constant 0 : i32
      %dma_wait3A_15 = tpu.memref_slice %arg4[%add3A, %dma_wait3A_14] : memref<32x20480xf32, #tpu.memory_space<hbm>> -> memref<1x20480xf32, #tpu.memory_space<hbm>>
      %dma_wait3A_16 = tpu.memref_squeeze %dma_wait3A_15 : memref<1x20480xf32, #tpu.memory_space<hbm>> -> memref<20480xf32, #tpu.memory_space<hbm>>
      tpu.wait_dma2 semaphore(%run_scoped3A : memref<!tpu.dma_semaphore, #tpu.memory_space<semaphore_mem>>) src(%arg5 : memref<20480xf32, #tpu.memory_space<vmem>>) dst(%dma_wait3A_16 : memref<20480xf32, #tpu.memory_space<hbm>>)
      tpu.yield
    }) : () -> ()
    return
  }
}

#map = affine_map<(d0, d1) -> (0, 0)>
#map1 = affine_map<(d0, d1) -> (0, 0, 0)>
module attributes {stable_mosaic.version = 14 : i64} {
  func.func @_agg_body(%arg0: i32, %arg1: i32, %arg2: memref<20000x128xbf16, #tpu.memory_space<hbm>>, %arg3: memref<5120x128xi32, #tpu.memory_space<hbm>>, %arg4: memref<5120x128xi32, #tpu.memory_space<hbm>>, %arg5: memref<2x20000x128xbf16, #tpu.memory_space<hbm>>, %arg6: memref<2x8x128xi32, #tpu.memory_space<vmem>>, %arg7: memref<2x8x128xi32, #tpu.memory_space<vmem>>, %arg8: memref<5x128x128xbf16, #tpu.memory_space<vmem>>, %arg9: memref<20480x128xbf16, #tpu.memory_space<vmem_shared>>, %arg10: memref<5x!tpu.dma_semaphore, #tpu.memory_space<semaphore_mem>>, %arg11: memref<5x!tpu.dma_semaphore, #tpu.memory_space<semaphore_mem>>, %arg12: memref<!tpu.dma_semaphore, #tpu.memory_space<semaphore_mem>>) attributes {dimension_semantics = [#tpu.dimension_semantics<core_parallel>, #tpu.dimension_semantics<subcore_parallel>], iteration_bounds = array<i64: 2, 16>, scalar_prefetch = 0 : i64, scratch_operands = 7 : i64, tpu.core_type = #tpu.core_type<sc_vector_subcore>, window_params = [{transform_indices = #map}, {transform_indices = #map}, {transform_indices = #map}, {transform_indices = #map1}]} {
    %eq3A = arith.constant 0 : i32
    %eq3A_0 = arith.cmpi eq, %arg0, %eq3A : i32
    %mul3A = arith.constant 160 : i32
    %mul3A_1 = arith.muli %arg1, %mul3A : i32
    %mul3A_2 = arith.constant 160 : i32
    %mul3A_3 = arith.muli %arg1, %mul3A_2 : i32
    %add3A = arith.constant 2560 : i32
    %add3A_4 = arith.addi %add3A, %mul3A_3 : i32
    %select_n3A = arith.select %eq3A_0, %mul3A_1, %add3A_4 : i32
    %eq3A_5 = arith.constant 0 : i32
    %eq3A_6 = arith.cmpi eq, %arg0, %eq3A_5 : i32
    %jit3A = arith.constant 160 : i32
    %jit3A_7 = arith.constant 160 : i32
    %select_n3A_8 = arith.select %eq3A_6, %jit3A, %jit3A_7 : i32
    %jit3A_9 = arith.constant 8 : i32
    %div3A = arith.divsi %select_n3A_8, %jit3A_9 : i32
    %sign3A = arith.constant 0 : i32
    %sign3A_10 = arith.cmpi sgt, %select_n3A_8, %sign3A : i32
    %sign3A_11 = arith.extui %sign3A_10 : i1 to i32
    %sign3A_12 = arith.constant 0 : i32
    %sign3A_13 = arith.cmpi slt, %select_n3A_8, %sign3A_12 : i32
    %sign3A_14 = arith.extui %sign3A_13 : i1 to i32
    %sign3A_15 = arith.subi %sign3A_11, %sign3A_14 : i32
    %sign3A_16 = arith.constant 0 : i32
    %sign3A_17 = arith.cmpi sgt, %jit3A_9, %sign3A_16 : i32
    %sign3A_18 = arith.extui %sign3A_17 : i1 to i32
    %sign3A_19 = arith.constant 0 : i32
    %sign3A_20 = arith.cmpi slt, %jit3A_9, %sign3A_19 : i32
    %sign3A_21 = arith.extui %sign3A_20 : i1 to i32
    %sign3A_22 = arith.subi %sign3A_18, %sign3A_21 : i32
    %ne3A = arith.cmpi ne, %sign3A_15, %sign3A_22 : i32
    %rem3A = arith.remsi %select_n3A_8, %jit3A_9 : i32
    %ne3A_23 = arith.constant 0 : i32
    %ne3A_24 = arith.cmpi ne, %rem3A, %ne3A_23 : i32
    %and3A = arith.andi %ne3A, %ne3A_24 : i1
    %sub3A = arith.constant 1 : i32
    %sub3A_25 = arith.subi %div3A, %sub3A : i32
    %select_n3A_26 = arith.select %and3A, %sub3A_25, %div3A : i32
    %broadcast_in_dim3A = arith.constant 0.000000e+00 : bf16
    %broadcast_in_dim3A_27 = vector.broadcast %broadcast_in_dim3A : bf16 to vector<32xbf16>
    %scan3A = arith.constant 0 : i32
    %scan3A_28 = arith.constant 0 : i32
    %scan3A_29 = arith.constant 512 : i32
    %scan3A_30 = arith.addi %scan3A_28, %scan3A_29 : i32
    %scan3A_31 = arith.constant 1 : i32
    scf.for %scan3A_207 = %scan3A_28 to %scan3A_30 step %scan3A_31  : i32 {
      %jit3A_208 = arith.constant 4 : i32
      %div3A_209 = arith.divsi %scan3A_207, %jit3A_208 : i32
      %sign3A_210 = arith.constant 0 : i32
      %sign3A_211 = arith.cmpi sgt, %scan3A_207, %sign3A_210 : i32
      %sign3A_212 = arith.extui %sign3A_211 : i1 to i32
      %sign3A_213 = arith.constant 0 : i32
      %sign3A_214 = arith.cmpi slt, %scan3A_207, %sign3A_213 : i32
      %sign3A_215 = arith.extui %sign3A_214 : i1 to i32
      %sign3A_216 = arith.subi %sign3A_212, %sign3A_215 : i32
      %sign3A_217 = arith.constant 0 : i32
      %sign3A_218 = arith.cmpi sgt, %jit3A_208, %sign3A_217 : i32
      %sign3A_219 = arith.extui %sign3A_218 : i1 to i32
      %sign3A_220 = arith.constant 0 : i32
      %sign3A_221 = arith.cmpi slt, %jit3A_208, %sign3A_220 : i32
      %sign3A_222 = arith.extui %sign3A_221 : i1 to i32
      %sign3A_223 = arith.subi %sign3A_219, %sign3A_222 : i32
      %ne3A_224 = arith.cmpi ne, %sign3A_216, %sign3A_223 : i32
      %rem3A_225 = arith.remsi %scan3A_207, %jit3A_208 : i32
      %ne3A_226 = arith.constant 0 : i32
      %ne3A_227 = arith.cmpi ne, %rem3A_225, %ne3A_226 : i32
      %and3A_228 = arith.andi %ne3A_224, %ne3A_227 : i1
      %sub3A_229 = arith.constant 1 : i32
      %sub3A_230 = arith.subi %div3A_209, %sub3A_229 : i32
      %select_n3A_231 = arith.select %and3A_228, %sub3A_230, %div3A_209 : i32
      %mul3A_232 = arith.constant 4 : i32
      %mul3A_233 = arith.muli %select_n3A_231, %mul3A_232 : i32
      %sub3A_234 = arith.subi %scan3A_207, %mul3A_233 : i32
      %mul3A_235 = arith.constant 32 : i32
      %mul3A_236 = arith.muli %sub3A_234, %mul3A_235 : i32
      %swap3A = arith.constant 0 : i32
      %swap3A_237 = arith.index_cast %swap3A : i32 to index
      %swap3A_238 = arith.index_cast %select_n3A_231 : i32 to index
      %swap3A_239 = arith.index_cast %mul3A_236 : i32 to index
      %swap3A_240 = tpu.vector_load %arg8[%swap3A_237, %swap3A_238, %swap3A_239] {strides = array<i32>} : memref<5x128x128xbf16, #tpu.memory_space<vmem>>, vector<32xbf16>,
      tpu.vector_store %arg8[%swap3A_237, %swap3A_238, %swap3A_239], %broadcast_in_dim3A_27 {strides = array<i32>} : memref<5x128x128xbf16, #tpu.memory_space<vmem>>, vector<32xbf16>,
    }
    %scan3A_32 = arith.constant 512 : i32
    %scan3A_33 = arith.constant 0 : i32
    %scan3A_34 = arith.constant 0 : i32
    %scan3A_35 = arith.constant 10 : i32
    %scan3A_36 = arith.addi %scan3A_34, %scan3A_35 : i32
    %scan3A_37 = arith.constant 1 : i32
    scf.for %scan3A_207 = %scan3A_34 to %scan3A_36 step %scan3A_37  : i32 {
      %mul3A_208 = arith.constant 1280 : i32
      %mul3A_209 = arith.muli %mul3A_208, %arg1 : i32
      %mul3A_210 = arith.constant 128 : i32
      %mul3A_211 = arith.muli %mul3A_210, %scan3A_207 : i32
      %add3A_212 = arith.addi %mul3A_209, %mul3A_211 : i32
      %run_scoped3A_213 = arith.constant 0 : i32
      "tpu.region"() ({
        %run_scoped3A_214 = tpu.sem_alloc : memref<!tpu.dma_semaphore, #tpu.memory_space<semaphore_mem>>
        %dma_start3A_215 = arith.constant 0 : i32
        %dma_start3A_216 = arith.constant 0 : i32
        %dma_start3A_217 = tpu.memref_slice %arg8[%run_scoped3A_213, %dma_start3A_215, %dma_start3A_216] : memref<5x128x128xbf16, #tpu.memory_space<vmem>> -> memref<1x128x128xbf16, #tpu.memory_space<vmem>>
        %dma_start3A_218 = tpu.memref_squeeze %dma_start3A_217 : memref<1x128x128xbf16, #tpu.memory_space<vmem>> -> memref<128x128xbf16, #tpu.memory_space<vmem>>
        %dma_start3A_219 = arith.constant 0 : i32
        %dma_start3A_220 = tpu.memref_slice %arg9[%add3A_212, %dma_start3A_219] : memref<20480x128xbf16, #tpu.memory_space<vmem_shared>> -> memref<128x128xbf16, #tpu.memory_space<vmem_shared>>
        %dma_start3A_221 = arith.constant 0 : i32
        %dma_start3A_222 = tpu.memref_slice %arg9[%add3A_212, %dma_start3A_221] : memref<20480x128xbf16, #tpu.memory_space<vmem_shared>> -> memref<128x128xbf16, #tpu.memory_space<vmem_shared>>
        %dma_start3A_223 = arith.constant 0 : i32
        %dma_start3A_224 = arith.constant 0 : i32
        %dma_start3A_225 = tpu.memref_slice %arg8[%run_scoped3A_213, %dma_start3A_223, %dma_start3A_224] : memref<5x128x128xbf16, #tpu.memory_space<vmem>> -> memref<1x128x128xbf16, #tpu.memory_space<vmem>>
        %dma_start3A_226 = tpu.memref_squeeze %dma_start3A_225 : memref<1x128x128xbf16, #tpu.memory_space<vmem>> -> memref<128x128xbf16, #tpu.memory_space<vmem>>
        tpu.enqueue_dma source(%dma_start3A_226 : memref<128x128xbf16, #tpu.memory_space<vmem>>) target(%dma_start3A_222 : memref<128x128xbf16, #tpu.memory_space<vmem_shared>>) target_semaphore(%run_scoped3A_214 : memref<!tpu.dma_semaphore, #tpu.memory_space<semaphore_mem>>)
        %dma_wait3A_227 = arith.constant 0 : i32
        %dma_wait3A_228 = arith.constant 0 : i32
        %dma_wait3A_229 = tpu.memref_slice %arg8[%run_scoped3A_213, %dma_wait3A_227, %dma_wait3A_228] : memref<5x128x128xbf16, #tpu.memory_space<vmem>> -> memref<1x128x128xbf16, #tpu.memory_space<vmem>>
        %dma_wait3A_230 = tpu.memref_squeeze %dma_wait3A_229 : memref<1x128x128xbf16, #tpu.memory_space<vmem>> -> memref<128x128xbf16, #tpu.memory_space<vmem>>
        %dma_wait3A_231 = arith.constant 0 : i32
        %dma_wait3A_232 = tpu.memref_slice %arg9[%add3A_212, %dma_wait3A_231] : memref<20480x128xbf16, #tpu.memory_space<vmem_shared>> -> memref<128x128xbf16, #tpu.memory_space<vmem_shared>>
        %dma_wait3A_233 = arith.constant 0 : i32
        %dma_wait3A_234 = tpu.memref_slice %arg9[%add3A_212, %dma_wait3A_233] : memref<20480x128xbf16, #tpu.memory_space<vmem_shared>> -> memref<128x128xbf16, #tpu.memory_space<vmem_shared>>
        %dma_wait3A_235 = arith.constant 0 : i32
        %dma_wait3A_236 = arith.constant 0 : i32
        %dma_wait3A_237 = tpu.memref_slice %arg8[%run_scoped3A_213, %dma_wait3A_235, %dma_wait3A_236] : memref<5x128x128xbf16, #tpu.memory_space<vmem>> -> memref<1x128x128xbf16, #tpu.memory_space<vmem>>
        %dma_wait3A_238 = tpu.memref_squeeze %dma_wait3A_237 : memref<1x128x128xbf16, #tpu.memory_space<vmem>> -> memref<128x128xbf16, #tpu.memory_space<vmem>>
        tpu.wait_dma2 semaphore(%run_scoped3A_214 : memref<!tpu.dma_semaphore, #tpu.memory_space<semaphore_mem>>) src(%dma_wait3A_238 : memref<128x128xbf16, #tpu.memory_space<vmem>>) dst(%dma_wait3A_234 : memref<128x128xbf16, #tpu.memory_space<vmem_shared>>)
        tpu.yield
      }) : () -> ()
    }
    %scan3A_38 = arith.constant 10 : i32
    %run_scoped3A = arith.constant 0 : i32
    "tpu.region"() ({
      %run_scoped3A_207 = tpu.sem_alloc : memref<!tpu.dma_semaphore, #tpu.memory_space<semaphore_mem>>
      %dma_start3A_208 = arith.constant 0 : i32
      %dma_start3A_209 = arith.constant 0 : i32
      %dma_start3A_210 = tpu.memref_slice %arg6[%run_scoped3A, %dma_start3A_208, %dma_start3A_209] : memref<2x8x128xi32, #tpu.memory_space<vmem>> -> memref<1x8x128xi32, #tpu.memory_space<vmem>>
      %dma_start3A_211 = tpu.memref_squeeze %dma_start3A_210 : memref<1x8x128xi32, #tpu.memory_space<vmem>> -> memref<8x128xi32, #tpu.memory_space<vmem>>
      %dma_start3A_212 = arith.constant 0 : i32
      %dma_start3A_213 = tpu.memref_slice %arg3[%select_n3A, %dma_start3A_212] : memref<5120x128xi32, #tpu.memory_space<hbm>> -> memref<8x128xi32, #tpu.memory_space<hbm>>
      %dma_start3A_214 = arith.constant 0 : i32
      %dma_start3A_215 = arith.constant 0 : i32
      %dma_start3A_216 = tpu.memref_slice %arg6[%run_scoped3A, %dma_start3A_214, %dma_start3A_215] : memref<2x8x128xi32, #tpu.memory_space<vmem>> -> memref<1x8x128xi32, #tpu.memory_space<vmem>>
      %dma_start3A_217 = tpu.memref_squeeze %dma_start3A_216 : memref<1x8x128xi32, #tpu.memory_space<vmem>> -> memref<8x128xi32, #tpu.memory_space<vmem>>
      %dma_start3A_218 = arith.constant 0 : i32
      %dma_start3A_219 = tpu.memref_slice %arg3[%select_n3A, %dma_start3A_218] : memref<5120x128xi32, #tpu.memory_space<hbm>> -> memref<8x128xi32, #tpu.memory_space<hbm>>
      tpu.enqueue_dma source(%dma_start3A_219 : memref<8x128xi32, #tpu.memory_space<hbm>>) target(%dma_start3A_217 : memref<8x128xi32, #tpu.memory_space<vmem>>) target_semaphore(%run_scoped3A_207 : memref<!tpu.dma_semaphore, #tpu.memory_space<semaphore_mem>>)
      %dma_wait3A_220 = arith.constant 0 : i32
      %dma_wait3A_221 = arith.constant 0 : i32
      %dma_wait3A_222 = tpu.memref_slice %arg6[%run_scoped3A, %dma_wait3A_220, %dma_wait3A_221] : memref<2x8x128xi32, #tpu.memory_space<vmem>> -> memref<1x8x128xi32, #tpu.memory_space<vmem>>
      %dma_wait3A_223 = tpu.memref_squeeze %dma_wait3A_222 : memref<1x8x128xi32, #tpu.memory_space<vmem>> -> memref<8x128xi32, #tpu.memory_space<vmem>>
      %dma_wait3A_224 = arith.constant 0 : i32
      %dma_wait3A_225 = tpu.memref_slice %arg3[%select_n3A, %dma_wait3A_224] : memref<5120x128xi32, #tpu.memory_space<hbm>> -> memref<8x128xi32, #tpu.memory_space<hbm>>
      %dma_wait3A_226 = arith.constant 0 : i32
      %dma_wait3A_227 = arith.constant 0 : i32
      %dma_wait3A_228 = tpu.memref_slice %arg6[%run_scoped3A, %dma_wait3A_226, %dma_wait3A_227] : memref<2x8x128xi32, #tpu.memory_space<vmem>> -> memref<1x8x128xi32, #tpu.memory_space<vmem>>
      %dma_wait3A_229 = tpu.memref_squeeze %dma_wait3A_228 : memref<1x8x128xi32, #tpu.memory_space<vmem>> -> memref<8x128xi32, #tpu.memory_space<vmem>>
      %dma_wait3A_230 = arith.constant 0 : i32
      %dma_wait3A_231 = tpu.memref_slice %arg3[%select_n3A, %dma_wait3A_230] : memref<5120x128xi32, #tpu.memory_space<hbm>> -> memref<8x128xi32, #tpu.memory_space<hbm>>
      tpu.wait_dma2 semaphore(%run_scoped3A_207 : memref<!tpu.dma_semaphore, #tpu.memory_space<semaphore_mem>>) src(%dma_wait3A_231 : memref<8x128xi32, #tpu.memory_space<hbm>>) dst(%dma_wait3A_229 : memref<8x128xi32, #tpu.memory_space<vmem>>)
      tpu.yield
    }) : () -> ()
    %run_scoped3A_39 = arith.constant 0 : i32
    "tpu.region"() ({
      %run_scoped3A_207 = tpu.sem_alloc : memref<!tpu.dma_semaphore, #tpu.memory_space<semaphore_mem>>
      %dma_start3A_208 = arith.constant 0 : i32
      %dma_start3A_209 = arith.constant 0 : i32
      %dma_start3A_210 = tpu.memref_slice %arg7[%run_scoped3A_39, %dma_start3A_208, %dma_start3A_209] : memref<2x8x128xi32, #tpu.memory_space<vmem>> -> memref<1x8x128xi32, #tpu.memory_space<vmem>>
      %dma_start3A_211 = tpu.memref_squeeze %dma_start3A_210 : memref<1x8x128xi32, #tpu.memory_space<vmem>> -> memref<8x128xi32, #tpu.memory_space<vmem>>
      %dma_start3A_212 = arith.constant 0 : i32
      %dma_start3A_213 = tpu.memref_slice %arg4[%select_n3A, %dma_start3A_212] : memref<5120x128xi32, #tpu.memory_space<hbm>> -> memref<8x128xi32, #tpu.memory_space<hbm>>
      %dma_start3A_214 = arith.constant 0 : i32
      %dma_start3A_215 = arith.constant 0 : i32
      %dma_start3A_216 = tpu.memref_slice %arg7[%run_scoped3A_39, %dma_start3A_214, %dma_start3A_215] : memref<2x8x128xi32, #tpu.memory_space<vmem>> -> memref<1x8x128xi32, #tpu.memory_space<vmem>>
      %dma_start3A_217 = tpu.memref_squeeze %dma_start3A_216 : memref<1x8x128xi32, #tpu.memory_space<vmem>> -> memref<8x128xi32, #tpu.memory_space<vmem>>
      %dma_start3A_218 = arith.constant 0 : i32
      %dma_start3A_219 = tpu.memref_slice %arg4[%select_n3A, %dma_start3A_218] : memref<5120x128xi32, #tpu.memory_space<hbm>> -> memref<8x128xi32, #tpu.memory_space<hbm>>
      tpu.enqueue_dma source(%dma_start3A_219 : memref<8x128xi32, #tpu.memory_space<hbm>>) target(%dma_start3A_217 : memref<8x128xi32, #tpu.memory_space<vmem>>) target_semaphore(%run_scoped3A_207 : memref<!tpu.dma_semaphore, #tpu.memory_space<semaphore_mem>>)
      %dma_wait3A_220 = arith.constant 0 : i32
      %dma_wait3A_221 = arith.constant 0 : i32
      %dma_wait3A_222 = tpu.memref_slice %arg7[%run_scoped3A_39, %dma_wait3A_220, %dma_wait3A_221] : memref<2x8x128xi32, #tpu.memory_space<vmem>> -> memref<1x8x128xi32, #tpu.memory_space<vmem>>
      %dma_wait3A_223 = tpu.memref_squeeze %dma_wait3A_222 : memref<1x8x128xi32, #tpu.memory_space<vmem>> -> memref<8x128xi32, #tpu.memory_space<vmem>>
      %dma_wait3A_224 = arith.constant 0 : i32
      %dma_wait3A_225 = tpu.memref_slice %arg4[%select_n3A, %dma_wait3A_224] : memref<5120x128xi32, #tpu.memory_space<hbm>> -> memref<8x128xi32, #tpu.memory_space<hbm>>
      %dma_wait3A_226 = arith.constant 0 : i32
      %dma_wait3A_227 = arith.constant 0 : i32
      %dma_wait3A_228 = tpu.memref_slice %arg7[%run_scoped3A_39, %dma_wait3A_226, %dma_wait3A_227] : memref<2x8x128xi32, #tpu.memory_space<vmem>> -> memref<1x8x128xi32, #tpu.memory_space<vmem>>
      %dma_wait3A_229 = tpu.memref_squeeze %dma_wait3A_228 : memref<1x8x128xi32, #tpu.memory_space<vmem>> -> memref<8x128xi32, #tpu.memory_space<vmem>>
      %dma_wait3A_230 = arith.constant 0 : i32
      %dma_wait3A_231 = tpu.memref_slice %arg4[%select_n3A, %dma_wait3A_230] : memref<5120x128xi32, #tpu.memory_space<hbm>> -> memref<8x128xi32, #tpu.memory_space<hbm>>
      tpu.wait_dma2 semaphore(%run_scoped3A_207 : memref<!tpu.dma_semaphore, #tpu.memory_space<semaphore_mem>>) src(%dma_wait3A_231 : memref<8x128xi32, #tpu.memory_space<hbm>>) dst(%dma_wait3A_229 : memref<8x128xi32, #tpu.memory_space<vmem>>)
      tpu.yield
    }) : () -> ()
    %barrier3A = arith.constant 0 : index
    tpu.barrier barrier_id(%barrier3A)
    %dma_start3A = arith.constant 0 : i32
    %dma_start3A_40 = arith.constant 0 : i32
    %dma_start3A_41 = arith.constant 0 : i32
    %dma_start3A_42 = arith.constant 0 : i32
    %dma_start3A_43 = arith.constant 0 : i32
    %dma_start3A_44 = arith.constant 0 : i32
    %dma_start3A_45 = tpu.memref_slice %arg8[%dma_start3A_41, %dma_start3A_43, %dma_start3A_44] : memref<5x128x128xbf16, #tpu.memory_space<vmem>> -> memref<1x128x128xbf16, #tpu.memory_space<vmem>>
    %dma_start3A_46 = tpu.memref_squeeze %dma_start3A_45 : memref<1x128x128xbf16, #tpu.memory_space<vmem>> -> memref<128x128xbf16, #tpu.memory_space<vmem>>
    %dma_start3A_47 = arith.constant 0 : i32
    %dma_start3A_48 = tpu.memref_slice %arg6[%dma_start3A, %dma_start3A_40, %dma_start3A_47] : memref<2x8x128xi32, #tpu.memory_space<vmem>> -> memref<1x1x128xi32, #tpu.memory_space<vmem>>
    %dma_start3A_49 = tpu.memref_squeeze %dma_start3A_48 : memref<1x1x128xi32, #tpu.memory_space<vmem>> -> memref<128xi32, #tpu.memory_space<vmem>>
    %dma_start3A_50 = arith.constant 0 : i32
    %dma_start3A_51 = arith.constant 0 : i32
    %dma_start3A_52 = tpu.memref_slice %arg2[%dma_start3A_50, %dma_start3A_51] : memref<20000x128xbf16, #tpu.memory_space<hbm>> -> memref<20000x128xbf16, #tpu.memory_space<hbm>>
    %dma_start3A_53 = tpu.memref_slice %arg10[%dma_start3A_42] : memref<5x!tpu.dma_semaphore, #tpu.memory_space<semaphore_mem>> -> memref<1x!tpu.dma_semaphore, #tpu.memory_space<semaphore_mem>>
    %dma_start3A_54 = tpu.memref_squeeze %dma_start3A_53 : memref<1x!tpu.dma_semaphore, #tpu.memory_space<semaphore_mem>> -> memref<!tpu.dma_semaphore, #tpu.memory_space<semaphore_mem>>
    tpu.enqueue_indirect_dma source(%dma_start3A_52 : memref<20000x128xbf16, #tpu.memory_space<hbm>>) target(%dma_start3A_46 : memref<128x128xbf16, #tpu.memory_space<vmem>>) offsets(%dma_start3A_49 : memref<128xi32, #tpu.memory_space<vmem>>) semaphore(%dma_start3A_54 : memref<!tpu.dma_semaphore, #tpu.memory_space<semaphore_mem>>)
    %dma_start3A_55 = arith.constant 0 : i32
    %dma_start3A_56 = arith.constant 1 : i32
    %dma_start3A_57 = arith.constant 1 : i32
    %dma_start3A_58 = arith.constant 1 : i32
    %dma_start3A_59 = arith.constant 0 : i32
    %dma_start3A_60 = arith.constant 0 : i32
    %dma_start3A_61 = tpu.memref_slice %arg8[%dma_start3A_57, %dma_start3A_59, %dma_start3A_60] : memref<5x128x128xbf16, #tpu.memory_space<vmem>> -> memref<1x128x128xbf16, #tpu.memory_space<vmem>>
    %dma_start3A_62 = tpu.memref_squeeze %dma_start3A_61 : memref<1x128x128xbf16, #tpu.memory_space<vmem>> -> memref<128x128xbf16, #tpu.memory_space<vmem>>
    %dma_start3A_63 = arith.constant 0 : i32
    %dma_start3A_64 = tpu.memref_slice %arg6[%dma_start3A_55, %dma_start3A_56, %dma_start3A_63] : memref<2x8x128xi32, #tpu.memory_space<vmem>> -> memref<1x1x128xi32, #tpu.memory_space<vmem>>
    %dma_start3A_65 = tpu.memref_squeeze %dma_start3A_64 : memref<1x1x128xi32, #tpu.memory_space<vmem>> -> memref<128xi32, #tpu.memory_space<vmem>>
    %dma_start3A_66 = arith.constant 0 : i32
    %dma_start3A_67 = arith.constant 0 : i32
    %dma_start3A_68 = tpu.memref_slice %arg2[%dma_start3A_66, %dma_start3A_67] : memref<20000x128xbf16, #tpu.memory_space<hbm>> -> memref<20000x128xbf16, #tpu.memory_space<hbm>>
    %dma_start3A_69 = tpu.memref_slice %arg10[%dma_start3A_58] : memref<5x!tpu.dma_semaphore, #tpu.memory_space<semaphore_mem>> -> memref<1x!tpu.dma_semaphore, #tpu.memory_space<semaphore_mem>>
    %dma_start3A_70 = tpu.memref_squeeze %dma_start3A_69 : memref<1x!tpu.dma_semaphore, #tpu.memory_space<semaphore_mem>> -> memref<!tpu.dma_semaphore, #tpu.memory_space<semaphore_mem>>
    tpu.enqueue_indirect_dma source(%dma_start3A_68 : memref<20000x128xbf16, #tpu.memory_space<hbm>>) target(%dma_start3A_62 : memref<128x128xbf16, #tpu.memory_space<vmem>>) offsets(%dma_start3A_65 : memref<128xi32, #tpu.memory_space<vmem>>) semaphore(%dma_start3A_70 : memref<!tpu.dma_semaphore, #tpu.memory_space<semaphore_mem>>)
    %dma_start3A_71 = arith.constant 0 : i32
    %dma_start3A_72 = arith.constant 2 : i32
    %dma_start3A_73 = arith.constant 2 : i32
    %dma_start3A_74 = arith.constant 2 : i32
    %dma_start3A_75 = arith.constant 0 : i32
    %dma_start3A_76 = arith.constant 0 : i32
    %dma_start3A_77 = tpu.memref_slice %arg8[%dma_start3A_73, %dma_start3A_75, %dma_start3A_76] : memref<5x128x128xbf16, #tpu.memory_space<vmem>> -> memref<1x128x128xbf16, #tpu.memory_space<vmem>>
    %dma_start3A_78 = tpu.memref_squeeze %dma_start3A_77 : memref<1x128x128xbf16, #tpu.memory_space<vmem>> -> memref<128x128xbf16, #tpu.memory_space<vmem>>
    %dma_start3A_79 = arith.constant 0 : i32
    %dma_start3A_80 = tpu.memref_slice %arg6[%dma_start3A_71, %dma_start3A_72, %dma_start3A_79] : memref<2x8x128xi32, #tpu.memory_space<vmem>> -> memref<1x1x128xi32, #tpu.memory_space<vmem>>
    %dma_start3A_81 = tpu.memref_squeeze %dma_start3A_80 : memref<1x1x128xi32, #tpu.memory_space<vmem>> -> memref<128xi32, #tpu.memory_space<vmem>>
    %dma_start3A_82 = arith.constant 0 : i32
    %dma_start3A_83 = arith.constant 0 : i32
    %dma_start3A_84 = tpu.memref_slice %arg2[%dma_start3A_82, %dma_start3A_83] : memref<20000x128xbf16, #tpu.memory_space<hbm>> -> memref<20000x128xbf16, #tpu.memory_space<hbm>>
    %dma_start3A_85 = tpu.memref_slice %arg10[%dma_start3A_74] : memref<5x!tpu.dma_semaphore, #tpu.memory_space<semaphore_mem>> -> memref<1x!tpu.dma_semaphore, #tpu.memory_space<semaphore_mem>>
    %dma_start3A_86 = tpu.memref_squeeze %dma_start3A_85 : memref<1x!tpu.dma_semaphore, #tpu.memory_space<semaphore_mem>> -> memref<!tpu.dma_semaphore, #tpu.memory_space<semaphore_mem>>
    tpu.enqueue_indirect_dma source(%dma_start3A_84 : memref<20000x128xbf16, #tpu.memory_space<hbm>>) target(%dma_start3A_78 : memref<128x128xbf16, #tpu.memory_space<vmem>>) offsets(%dma_start3A_81 : memref<128xi32, #tpu.memory_space<vmem>>) semaphore(%dma_start3A_86 : memref<!tpu.dma_semaphore, #tpu.memory_space<semaphore_mem>>)
    %dma_start3A_87 = arith.constant 0 : i32
    %dma_start3A_88 = arith.constant 3 : i32
    %dma_start3A_89 = arith.constant 3 : i32
    %dma_start3A_90 = arith.constant 3 : i32
    %dma_start3A_91 = arith.constant 0 : i32
    %dma_start3A_92 = arith.constant 0 : i32
    %dma_start3A_93 = tpu.memref_slice %arg8[%dma_start3A_89, %dma_start3A_91, %dma_start3A_92] : memref<5x128x128xbf16, #tpu.memory_space<vmem>> -> memref<1x128x128xbf16, #tpu.memory_space<vmem>>
    %dma_start3A_94 = tpu.memref_squeeze %dma_start3A_93 : memref<1x128x128xbf16, #tpu.memory_space<vmem>> -> memref<128x128xbf16, #tpu.memory_space<vmem>>
    %dma_start3A_95 = arith.constant 0 : i32
    %dma_start3A_96 = tpu.memref_slice %arg6[%dma_start3A_87, %dma_start3A_88, %dma_start3A_95] : memref<2x8x128xi32, #tpu.memory_space<vmem>> -> memref<1x1x128xi32, #tpu.memory_space<vmem>>
    %dma_start3A_97 = tpu.memref_squeeze %dma_start3A_96 : memref<1x1x128xi32, #tpu.memory_space<vmem>> -> memref<128xi32, #tpu.memory_space<vmem>>
    %dma_start3A_98 = arith.constant 0 : i32
    %dma_start3A_99 = arith.constant 0 : i32
    %dma_start3A_100 = tpu.memref_slice %arg2[%dma_start3A_98, %dma_start3A_99] : memref<20000x128xbf16, #tpu.memory_space<hbm>> -> memref<20000x128xbf16, #tpu.memory_space<hbm>>
    %dma_start3A_101 = tpu.memref_slice %arg10[%dma_start3A_90] : memref<5x!tpu.dma_semaphore, #tpu.memory_space<semaphore_mem>> -> memref<1x!tpu.dma_semaphore, #tpu.memory_space<semaphore_mem>>
    %dma_start3A_102 = tpu.memref_squeeze %dma_start3A_101 : memref<1x!tpu.dma_semaphore, #tpu.memory_space<semaphore_mem>> -> memref<!tpu.dma_semaphore, #tpu.memory_space<semaphore_mem>>
    tpu.enqueue_indirect_dma source(%dma_start3A_100 : memref<20000x128xbf16, #tpu.memory_space<hbm>>) target(%dma_start3A_94 : memref<128x128xbf16, #tpu.memory_space<vmem>>) offsets(%dma_start3A_97 : memref<128xi32, #tpu.memory_space<vmem>>) semaphore(%dma_start3A_102 : memref<!tpu.dma_semaphore, #tpu.memory_space<semaphore_mem>>)
    %while3A = arith.constant 0 : i32
    %while3A_103 = arith.constant 0 : i32
    %while3A_104 = arith.subi %select_n3A_8, %while3A_103 : i32
    %while3A_105 = arith.addi %while3A_103, %while3A_104 : i32
    %while3A_106 = arith.constant 1 : i32
    %while3A_107 = arith.divsi %while3A_104, %while3A_106 : i32
    %while3A_108 = arith.muli %while3A_107, %while3A_106 : i32
    %while3A_109 = arith.addi %while3A_103, %while3A_108 : i32
    %while3A_110 = arith.constant 1 : i32
    scf.for %while3A_207 = %while3A_103 to %while3A_109 step %while3A_110  : i32 {
      %jit3A_208 = arith.constant 8 : i32
      %div3A_209 = arith.divsi %while3A_207, %jit3A_208 : i32
      %sign3A_210 = arith.constant 0 : i32
      %sign3A_211 = arith.cmpi sgt, %while3A_207, %sign3A_210 : i32
      %sign3A_212 = arith.extui %sign3A_211 : i1 to i32
      %sign3A_213 = arith.constant 0 : i32
      %sign3A_214 = arith.cmpi slt, %while3A_207, %sign3A_213 : i32
      %sign3A_215 = arith.extui %sign3A_214 : i1 to i32
      %sign3A_216 = arith.subi %sign3A_212, %sign3A_215 : i32
      %sign3A_217 = arith.constant 0 : i32
      %sign3A_218 = arith.cmpi sgt, %jit3A_208, %sign3A_217 : i32
      %sign3A_219 = arith.extui %sign3A_218 : i1 to i32
      %sign3A_220 = arith.constant 0 : i32
      %sign3A_221 = arith.cmpi slt, %jit3A_208, %sign3A_220 : i32
      %sign3A_222 = arith.extui %sign3A_221 : i1 to i32
      %sign3A_223 = arith.subi %sign3A_219, %sign3A_222 : i32
      %ne3A_224 = arith.cmpi ne, %sign3A_216, %sign3A_223 : i32
      %rem3A_225 = arith.remsi %while3A_207, %jit3A_208 : i32
      %ne3A_226 = arith.constant 0 : i32
      %ne3A_227 = arith.cmpi ne, %rem3A_225, %ne3A_226 : i32
      %and3A_228 = arith.andi %ne3A_224, %ne3A_227 : i1
      %sub3A_229 = arith.constant 1 : i32
      %sub3A_230 = arith.subi %div3A_209, %sub3A_229 : i32
      %select_n3A_231 = arith.select %and3A_228, %sub3A_230, %div3A_209 : i32
      %jit3A_232 = arith.constant 5 : i32
      %eq3A_233 = arith.constant 0 : i32
      %eq3A_234 = arith.cmpi eq, %jit3A_232, %eq3A_233 : i32
      %jit3A_235 = arith.constant 1 : i32
      %select_n3A_236 = arith.select %eq3A_234, %jit3A_235, %jit3A_232 : i32
      %rem3A_237 = arith.remsi %while3A_207, %select_n3A_236 : i32
      %ne3A_238 = arith.constant 0 : i32
      %ne3A_239 = arith.cmpi ne, %rem3A_237, %ne3A_238 : i32
      %lt3A_240 = arith.constant 0 : i32
      %lt3A_241 = arith.cmpi slt, %rem3A_237, %lt3A_240 : i32
      %lt3A_242 = arith.constant 0 : i32
      %lt3A_243 = arith.cmpi slt, %select_n3A_236, %lt3A_242 : i32
      %ne3A_244 = arith.xori %lt3A_241, %lt3A_243 : i1
      %and3A_245 = arith.andi %ne3A_244, %ne3A_239 : i1
      %add3A_246 = arith.addi %rem3A_237, %select_n3A_236 : i32
      %select_n3A_247 = arith.select %and3A_245, %add3A_246, %rem3A_237 : i32
      %jit3A_248 = arith.constant 2 : i32
      %eq3A_249 = arith.constant 0 : i32
      %eq3A_250 = arith.cmpi eq, %jit3A_248, %eq3A_249 : i32
      %jit3A_251 = arith.constant 1 : i32
      %select_n3A_252 = arith.select %eq3A_250, %jit3A_251, %jit3A_248 : i32
      %rem3A_253 = arith.remsi %select_n3A_231, %select_n3A_252 : i32
      %ne3A_254 = arith.constant 0 : i32
      %ne3A_255 = arith.cmpi ne, %rem3A_253, %ne3A_254 : i32
      %lt3A_256 = arith.constant 0 : i32
      %lt3A_257 = arith.cmpi slt, %rem3A_253, %lt3A_256 : i32
      %lt3A_258 = arith.constant 0 : i32
      %lt3A_259 = arith.cmpi slt, %select_n3A_252, %lt3A_258 : i32
      %ne3A_260 = arith.xori %lt3A_257, %lt3A_259 : i1
      %and3A_261 = arith.andi %ne3A_260, %ne3A_255 : i1
      %add3A_262 = arith.addi %rem3A_253, %select_n3A_252 : i32
      %select_n3A_263 = arith.select %and3A_261, %add3A_262, %rem3A_253 : i32
      %mul3A_264 = arith.constant 8 : i32
      %mul3A_265 = arith.muli %select_n3A_231, %mul3A_264 : i32
      %sub3A_266 = arith.subi %while3A_207, %mul3A_265 : i32
      %dma_wait3A_267 = arith.constant 0 : i32
      %dma_wait3A_268 = arith.constant 0 : i32
      %dma_wait3A_269 = tpu.memref_slice %arg8[%select_n3A_247, %dma_wait3A_267, %dma_wait3A_268] : memref<5x128x128xbf16, #tpu.memory_space<vmem>> -> memref<1x128x128xbf16, #tpu.memory_space<vmem>>
      %dma_wait3A_270 = tpu.memref_squeeze %dma_wait3A_269 : memref<1x128x128xbf16, #tpu.memory_space<vmem>> -> memref<128x128xbf16, #tpu.memory_space<vmem>>
      %dma_wait3A_271 = arith.constant 0 : i32
      %dma_wait3A_272 = tpu.memref_slice %arg6[%select_n3A_263, %sub3A_266, %dma_wait3A_271] : memref<2x8x128xi32, #tpu.memory_space<vmem>> -> memref<1x1x128xi32, #tpu.memory_space<vmem>>
      %dma_wait3A_273 = tpu.memref_squeeze %dma_wait3A_272 : memref<1x1x128xi32, #tpu.memory_space<vmem>> -> memref<128xi32, #tpu.memory_space<vmem>>
      %dma_wait3A_274 = arith.constant 0 : i32
      %dma_wait3A_275 = arith.constant 0 : i32
      %dma_wait3A_276 = tpu.memref_slice %arg2[%dma_wait3A_274, %dma_wait3A_275] : memref<20000x128xbf16, #tpu.memory_space<hbm>> -> memref<20000x128xbf16, #tpu.memory_space<hbm>>
      %dma_wait3A_277 = tpu.memref_slice %arg10[%select_n3A_247] : memref<5x!tpu.dma_semaphore, #tpu.memory_space<semaphore_mem>> -> memref<1x!tpu.dma_semaphore, #tpu.memory_space<semaphore_mem>>
      %dma_wait3A_278 = tpu.memref_squeeze %dma_wait3A_277 : memref<1x!tpu.dma_semaphore, #tpu.memory_space<semaphore_mem>> -> memref<!tpu.dma_semaphore, #tpu.memory_space<semaphore_mem>>
      tpu.wait_indirect_dma semaphore(%dma_wait3A_278 : memref<!tpu.dma_semaphore, #tpu.memory_space<semaphore_mem>>) src(%dma_wait3A_276 : memref<20000x128xbf16, #tpu.memory_space<hbm>>) dst(%dma_wait3A_270 : memref<128x128xbf16, #tpu.memory_space<vmem>>)
      %dma_start3A_279 = arith.constant 0 : i32
      %dma_start3A_280 = arith.constant 0 : i32
      %dma_start3A_281 = tpu.memref_slice %arg8[%select_n3A_247, %dma_start3A_279, %dma_start3A_280] : memref<5x128x128xbf16, #tpu.memory_space<vmem>> -> memref<1x128x128xbf16, #tpu.memory_space<vmem>>
      %dma_start3A_282 = tpu.memref_squeeze %dma_start3A_281 : memref<1x128x128xbf16, #tpu.memory_space<vmem>> -> memref<128x128xbf16, #tpu.memory_space<vmem>>
      %dma_start3A_283 = arith.constant 0 : i32
      %dma_start3A_284 = tpu.memref_slice %arg7[%select_n3A_263, %sub3A_266, %dma_start3A_283] : memref<2x8x128xi32, #tpu.memory_space<vmem>> -> memref<1x1x128xi32, #tpu.memory_space<vmem>>
      %dma_start3A_285 = tpu.memref_squeeze %dma_start3A_284 : memref<1x1x128xi32, #tpu.memory_space<vmem>> -> memref<128xi32, #tpu.memory_space<vmem>>
      %dma_start3A_286 = arith.constant 0 : i32
      %dma_start3A_287 = arith.constant 0 : i32
      %dma_start3A_288 = tpu.memref_slice %arg9[%dma_start3A_286, %dma_start3A_287] : memref<20480x128xbf16, #tpu.memory_space<vmem_shared>> -> memref<20480x128xbf16, #tpu.memory_space<vmem_shared>>
      %dma_start3A_289 = tpu.memref_slice %arg11[%select_n3A_247] : memref<5x!tpu.dma_semaphore, #tpu.memory_space<semaphore_mem>> -> memref<1x!tpu.dma_semaphore, #tpu.memory_space<semaphore_mem>>
      %dma_start3A_290 = tpu.memref_squeeze %dma_start3A_289 : memref<1x!tpu.dma_semaphore, #tpu.memory_space<semaphore_mem>> -> memref<!tpu.dma_semaphore, #tpu.memory_space<semaphore_mem>>
      tpu.enqueue_indirect_dma source(%dma_start3A_282 : memref<128x128xbf16, #tpu.memory_space<vmem>>) target(%dma_start3A_288 : memref<20480x128xbf16, #tpu.memory_space<vmem_shared>>) offsets(%dma_start3A_285 : memref<128xi32, #tpu.memory_space<vmem>>) semaphore(%dma_start3A_290 : memref<!tpu.dma_semaphore, #tpu.memory_space<semaphore_mem>>) {add = true}
      %gt3A = arith.constant 0 : i32
      %gt3A_291 = arith.cmpi sgt, %while3A_207, %gt3A : i32
      %convert_element_type3A_292 = arith.extui %gt3A_291 : i1 to i32
      %cond3A_293 = arith.constant 0 : i32
      %cond3A_294 = arith.cmpi ne, %convert_element_type3A_292, %cond3A_293 : i32
      scf.if %cond3A_294 {
        %sub3A_321 = arith.constant 1 : i32
        %sub3A_322 = arith.subi %while3A_207, %sub3A_321 : i32
        %jit3A_323 = arith.constant 8 : i32
        %div3A_324 = arith.divsi %sub3A_322, %jit3A_323 : i32
        %sign3A_325 = arith.constant 0 : i32
        %sign3A_326 = arith.cmpi sgt, %sub3A_322, %sign3A_325 : i32
        %sign3A_327 = arith.extui %sign3A_326 : i1 to i32
        %sign3A_328 = arith.constant 0 : i32
        %sign3A_329 = arith.cmpi slt, %sub3A_322, %sign3A_328 : i32
        %sign3A_330 = arith.extui %sign3A_329 : i1 to i32
        %sign3A_331 = arith.subi %sign3A_327, %sign3A_330 : i32
        %sign3A_332 = arith.constant 0 : i32
        %sign3A_333 = arith.cmpi sgt, %jit3A_323, %sign3A_332 : i32
        %sign3A_334 = arith.extui %sign3A_333 : i1 to i32
        %sign3A_335 = arith.constant 0 : i32
        %sign3A_336 = arith.cmpi slt, %jit3A_323, %sign3A_335 : i32
        %sign3A_337 = arith.extui %sign3A_336 : i1 to i32
        %sign3A_338 = arith.subi %sign3A_334, %sign3A_337 : i32
        %ne3A_339 = arith.cmpi ne, %sign3A_331, %sign3A_338 : i32
        %rem3A_340 = arith.remsi %sub3A_322, %jit3A_323 : i32
        %ne3A_341 = arith.constant 0 : i32
        %ne3A_342 = arith.cmpi ne, %rem3A_340, %ne3A_341 : i32
        %and3A_343 = arith.andi %ne3A_339, %ne3A_342 : i1
        %sub3A_344 = arith.constant 1 : i32
        %sub3A_345 = arith.subi %div3A_324, %sub3A_344 : i32
        %select_n3A_346 = arith.select %and3A_343, %sub3A_345, %div3A_324 : i32
        %jit3A_347 = arith.constant 5 : i32
        %eq3A_348 = arith.constant 0 : i32
        %eq3A_349 = arith.cmpi eq, %jit3A_347, %eq3A_348 : i32
        %jit3A_350 = arith.constant 1 : i32
        %select_n3A_351 = arith.select %eq3A_349, %jit3A_350, %jit3A_347 : i32
        %rem3A_352 = arith.remsi %sub3A_322, %select_n3A_351 : i32
        %ne3A_353 = arith.constant 0 : i32
        %ne3A_354 = arith.cmpi ne, %rem3A_352, %ne3A_353 : i32
        %lt3A_355 = arith.constant 0 : i32
        %lt3A_356 = arith.cmpi slt, %rem3A_352, %lt3A_355 : i32
        %lt3A_357 = arith.constant 0 : i32
        %lt3A_358 = arith.cmpi slt, %select_n3A_351, %lt3A_357 : i32
        %ne3A_359 = arith.xori %lt3A_356, %lt3A_358 : i1
        %and3A_360 = arith.andi %ne3A_359, %ne3A_354 : i1
        %add3A_361 = arith.addi %rem3A_352, %select_n3A_351 : i32
        %select_n3A_362 = arith.select %and3A_360, %add3A_361, %rem3A_352 : i32
        %jit3A_363 = arith.constant 2 : i32
        %eq3A_364 = arith.constant 0 : i32
        %eq3A_365 = arith.cmpi eq, %jit3A_363, %eq3A_364 : i32
        %jit3A_366 = arith.constant 1 : i32
        %select_n3A_367 = arith.select %eq3A_365, %jit3A_366, %jit3A_363 : i32
        %rem3A_368 = arith.remsi %select_n3A_346, %select_n3A_367 : i32
        %ne3A_369 = arith.constant 0 : i32
        %ne3A_370 = arith.cmpi ne, %rem3A_368, %ne3A_369 : i32
        %lt3A_371 = arith.constant 0 : i32
        %lt3A_372 = arith.cmpi slt, %rem3A_368, %lt3A_371 : i32
        %lt3A_373 = arith.constant 0 : i32
        %lt3A_374 = arith.cmpi slt, %select_n3A_367, %lt3A_373 : i32
        %ne3A_375 = arith.xori %lt3A_372, %lt3A_374 : i1
        %and3A_376 = arith.andi %ne3A_375, %ne3A_370 : i1
        %add3A_377 = arith.addi %rem3A_368, %select_n3A_367 : i32
        %select_n3A_378 = arith.select %and3A_376, %add3A_377, %rem3A_368 : i32
        %mul3A_379 = arith.constant 8 : i32
        %mul3A_380 = arith.muli %select_n3A_346, %mul3A_379 : i32
        %sub3A_381 = arith.subi %sub3A_322, %mul3A_380 : i32
        %dma_wait3A_382 = arith.constant 0 : i32
        %dma_wait3A_383 = arith.constant 0 : i32
        %dma_wait3A_384 = tpu.memref_slice %arg8[%select_n3A_362, %dma_wait3A_382, %dma_wait3A_383] : memref<5x128x128xbf16, #tpu.memory_space<vmem>> -> memref<1x128x128xbf16, #tpu.memory_space<vmem>>
        %dma_wait3A_385 = tpu.memref_squeeze %dma_wait3A_384 : memref<1x128x128xbf16, #tpu.memory_space<vmem>> -> memref<128x128xbf16, #tpu.memory_space<vmem>>
        %dma_wait3A_386 = arith.constant 0 : i32
        %dma_wait3A_387 = tpu.memref_slice %arg7[%select_n3A_378, %sub3A_381, %dma_wait3A_386] : memref<2x8x128xi32, #tpu.memory_space<vmem>> -> memref<1x1x128xi32, #tpu.memory_space<vmem>>
        %dma_wait3A_388 = tpu.memref_squeeze %dma_wait3A_387 : memref<1x1x128xi32, #tpu.memory_space<vmem>> -> memref<128xi32, #tpu.memory_space<vmem>>
        %dma_wait3A_389 = arith.constant 0 : i32
        %dma_wait3A_390 = arith.constant 0 : i32
        %dma_wait3A_391 = tpu.memref_slice %arg9[%dma_wait3A_389, %dma_wait3A_390] : memref<20480x128xbf16, #tpu.memory_space<vmem_shared>> -> memref<20480x128xbf16, #tpu.memory_space<vmem_shared>>
        %dma_wait3A_392 = tpu.memref_slice %arg11[%select_n3A_362] : memref<5x!tpu.dma_semaphore, #tpu.memory_space<semaphore_mem>> -> memref<1x!tpu.dma_semaphore, #tpu.memory_space<semaphore_mem>>
        %dma_wait3A_393 = tpu.memref_squeeze %dma_wait3A_392 : memref<1x!tpu.dma_semaphore, #tpu.memory_space<semaphore_mem>> -> memref<!tpu.dma_semaphore, #tpu.memory_space<semaphore_mem>>
        tpu.wait_indirect_dma semaphore(%dma_wait3A_393 : memref<!tpu.dma_semaphore, #tpu.memory_space<semaphore_mem>>) src(%dma_wait3A_385 : memref<128x128xbf16, #tpu.memory_space<vmem>>) dst(%dma_wait3A_391 : memref<20480x128xbf16, #tpu.memory_space<vmem_shared>>)
      } else {
      }
      %eq3A_295 = arith.constant 0 : i32
      %eq3A_296 = arith.cmpi eq, %sub3A_266, %eq3A_295 : i32
      %add3A_297 = arith.constant 1 : i32
      %add3A_298 = arith.addi %select_n3A_231, %add3A_297 : i32
      %lt3A_299 = arith.cmpi slt, %add3A_298, %select_n3A_26 : i32
      %and3A_300 = arith.andi %eq3A_296, %lt3A_299 : i1
      %convert_element_type3A_301 = arith.extui %and3A_300 : i1 to i32
      %cond3A_302 = arith.constant 0 : i32
      %cond3A_303 = arith.cmpi ne, %convert_element_type3A_301, %cond3A_302 : i32
      scf.if %cond3A_303 {
        %add3A_321 = arith.constant 1 : i32
        %add3A_322 = arith.addi %select_n3A_231, %add3A_321 : i32
        %jit3A_323 = arith.constant 2 : i32
        %eq3A_324 = arith.constant 0 : i32
        %eq3A_325 = arith.cmpi eq, %jit3A_323, %eq3A_324 : i32
        %jit3A_326 = arith.constant 1 : i32
        %select_n3A_327 = arith.select %eq3A_325, %jit3A_326, %jit3A_323 : i32
        %rem3A_328 = arith.remsi %add3A_322, %select_n3A_327 : i32
        %ne3A_329 = arith.constant 0 : i32
        %ne3A_330 = arith.cmpi ne, %rem3A_328, %ne3A_329 : i32
        %lt3A_331 = arith.constant 0 : i32
        %lt3A_332 = arith.cmpi slt, %rem3A_328, %lt3A_331 : i32
        %lt3A_333 = arith.constant 0 : i32
        %lt3A_334 = arith.cmpi slt, %select_n3A_327, %lt3A_333 : i32
        %ne3A_335 = arith.xori %lt3A_332, %lt3A_334 : i1
        %and3A_336 = arith.andi %ne3A_335, %ne3A_330 : i1
        %add3A_337 = arith.addi %rem3A_328, %select_n3A_327 : i32
        %select_n3A_338 = arith.select %and3A_336, %add3A_337, %rem3A_328 : i32
        %add3A_339 = arith.constant 1 : i32
        %add3A_340 = arith.addi %select_n3A_231, %add3A_339 : i32
        %mul3A_341 = arith.constant 8 : i32
        %mul3A_342 = arith.muli %mul3A_341, %add3A_340 : i32
        %add3A_343 = arith.addi %select_n3A, %mul3A_342 : i32
        %dma_start3A_344 = arith.constant 0 : i32
        %dma_start3A_345 = arith.constant 0 : i32
        %dma_start3A_346 = tpu.memref_slice %arg6[%select_n3A_338, %dma_start3A_344, %dma_start3A_345] : memref<2x8x128xi32, #tpu.memory_space<vmem>> -> memref<1x8x128xi32, #tpu.memory_space<vmem>>
        %dma_start3A_347 = tpu.memref_squeeze %dma_start3A_346 : memref<1x8x128xi32, #tpu.memory_space<vmem>> -> memref<8x128xi32, #tpu.memory_space<vmem>>
        %dma_start3A_348 = arith.constant 0 : i32
        %dma_start3A_349 = tpu.memref_slice %arg3[%add3A_343, %dma_start3A_348] : memref<5120x128xi32, #tpu.memory_space<hbm>> -> memref<8x128xi32, #tpu.memory_space<hbm>>
        %dma_start3A_350 = arith.constant 0 : i32
        %dma_start3A_351 = arith.constant 0 : i32
        %dma_start3A_352 = tpu.memref_slice %arg6[%select_n3A_338, %dma_start3A_350, %dma_start3A_351] : memref<2x8x128xi32, #tpu.memory_space<vmem>> -> memref<1x8x128xi32, #tpu.memory_space<vmem>>
        %dma_start3A_353 = tpu.memref_squeeze %dma_start3A_352 : memref<1x8x128xi32, #tpu.memory_space<vmem>> -> memref<8x128xi32, #tpu.memory_space<vmem>>
        %dma_start3A_354 = arith.constant 0 : i32
        %dma_start3A_355 = tpu.memref_slice %arg3[%add3A_343, %dma_start3A_354] : memref<5120x128xi32, #tpu.memory_space<hbm>> -> memref<8x128xi32, #tpu.memory_space<hbm>>
        tpu.enqueue_dma source(%dma_start3A_355 : memref<8x128xi32, #tpu.memory_space<hbm>>) target(%dma_start3A_353 : memref<8x128xi32, #tpu.memory_space<vmem>>) target_semaphore(%arg12 : memref<!tpu.dma_semaphore, #tpu.memory_space<semaphore_mem>>)
        %add3A_356 = arith.constant 1 : i32
        %add3A_357 = arith.addi %select_n3A_231, %add3A_356 : i32
        %mul3A_358 = arith.constant 8 : i32
        %mul3A_359 = arith.muli %mul3A_358, %add3A_357 : i32
        %add3A_360 = arith.addi %select_n3A, %mul3A_359 : i32
        %dma_start3A_361 = arith.constant 0 : i32
        %dma_start3A_362 = arith.constant 0 : i32
        %dma_start3A_363 = tpu.memref_slice %arg7[%select_n3A_338, %dma_start3A_361, %dma_start3A_362] : memref<2x8x128xi32, #tpu.memory_space<vmem>> -> memref<1x8x128xi32, #tpu.memory_space<vmem>>
        %dma_start3A_364 = tpu.memref_squeeze %dma_start3A_363 : memref<1x8x128xi32, #tpu.memory_space<vmem>> -> memref<8x128xi32, #tpu.memory_space<vmem>>
        %dma_start3A_365 = arith.constant 0 : i32
        %dma_start3A_366 = tpu.memref_slice %arg4[%add3A_360, %dma_start3A_365] : memref<5120x128xi32, #tpu.memory_space<hbm>> -> memref<8x128xi32, #tpu.memory_space<hbm>>
        %dma_start3A_367 = arith.constant 0 : i32
        %dma_start3A_368 = arith.constant 0 : i32
        %dma_start3A_369 = tpu.memref_slice %arg7[%select_n3A_338, %dma_start3A_367, %dma_start3A_368] : memref<2x8x128xi32, #tpu.memory_space<vmem>> -> memref<1x8x128xi32, #tpu.memory_space<vmem>>
        %dma_start3A_370 = tpu.memref_squeeze %dma_start3A_369 : memref<1x8x128xi32, #tpu.memory_space<vmem>> -> memref<8x128xi32, #tpu.memory_space<vmem>>
        %dma_start3A_371 = arith.constant 0 : i32
        %dma_start3A_372 = tpu.memref_slice %arg4[%add3A_360, %dma_start3A_371] : memref<5120x128xi32, #tpu.memory_space<hbm>> -> memref<8x128xi32, #tpu.memory_space<hbm>>
        tpu.enqueue_dma source(%dma_start3A_372 : memref<8x128xi32, #tpu.memory_space<hbm>>) target(%dma_start3A_370 : memref<8x128xi32, #tpu.memory_space<vmem>>) target_semaphore(%arg12 : memref<!tpu.dma_semaphore, #tpu.memory_space<semaphore_mem>>)
      } else {
      }
      %eq3A_304 = arith.constant 4 : i32
      %eq3A_305 = arith.cmpi eq, %sub3A_266, %eq3A_304 : i32
      %add3A_306 = arith.constant 1 : i32
      %add3A_307 = arith.addi %select_n3A_231, %add3A_306 : i32
      %lt3A_308 = arith.cmpi slt, %add3A_307, %select_n3A_26 : i32
      %and3A_309 = arith.andi %eq3A_305, %lt3A_308 : i1
      %convert_element_type3A_310 = arith.extui %and3A_309 : i1 to i32
      %cond3A_311 = arith.constant 0 : i32
      %cond3A_312 = arith.cmpi ne, %convert_element_type3A_310, %cond3A_311 : i32
      scf.if %cond3A_312 {
        %add3A_321 = arith.constant 1 : i32
        %add3A_322 = arith.addi %select_n3A_231, %add3A_321 : i32
        %jit3A_323 = arith.constant 2 : i32
        %eq3A_324 = arith.constant 0 : i32
        %eq3A_325 = arith.cmpi eq, %jit3A_323, %eq3A_324 : i32
        %jit3A_326 = arith.constant 1 : i32
        %select_n3A_327 = arith.select %eq3A_325, %jit3A_326, %jit3A_323 : i32
        %rem3A_328 = arith.remsi %add3A_322, %select_n3A_327 : i32
        %ne3A_329 = arith.constant 0 : i32
        %ne3A_330 = arith.cmpi ne, %rem3A_328, %ne3A_329 : i32
        %lt3A_331 = arith.constant 0 : i32
        %lt3A_332 = arith.cmpi slt, %rem3A_328, %lt3A_331 : i32
        %lt3A_333 = arith.constant 0 : i32
        %lt3A_334 = arith.cmpi slt, %select_n3A_327, %lt3A_333 : i32
        %ne3A_335 = arith.xori %lt3A_332, %lt3A_334 : i1
        %and3A_336 = arith.andi %ne3A_335, %ne3A_330 : i1
        %add3A_337 = arith.addi %rem3A_328, %select_n3A_327 : i32
        %select_n3A_338 = arith.select %and3A_336, %add3A_337, %rem3A_328 : i32
        %add3A_339 = arith.constant 1 : i32
        %add3A_340 = arith.addi %select_n3A_231, %add3A_339 : i32
        %mul3A_341 = arith.constant 8 : i32
        %mul3A_342 = arith.muli %mul3A_341, %add3A_340 : i32
        %add3A_343 = arith.addi %select_n3A, %mul3A_342 : i32
        %dma_wait3A_344 = arith.constant 0 : i32
        %dma_wait3A_345 = arith.constant 0 : i32
        %dma_wait3A_346 = tpu.memref_slice %arg6[%select_n3A_338, %dma_wait3A_344, %dma_wait3A_345] : memref<2x8x128xi32, #tpu.memory_space<vmem>> -> memref<1x8x128xi32, #tpu.memory_space<vmem>>
        %dma_wait3A_347 = tpu.memref_squeeze %dma_wait3A_346 : memref<1x8x128xi32, #tpu.memory_space<vmem>> -> memref<8x128xi32, #tpu.memory_space<vmem>>
        %dma_wait3A_348 = arith.constant 0 : i32
        %dma_wait3A_349 = tpu.memref_slice %arg3[%add3A_343, %dma_wait3A_348] : memref<5120x128xi32, #tpu.memory_space<hbm>> -> memref<8x128xi32, #tpu.memory_space<hbm>>
        %dma_wait3A_350 = arith.constant 0 : i32
        %dma_wait3A_351 = arith.constant 0 : i32
        %dma_wait3A_352 = tpu.memref_slice %arg6[%select_n3A_338, %dma_wait3A_350, %dma_wait3A_351] : memref<2x8x128xi32, #tpu.memory_space<vmem>> -> memref<1x8x128xi32, #tpu.memory_space<vmem>>
        %dma_wait3A_353 = tpu.memref_squeeze %dma_wait3A_352 : memref<1x8x128xi32, #tpu.memory_space<vmem>> -> memref<8x128xi32, #tpu.memory_space<vmem>>
        %dma_wait3A_354 = arith.constant 0 : i32
        %dma_wait3A_355 = tpu.memref_slice %arg3[%add3A_343, %dma_wait3A_354] : memref<5120x128xi32, #tpu.memory_space<hbm>> -> memref<8x128xi32, #tpu.memory_space<hbm>>
        tpu.wait_dma2 semaphore(%arg12 : memref<!tpu.dma_semaphore, #tpu.memory_space<semaphore_mem>>) src(%dma_wait3A_355 : memref<8x128xi32, #tpu.memory_space<hbm>>) dst(%dma_wait3A_353 : memref<8x128xi32, #tpu.memory_space<vmem>>)
        %add3A_356 = arith.constant 1 : i32
        %add3A_357 = arith.addi %select_n3A_231, %add3A_356 : i32
        %mul3A_358 = arith.constant 8 : i32
        %mul3A_359 = arith.muli %mul3A_358, %add3A_357 : i32
        %add3A_360 = arith.addi %select_n3A, %mul3A_359 : i32
        %dma_wait3A_361 = arith.constant 0 : i32
        %dma_wait3A_362 = arith.constant 0 : i32
        %dma_wait3A_363 = tpu.memref_slice %arg7[%select_n3A_338, %dma_wait3A_361, %dma_wait3A_362] : memref<2x8x128xi32, #tpu.memory_space<vmem>> -> memref<1x8x128xi32, #tpu.memory_space<vmem>>
        %dma_wait3A_364 = tpu.memref_squeeze %dma_wait3A_363 : memref<1x8x128xi32, #tpu.memory_space<vmem>> -> memref<8x128xi32, #tpu.memory_space<vmem>>
        %dma_wait3A_365 = arith.constant 0 : i32
        %dma_wait3A_366 = tpu.memref_slice %arg4[%add3A_360, %dma_wait3A_365] : memref<5120x128xi32, #tpu.memory_space<hbm>> -> memref<8x128xi32, #tpu.memory_space<hbm>>
        %dma_wait3A_367 = arith.constant 0 : i32
        %dma_wait3A_368 = arith.constant 0 : i32
        %dma_wait3A_369 = tpu.memref_slice %arg7[%select_n3A_338, %dma_wait3A_367, %dma_wait3A_368] : memref<2x8x128xi32, #tpu.memory_space<vmem>> -> memref<1x8x128xi32, #tpu.memory_space<vmem>>
        %dma_wait3A_370 = tpu.memref_squeeze %dma_wait3A_369 : memref<1x8x128xi32, #tpu.memory_space<vmem>> -> memref<8x128xi32, #tpu.memory_space<vmem>>
        %dma_wait3A_371 = arith.constant 0 : i32
        %dma_wait3A_372 = tpu.memref_slice %arg4[%add3A_360, %dma_wait3A_371] : memref<5120x128xi32, #tpu.memory_space<hbm>> -> memref<8x128xi32, #tpu.memory_space<hbm>>
        tpu.wait_dma2 semaphore(%arg12 : memref<!tpu.dma_semaphore, #tpu.memory_space<semaphore_mem>>) src(%dma_wait3A_372 : memref<8x128xi32, #tpu.memory_space<hbm>>) dst(%dma_wait3A_370 : memref<8x128xi32, #tpu.memory_space<vmem>>)
      } else {
      }
      %add3A_313 = arith.constant 5 : i32
      %add3A_314 = arith.addi %while3A_207, %add3A_313 : i32
      %sub3A_315 = arith.constant 1 : i32
      %sub3A_316 = arith.subi %add3A_314, %sub3A_315 : i32
      %lt3A_317 = arith.cmpi slt, %sub3A_316, %select_n3A_8 : i32
      %convert_element_type3A_318 = arith.extui %lt3A_317 : i1 to i32
      %cond3A_319 = arith.constant 0 : i32
      %cond3A_320 = arith.cmpi ne, %convert_element_type3A_318, %cond3A_319 : i32
      scf.if %cond3A_320 {
        %jit3A_321 = arith.constant 8 : i32
        %div3A_322 = arith.divsi %sub3A_316, %jit3A_321 : i32
        %sign3A_323 = arith.constant 0 : i32
        %sign3A_324 = arith.cmpi sgt, %sub3A_316, %sign3A_323 : i32
        %sign3A_325 = arith.extui %sign3A_324 : i1 to i32
        %sign3A_326 = arith.constant 0 : i32
        %sign3A_327 = arith.cmpi slt, %sub3A_316, %sign3A_326 : i32
        %sign3A_328 = arith.extui %sign3A_327 : i1 to i32
        %sign3A_329 = arith.subi %sign3A_325, %sign3A_328 : i32
        %sign3A_330 = arith.constant 0 : i32
        %sign3A_331 = arith.cmpi sgt, %jit3A_321, %sign3A_330 : i32
        %sign3A_332 = arith.extui %sign3A_331 : i1 to i32
        %sign3A_333 = arith.constant 0 : i32
        %sign3A_334 = arith.cmpi slt, %jit3A_321, %sign3A_333 : i32
        %sign3A_335 = arith.extui %sign3A_334 : i1 to i32
        %sign3A_336 = arith.subi %sign3A_332, %sign3A_335 : i32
        %ne3A_337 = arith.cmpi ne, %sign3A_329, %sign3A_336 : i32
        %rem3A_338 = arith.remsi %sub3A_316, %jit3A_321 : i32
        %ne3A_339 = arith.constant 0 : i32
        %ne3A_340 = arith.cmpi ne, %rem3A_338, %ne3A_339 : i32
        %and3A_341 = arith.andi %ne3A_337, %ne3A_340 : i1
        %sub3A_342 = arith.constant 1 : i32
        %sub3A_343 = arith.subi %div3A_322, %sub3A_342 : i32
        %select_n3A_344 = arith.select %and3A_341, %sub3A_343, %div3A_322 : i32
        %jit3A_345 = arith.constant 2 : i32
        %eq3A_346 = arith.constant 0 : i32
        %eq3A_347 = arith.cmpi eq, %jit3A_345, %eq3A_346 : i32
        %jit3A_348 = arith.constant 1 : i32
        %select_n3A_349 = arith.select %eq3A_347, %jit3A_348, %jit3A_345 : i32
        %rem3A_350 = arith.remsi %select_n3A_344, %select_n3A_349 : i32
        %ne3A_351 = arith.constant 0 : i32
        %ne3A_352 = arith.cmpi ne, %rem3A_350, %ne3A_351 : i32
        %lt3A_353 = arith.constant 0 : i32
        %lt3A_354 = arith.cmpi slt, %rem3A_350, %lt3A_353 : i32
        %lt3A_355 = arith.constant 0 : i32
        %lt3A_356 = arith.cmpi slt, %select_n3A_349, %lt3A_355 : i32
        %ne3A_357 = arith.xori %lt3A_354, %lt3A_356 : i1
        %and3A_358 = arith.andi %ne3A_357, %ne3A_352 : i1
        %add3A_359 = arith.addi %rem3A_350, %select_n3A_349 : i32
        %select_n3A_360 = arith.select %and3A_358, %add3A_359, %rem3A_350 : i32
        %mul3A_361 = arith.constant 8 : i32
        %mul3A_362 = arith.muli %select_n3A_344, %mul3A_361 : i32
        %sub3A_363 = arith.subi %sub3A_316, %mul3A_362 : i32
        %jit3A_364 = arith.constant 5 : i32
        %eq3A_365 = arith.constant 0 : i32
        %eq3A_366 = arith.cmpi eq, %jit3A_364, %eq3A_365 : i32
        %jit3A_367 = arith.constant 1 : i32
        %select_n3A_368 = arith.select %eq3A_366, %jit3A_367, %jit3A_364 : i32
        %rem3A_369 = arith.remsi %sub3A_316, %select_n3A_368 : i32
        %ne3A_370 = arith.constant 0 : i32
        %ne3A_371 = arith.cmpi ne, %rem3A_369, %ne3A_370 : i32
        %lt3A_372 = arith.constant 0 : i32
        %lt3A_373 = arith.cmpi slt, %rem3A_369, %lt3A_372 : i32
        %lt3A_374 = arith.constant 0 : i32
        %lt3A_375 = arith.cmpi slt, %select_n3A_368, %lt3A_374 : i32
        %ne3A_376 = arith.xori %lt3A_373, %lt3A_375 : i1
        %and3A_377 = arith.andi %ne3A_376, %ne3A_371 : i1
        %add3A_378 = arith.addi %rem3A_369, %select_n3A_368 : i32
        %select_n3A_379 = arith.select %and3A_377, %add3A_378, %rem3A_369 : i32
        %jit3A_380 = arith.constant 5 : i32
        %eq3A_381 = arith.constant 0 : i32
        %eq3A_382 = arith.cmpi eq, %jit3A_380, %eq3A_381 : i32
        %jit3A_383 = arith.constant 1 : i32
        %select_n3A_384 = arith.select %eq3A_382, %jit3A_383, %jit3A_380 : i32
        %rem3A_385 = arith.remsi %sub3A_316, %select_n3A_384 : i32
        %ne3A_386 = arith.constant 0 : i32
        %ne3A_387 = arith.cmpi ne, %rem3A_385, %ne3A_386 : i32
        %lt3A_388 = arith.constant 0 : i32
        %lt3A_389 = arith.cmpi slt, %rem3A_385, %lt3A_388 : i32
        %lt3A_390 = arith.constant 0 : i32
        %lt3A_391 = arith.cmpi slt, %select_n3A_384, %lt3A_390 : i32
        %ne3A_392 = arith.xori %lt3A_389, %lt3A_391 : i1
        %and3A_393 = arith.andi %ne3A_392, %ne3A_387 : i1
        %add3A_394 = arith.addi %rem3A_385, %select_n3A_384 : i32
        %select_n3A_395 = arith.select %and3A_393, %add3A_394, %rem3A_385 : i32
        %dma_start3A_396 = arith.constant 0 : i32
        %dma_start3A_397 = arith.constant 0 : i32
        %dma_start3A_398 = tpu.memref_slice %arg8[%select_n3A_379, %dma_start3A_396, %dma_start3A_397] : memref<5x128x128xbf16, #tpu.memory_space<vmem>> -> memref<1x128x128xbf16, #tpu.memory_space<vmem>>
        %dma_start3A_399 = tpu.memref_squeeze %dma_start3A_398 : memref<1x128x128xbf16, #tpu.memory_space<vmem>> -> memref<128x128xbf16, #tpu.memory_space<vmem>>
        %dma_start3A_400 = arith.constant 0 : i32
        %dma_start3A_401 = tpu.memref_slice %arg6[%select_n3A_360, %sub3A_363, %dma_start3A_400] : memref<2x8x128xi32, #tpu.memory_space<vmem>> -> memref<1x1x128xi32, #tpu.memory_space<vmem>>
        %dma_start3A_402 = tpu.memref_squeeze %dma_start3A_401 : memref<1x1x128xi32, #tpu.memory_space<vmem>> -> memref<128xi32, #tpu.memory_space<vmem>>
        %dma_start3A_403 = arith.constant 0 : i32
        %dma_start3A_404 = arith.constant 0 : i32
        %dma_start3A_405 = tpu.memref_slice %arg2[%dma_start3A_403, %dma_start3A_404] : memref<20000x128xbf16, #tpu.memory_space<hbm>> -> memref<20000x128xbf16, #tpu.memory_space<hbm>>
        %dma_start3A_406 = tpu.memref_slice %arg10[%select_n3A_395] : memref<5x!tpu.dma_semaphore, #tpu.memory_space<semaphore_mem>> -> memref<1x!tpu.dma_semaphore, #tpu.memory_space<semaphore_mem>>
        %dma_start3A_407 = tpu.memref_squeeze %dma_start3A_406 : memref<1x!tpu.dma_semaphore, #tpu.memory_space<semaphore_mem>> -> memref<!tpu.dma_semaphore, #tpu.memory_space<semaphore_mem>>
        tpu.enqueue_indirect_dma source(%dma_start3A_405 : memref<20000x128xbf16, #tpu.memory_space<hbm>>) target(%dma_start3A_399 : memref<128x128xbf16, #tpu.memory_space<vmem>>) offsets(%dma_start3A_402 : memref<128xi32, #tpu.memory_space<vmem>>) semaphore(%dma_start3A_407 : memref<!tpu.dma_semaphore, #tpu.memory_space<semaphore_mem>>)
      } else {
      }
    }
    %while3A_111 = arith.constant 1 : i32
    scf.for %while3A_207 = %while3A_109 to %while3A_105 step %while3A_111  : i32 {
      %jit3A_208 = arith.constant 8 : i32
      %div3A_209 = arith.divsi %while3A_207, %jit3A_208 : i32
      %sign3A_210 = arith.constant 0 : i32
      %sign3A_211 = arith.cmpi sgt, %while3A_207, %sign3A_210 : i32
      %sign3A_212 = arith.extui %sign3A_211 : i1 to i32
      %sign3A_213 = arith.constant 0 : i32
      %sign3A_214 = arith.cmpi slt, %while3A_207, %sign3A_213 : i32
      %sign3A_215 = arith.extui %sign3A_214 : i1 to i32
      %sign3A_216 = arith.subi %sign3A_212, %sign3A_215 : i32
      %sign3A_217 = arith.constant 0 : i32
      %sign3A_218 = arith.cmpi sgt, %jit3A_208, %sign3A_217 : i32
      %sign3A_219 = arith.extui %sign3A_218 : i1 to i32
      %sign3A_220 = arith.constant 0 : i32
      %sign3A_221 = arith.cmpi slt, %jit3A_208, %sign3A_220 : i32
      %sign3A_222 = arith.extui %sign3A_221 : i1 to i32
      %sign3A_223 = arith.subi %sign3A_219, %sign3A_222 : i32
      %ne3A_224 = arith.cmpi ne, %sign3A_216, %sign3A_223 : i32
      %rem3A_225 = arith.remsi %while3A_207, %jit3A_208 : i32
      %ne3A_226 = arith.constant 0 : i32
      %ne3A_227 = arith.cmpi ne, %rem3A_225, %ne3A_226 : i32
      %and3A_228 = arith.andi %ne3A_224, %ne3A_227 : i1
      %sub3A_229 = arith.constant 1 : i32
      %sub3A_230 = arith.subi %div3A_209, %sub3A_229 : i32
      %select_n3A_231 = arith.select %and3A_228, %sub3A_230, %div3A_209 : i32
      %jit3A_232 = arith.constant 5 : i32
      %eq3A_233 = arith.constant 0 : i32
      %eq3A_234 = arith.cmpi eq, %jit3A_232, %eq3A_233 : i32
      %jit3A_235 = arith.constant 1 : i32
      %select_n3A_236 = arith.select %eq3A_234, %jit3A_235, %jit3A_232 : i32
      %rem3A_237 = arith.remsi %while3A_207, %select_n3A_236 : i32
      %ne3A_238 = arith.constant 0 : i32
      %ne3A_239 = arith.cmpi ne, %rem3A_237, %ne3A_238 : i32
      %lt3A_240 = arith.constant 0 : i32
      %lt3A_241 = arith.cmpi slt, %rem3A_237, %lt3A_240 : i32
      %lt3A_242 = arith.constant 0 : i32
      %lt3A_243 = arith.cmpi slt, %select_n3A_236, %lt3A_242 : i32
      %ne3A_244 = arith.xori %lt3A_241, %lt3A_243 : i1
      %and3A_245 = arith.andi %ne3A_244, %ne3A_239 : i1
      %add3A_246 = arith.addi %rem3A_237, %select_n3A_236 : i32
      %select_n3A_247 = arith.select %and3A_245, %add3A_246, %rem3A_237 : i32
      %jit3A_248 = arith.constant 2 : i32
      %eq3A_249 = arith.constant 0 : i32
      %eq3A_250 = arith.cmpi eq, %jit3A_248, %eq3A_249 : i32
      %jit3A_251 = arith.constant 1 : i32
      %select_n3A_252 = arith.select %eq3A_250, %jit3A_251, %jit3A_248 : i32
      %rem3A_253 = arith.remsi %select_n3A_231, %select_n3A_252 : i32
      %ne3A_254 = arith.constant 0 : i32
      %ne3A_255 = arith.cmpi ne, %rem3A_253, %ne3A_254 : i32
      %lt3A_256 = arith.constant 0 : i32
      %lt3A_257 = arith.cmpi slt, %rem3A_253, %lt3A_256 : i32
      %lt3A_258 = arith.constant 0 : i32
      %lt3A_259 = arith.cmpi slt, %select_n3A_252, %lt3A_258 : i32
      %ne3A_260 = arith.xori %lt3A_257, %lt3A_259 : i1
      %and3A_261 = arith.andi %ne3A_260, %ne3A_255 : i1
      %add3A_262 = arith.addi %rem3A_253, %select_n3A_252 : i32
      %select_n3A_263 = arith.select %and3A_261, %add3A_262, %rem3A_253 : i32
      %mul3A_264 = arith.constant 8 : i32
      %mul3A_265 = arith.muli %select_n3A_231, %mul3A_264 : i32
      %sub3A_266 = arith.subi %while3A_207, %mul3A_265 : i32
      %dma_wait3A_267 = arith.constant 0 : i32
      %dma_wait3A_268 = arith.constant 0 : i32
      %dma_wait3A_269 = tpu.memref_slice %arg8[%select_n3A_247, %dma_wait3A_267, %dma_wait3A_268] : memref<5x128x128xbf16, #tpu.memory_space<vmem>> -> memref<1x128x128xbf16, #tpu.memory_space<vmem>>
      %dma_wait3A_270 = tpu.memref_squeeze %dma_wait3A_269 : memref<1x128x128xbf16, #tpu.memory_space<vmem>> -> memref<128x128xbf16, #tpu.memory_space<vmem>>
      %dma_wait3A_271 = arith.constant 0 : i32
      %dma_wait3A_272 = tpu.memref_slice %arg6[%select_n3A_263, %sub3A_266, %dma_wait3A_271] : memref<2x8x128xi32, #tpu.memory_space<vmem>> -> memref<1x1x128xi32, #tpu.memory_space<vmem>>
      %dma_wait3A_273 = tpu.memref_squeeze %dma_wait3A_272 : memref<1x1x128xi32, #tpu.memory_space<vmem>> -> memref<128xi32, #tpu.memory_space<vmem>>
      %dma_wait3A_274 = arith.constant 0 : i32
      %dma_wait3A_275 = arith.constant 0 : i32
      %dma_wait3A_276 = tpu.memref_slice %arg2[%dma_wait3A_274, %dma_wait3A_275] : memref<20000x128xbf16, #tpu.memory_space<hbm>> -> memref<20000x128xbf16, #tpu.memory_space<hbm>>
      %dma_wait3A_277 = tpu.memref_slice %arg10[%select_n3A_247] : memref<5x!tpu.dma_semaphore, #tpu.memory_space<semaphore_mem>> -> memref<1x!tpu.dma_semaphore, #tpu.memory_space<semaphore_mem>>
      %dma_wait3A_278 = tpu.memref_squeeze %dma_wait3A_277 : memref<1x!tpu.dma_semaphore, #tpu.memory_space<semaphore_mem>> -> memref<!tpu.dma_semaphore, #tpu.memory_space<semaphore_mem>>
      tpu.wait_indirect_dma semaphore(%dma_wait3A_278 : memref<!tpu.dma_semaphore, #tpu.memory_space<semaphore_mem>>) src(%dma_wait3A_276 : memref<20000x128xbf16, #tpu.memory_space<hbm>>) dst(%dma_wait3A_270 : memref<128x128xbf16, #tpu.memory_space<vmem>>)
      %dma_start3A_279 = arith.constant 0 : i32
      %dma_start3A_280 = arith.constant 0 : i32
      %dma_start3A_281 = tpu.memref_slice %arg8[%select_n3A_247, %dma_start3A_279, %dma_start3A_280] : memref<5x128x128xbf16, #tpu.memory_space<vmem>> -> memref<1x128x128xbf16, #tpu.memory_space<vmem>>
      %dma_start3A_282 = tpu.memref_squeeze %dma_start3A_281 : memref<1x128x128xbf16, #tpu.memory_space<vmem>> -> memref<128x128xbf16, #tpu.memory_space<vmem>>
      %dma_start3A_283 = arith.constant 0 : i32
      %dma_start3A_284 = tpu.memref_slice %arg7[%select_n3A_263, %sub3A_266, %dma_start3A_283] : memref<2x8x128xi32, #tpu.memory_space<vmem>> -> memref<1x1x128xi32, #tpu.memory_space<vmem>>
      %dma_start3A_285 = tpu.memref_squeeze %dma_start3A_284 : memref<1x1x128xi32, #tpu.memory_space<vmem>> -> memref<128xi32, #tpu.memory_space<vmem>>
      %dma_start3A_286 = arith.constant 0 : i32
      %dma_start3A_287 = arith.constant 0 : i32
      %dma_start3A_288 = tpu.memref_slice %arg9[%dma_start3A_286, %dma_start3A_287] : memref<20480x128xbf16, #tpu.memory_space<vmem_shared>> -> memref<20480x128xbf16, #tpu.memory_space<vmem_shared>>
      %dma_start3A_289 = tpu.memref_slice %arg11[%select_n3A_247] : memref<5x!tpu.dma_semaphore, #tpu.memory_space<semaphore_mem>> -> memref<1x!tpu.dma_semaphore, #tpu.memory_space<semaphore_mem>>
      %dma_start3A_290 = tpu.memref_squeeze %dma_start3A_289 : memref<1x!tpu.dma_semaphore, #tpu.memory_space<semaphore_mem>> -> memref<!tpu.dma_semaphore, #tpu.memory_space<semaphore_mem>>
      tpu.enqueue_indirect_dma source(%dma_start3A_282 : memref<128x128xbf16, #tpu.memory_space<vmem>>) target(%dma_start3A_288 : memref<20480x128xbf16, #tpu.memory_space<vmem_shared>>) offsets(%dma_start3A_285 : memref<128xi32, #tpu.memory_space<vmem>>) semaphore(%dma_start3A_290 : memref<!tpu.dma_semaphore, #tpu.memory_space<semaphore_mem>>) {add = true}
      %gt3A = arith.constant 0 : i32
      %gt3A_291 = arith.cmpi sgt, %while3A_207, %gt3A : i32
      %convert_element_type3A_292 = arith.extui %gt3A_291 : i1 to i32
      %cond3A_293 = arith.constant 0 : i32
      %cond3A_294 = arith.cmpi ne, %convert_element_type3A_292, %cond3A_293 : i32
      scf.if %cond3A_294 {
        %sub3A_321 = arith.constant 1 : i32
        %sub3A_322 = arith.subi %while3A_207, %sub3A_321 : i32
        %jit3A_323 = arith.constant 8 : i32
        %div3A_324 = arith.divsi %sub3A_322, %jit3A_323 : i32
        %sign3A_325 = arith.constant 0 : i32
        %sign3A_326 = arith.cmpi sgt, %sub3A_322, %sign3A_325 : i32
        %sign3A_327 = arith.extui %sign3A_326 : i1 to i32
        %sign3A_328 = arith.constant 0 : i32
        %sign3A_329 = arith.cmpi slt, %sub3A_322, %sign3A_328 : i32
        %sign3A_330 = arith.extui %sign3A_329 : i1 to i32
        %sign3A_331 = arith.subi %sign3A_327, %sign3A_330 : i32
        %sign3A_332 = arith.constant 0 : i32
        %sign3A_333 = arith.cmpi sgt, %jit3A_323, %sign3A_332 : i32
        %sign3A_334 = arith.extui %sign3A_333 : i1 to i32
        %sign3A_335 = arith.constant 0 : i32
        %sign3A_336 = arith.cmpi slt, %jit3A_323, %sign3A_335 : i32
        %sign3A_337 = arith.extui %sign3A_336 : i1 to i32
        %sign3A_338 = arith.subi %sign3A_334, %sign3A_337 : i32
        %ne3A_339 = arith.cmpi ne, %sign3A_331, %sign3A_338 : i32
        %rem3A_340 = arith.remsi %sub3A_322, %jit3A_323 : i32
        %ne3A_341 = arith.constant 0 : i32
        %ne3A_342 = arith.cmpi ne, %rem3A_340, %ne3A_341 : i32
        %and3A_343 = arith.andi %ne3A_339, %ne3A_342 : i1
        %sub3A_344 = arith.constant 1 : i32
        %sub3A_345 = arith.subi %div3A_324, %sub3A_344 : i32
        %select_n3A_346 = arith.select %and3A_343, %sub3A_345, %div3A_324 : i32
        %jit3A_347 = arith.constant 5 : i32
        %eq3A_348 = arith.constant 0 : i32
        %eq3A_349 = arith.cmpi eq, %jit3A_347, %eq3A_348 : i32
        %jit3A_350 = arith.constant 1 : i32
        %select_n3A_351 = arith.select %eq3A_349, %jit3A_350, %jit3A_347 : i32
        %rem3A_352 = arith.remsi %sub3A_322, %select_n3A_351 : i32
        %ne3A_353 = arith.constant 0 : i32
        %ne3A_354 = arith.cmpi ne, %rem3A_352, %ne3A_353 : i32
        %lt3A_355 = arith.constant 0 : i32
        %lt3A_356 = arith.cmpi slt, %rem3A_352, %lt3A_355 : i32
        %lt3A_357 = arith.constant 0 : i32
        %lt3A_358 = arith.cmpi slt, %select_n3A_351, %lt3A_357 : i32
        %ne3A_359 = arith.xori %lt3A_356, %lt3A_358 : i1
        %and3A_360 = arith.andi %ne3A_359, %ne3A_354 : i1
        %add3A_361 = arith.addi %rem3A_352, %select_n3A_351 : i32
        %select_n3A_362 = arith.select %and3A_360, %add3A_361, %rem3A_352 : i32
        %jit3A_363 = arith.constant 2 : i32
        %eq3A_364 = arith.constant 0 : i32
        %eq3A_365 = arith.cmpi eq, %jit3A_363, %eq3A_364 : i32
        %jit3A_366 = arith.constant 1 : i32
        %select_n3A_367 = arith.select %eq3A_365, %jit3A_366, %jit3A_363 : i32
        %rem3A_368 = arith.remsi %select_n3A_346, %select_n3A_367 : i32
        %ne3A_369 = arith.constant 0 : i32
        %ne3A_370 = arith.cmpi ne, %rem3A_368, %ne3A_369 : i32
        %lt3A_371 = arith.constant 0 : i32
        %lt3A_372 = arith.cmpi slt, %rem3A_368, %lt3A_371 : i32
        %lt3A_373 = arith.constant 0 : i32
        %lt3A_374 = arith.cmpi slt, %select_n3A_367, %lt3A_373 : i32
        %ne3A_375 = arith.xori %lt3A_372, %lt3A_374 : i1
        %and3A_376 = arith.andi %ne3A_375, %ne3A_370 : i1
        %add3A_377 = arith.addi %rem3A_368, %select_n3A_367 : i32
        %select_n3A_378 = arith.select %and3A_376, %add3A_377, %rem3A_368 : i32
        %mul3A_379 = arith.constant 8 : i32
        %mul3A_380 = arith.muli %select_n3A_346, %mul3A_379 : i32
        %sub3A_381 = arith.subi %sub3A_322, %mul3A_380 : i32
        %dma_wait3A_382 = arith.constant 0 : i32
        %dma_wait3A_383 = arith.constant 0 : i32
        %dma_wait3A_384 = tpu.memref_slice %arg8[%select_n3A_362, %dma_wait3A_382, %dma_wait3A_383] : memref<5x128x128xbf16, #tpu.memory_space<vmem>> -> memref<1x128x128xbf16, #tpu.memory_space<vmem>>
        %dma_wait3A_385 = tpu.memref_squeeze %dma_wait3A_384 : memref<1x128x128xbf16, #tpu.memory_space<vmem>> -> memref<128x128xbf16, #tpu.memory_space<vmem>>
        %dma_wait3A_386 = arith.constant 0 : i32
        %dma_wait3A_387 = tpu.memref_slice %arg7[%select_n3A_378, %sub3A_381, %dma_wait3A_386] : memref<2x8x128xi32, #tpu.memory_space<vmem>> -> memref<1x1x128xi32, #tpu.memory_space<vmem>>
        %dma_wait3A_388 = tpu.memref_squeeze %dma_wait3A_387 : memref<1x1x128xi32, #tpu.memory_space<vmem>> -> memref<128xi32, #tpu.memory_space<vmem>>
        %dma_wait3A_389 = arith.constant 0 : i32
        %dma_wait3A_390 = arith.constant 0 : i32
        %dma_wait3A_391 = tpu.memref_slice %arg9[%dma_wait3A_389, %dma_wait3A_390] : memref<20480x128xbf16, #tpu.memory_space<vmem_shared>> -> memref<20480x128xbf16, #tpu.memory_space<vmem_shared>>
        %dma_wait3A_392 = tpu.memref_slice %arg11[%select_n3A_362] : memref<5x!tpu.dma_semaphore, #tpu.memory_space<semaphore_mem>> -> memref<1x!tpu.dma_semaphore, #tpu.memory_space<semaphore_mem>>
        %dma_wait3A_393 = tpu.memref_squeeze %dma_wait3A_392 : memref<1x!tpu.dma_semaphore, #tpu.memory_space<semaphore_mem>> -> memref<!tpu.dma_semaphore, #tpu.memory_space<semaphore_mem>>
        tpu.wait_indirect_dma semaphore(%dma_wait3A_393 : memref<!tpu.dma_semaphore, #tpu.memory_space<semaphore_mem>>) src(%dma_wait3A_385 : memref<128x128xbf16, #tpu.memory_space<vmem>>) dst(%dma_wait3A_391 : memref<20480x128xbf16, #tpu.memory_space<vmem_shared>>)
      } else {
      }
      %eq3A_295 = arith.constant 0 : i32
      %eq3A_296 = arith.cmpi eq, %sub3A_266, %eq3A_295 : i32
      %add3A_297 = arith.constant 1 : i32
      %add3A_298 = arith.addi %select_n3A_231, %add3A_297 : i32
      %lt3A_299 = arith.cmpi slt, %add3A_298, %select_n3A_26 : i32
      %and3A_300 = arith.andi %eq3A_296, %lt3A_299 : i1
      %convert_element_type3A_301 = arith.extui %and3A_300 : i1 to i32
      %cond3A_302 = arith.constant 0 : i32
      %cond3A_303 = arith.cmpi ne, %convert_element_type3A_301, %cond3A_302 : i32
      scf.if %cond3A_303 {
        %add3A_321 = arith.constant 1 : i32
        %add3A_322 = arith.addi %select_n3A_231, %add3A_321 : i32
        %jit3A_323 = arith.constant 2 : i32
        %eq3A_324 = arith.constant 0 : i32
        %eq3A_325 = arith.cmpi eq, %jit3A_323, %eq3A_324 : i32
        %jit3A_326 = arith.constant 1 : i32
        %select_n3A_327 = arith.select %eq3A_325, %jit3A_326, %jit3A_323 : i32
        %rem3A_328 = arith.remsi %add3A_322, %select_n3A_327 : i32
        %ne3A_329 = arith.constant 0 : i32
        %ne3A_330 = arith.cmpi ne, %rem3A_328, %ne3A_329 : i32
        %lt3A_331 = arith.constant 0 : i32
        %lt3A_332 = arith.cmpi slt, %rem3A_328, %lt3A_331 : i32
        %lt3A_333 = arith.constant 0 : i32
        %lt3A_334 = arith.cmpi slt, %select_n3A_327, %lt3A_333 : i32
        %ne3A_335 = arith.xori %lt3A_332, %lt3A_334 : i1
        %and3A_336 = arith.andi %ne3A_335, %ne3A_330 : i1
        %add3A_337 = arith.addi %rem3A_328, %select_n3A_327 : i32
        %select_n3A_338 = arith.select %and3A_336, %add3A_337, %rem3A_328 : i32
        %add3A_339 = arith.constant 1 : i32
        %add3A_340 = arith.addi %select_n3A_231, %add3A_339 : i32
        %mul3A_341 = arith.constant 8 : i32
        %mul3A_342 = arith.muli %mul3A_341, %add3A_340 : i32
        %add3A_343 = arith.addi %select_n3A, %mul3A_342 : i32
        %dma_start3A_344 = arith.constant 0 : i32
        %dma_start3A_345 = arith.constant 0 : i32
        %dma_start3A_346 = tpu.memref_slice %arg6[%select_n3A_338, %dma_start3A_344, %dma_start3A_345] : memref<2x8x128xi32, #tpu.memory_space<vmem>> -> memref<1x8x128xi32, #tpu.memory_space<vmem>>
        %dma_start3A_347 = tpu.memref_squeeze %dma_start3A_346 : memref<1x8x128xi32, #tpu.memory_space<vmem>> -> memref<8x128xi32, #tpu.memory_space<vmem>>
        %dma_start3A_348 = arith.constant 0 : i32
        %dma_start3A_349 = tpu.memref_slice %arg3[%add3A_343, %dma_start3A_348] : memref<5120x128xi32, #tpu.memory_space<hbm>> -> memref<8x128xi32, #tpu.memory_space<hbm>>
        %dma_start3A_350 = arith.constant 0 : i32
        %dma_start3A_351 = arith.constant 0 : i32
        %dma_start3A_352 = tpu.memref_slice %arg6[%select_n3A_338, %dma_start3A_350, %dma_start3A_351] : memref<2x8x128xi32, #tpu.memory_space<vmem>> -> memref<1x8x128xi32, #tpu.memory_space<vmem>>
        %dma_start3A_353 = tpu.memref_squeeze %dma_start3A_352 : memref<1x8x128xi32, #tpu.memory_space<vmem>> -> memref<8x128xi32, #tpu.memory_space<vmem>>
        %dma_start3A_354 = arith.constant 0 : i32
        %dma_start3A_355 = tpu.memref_slice %arg3[%add3A_343, %dma_start3A_354] : memref<5120x128xi32, #tpu.memory_space<hbm>> -> memref<8x128xi32, #tpu.memory_space<hbm>>
        tpu.enqueue_dma source(%dma_start3A_355 : memref<8x128xi32, #tpu.memory_space<hbm>>) target(%dma_start3A_353 : memref<8x128xi32, #tpu.memory_space<vmem>>) target_semaphore(%arg12 : memref<!tpu.dma_semaphore, #tpu.memory_space<semaphore_mem>>)
        %add3A_356 = arith.constant 1 : i32
        %add3A_357 = arith.addi %select_n3A_231, %add3A_356 : i32
        %mul3A_358 = arith.constant 8 : i32
        %mul3A_359 = arith.muli %mul3A_358, %add3A_357 : i32
        %add3A_360 = arith.addi %select_n3A, %mul3A_359 : i32
        %dma_start3A_361 = arith.constant 0 : i32
        %dma_start3A_362 = arith.constant 0 : i32
        %dma_start3A_363 = tpu.memref_slice %arg7[%select_n3A_338, %dma_start3A_361, %dma_start3A_362] : memref<2x8x128xi32, #tpu.memory_space<vmem>> -> memref<1x8x128xi32, #tpu.memory_space<vmem>>
        %dma_start3A_364 = tpu.memref_squeeze %dma_start3A_363 : memref<1x8x128xi32, #tpu.memory_space<vmem>> -> memref<8x128xi32, #tpu.memory_space<vmem>>
        %dma_start3A_365 = arith.constant 0 : i32
        %dma_start3A_366 = tpu.memref_slice %arg4[%add3A_360, %dma_start3A_365] : memref<5120x128xi32, #tpu.memory_space<hbm>> -> memref<8x128xi32, #tpu.memory_space<hbm>>
        %dma_start3A_367 = arith.constant 0 : i32
        %dma_start3A_368 = arith.constant 0 : i32
        %dma_start3A_369 = tpu.memref_slice %arg7[%select_n3A_338, %dma_start3A_367, %dma_start3A_368] : memref<2x8x128xi32, #tpu.memory_space<vmem>> -> memref<1x8x128xi32, #tpu.memory_space<vmem>>
        %dma_start3A_370 = tpu.memref_squeeze %dma_start3A_369 : memref<1x8x128xi32, #tpu.memory_space<vmem>> -> memref<8x128xi32, #tpu.memory_space<vmem>>
        %dma_start3A_371 = arith.constant 0 : i32
        %dma_start3A_372 = tpu.memref_slice %arg4[%add3A_360, %dma_start3A_371] : memref<5120x128xi32, #tpu.memory_space<hbm>> -> memref<8x128xi32, #tpu.memory_space<hbm>>
        tpu.enqueue_dma source(%dma_start3A_372 : memref<8x128xi32, #tpu.memory_space<hbm>>) target(%dma_start3A_370 : memref<8x128xi32, #tpu.memory_space<vmem>>) target_semaphore(%arg12 : memref<!tpu.dma_semaphore, #tpu.memory_space<semaphore_mem>>)
      } else {
      }
      %eq3A_304 = arith.constant 4 : i32
      %eq3A_305 = arith.cmpi eq, %sub3A_266, %eq3A_304 : i32
      %add3A_306 = arith.constant 1 : i32
      %add3A_307 = arith.addi %select_n3A_231, %add3A_306 : i32
      %lt3A_308 = arith.cmpi slt, %add3A_307, %select_n3A_26 : i32
      %and3A_309 = arith.andi %eq3A_305, %lt3A_308 : i1
      %convert_element_type3A_310 = arith.extui %and3A_309 : i1 to i32
      %cond3A_311 = arith.constant 0 : i32
      %cond3A_312 = arith.cmpi ne, %convert_element_type3A_310, %cond3A_311 : i32
      scf.if %cond3A_312 {
        %add3A_321 = arith.constant 1 : i32
        %add3A_322 = arith.addi %select_n3A_231, %add3A_321 : i32
        %jit3A_323 = arith.constant 2 : i32
        %eq3A_324 = arith.constant 0 : i32
        %eq3A_325 = arith.cmpi eq, %jit3A_323, %eq3A_324 : i32
        %jit3A_326 = arith.constant 1 : i32
        %select_n3A_327 = arith.select %eq3A_325, %jit3A_326, %jit3A_323 : i32
        %rem3A_328 = arith.remsi %add3A_322, %select_n3A_327 : i32
        %ne3A_329 = arith.constant 0 : i32
        %ne3A_330 = arith.cmpi ne, %rem3A_328, %ne3A_329 : i32
        %lt3A_331 = arith.constant 0 : i32
        %lt3A_332 = arith.cmpi slt, %rem3A_328, %lt3A_331 : i32
        %lt3A_333 = arith.constant 0 : i32
        %lt3A_334 = arith.cmpi slt, %select_n3A_327, %lt3A_333 : i32
        %ne3A_335 = arith.xori %lt3A_332, %lt3A_334 : i1
        %and3A_336 = arith.andi %ne3A_335, %ne3A_330 : i1
        %add3A_337 = arith.addi %rem3A_328, %select_n3A_327 : i32
        %select_n3A_338 = arith.select %and3A_336, %add3A_337, %rem3A_328 : i32
        %add3A_339 = arith.constant 1 : i32
        %add3A_340 = arith.addi %select_n3A_231, %add3A_339 : i32
        %mul3A_341 = arith.constant 8 : i32
        %mul3A_342 = arith.muli %mul3A_341, %add3A_340 : i32
        %add3A_343 = arith.addi %select_n3A, %mul3A_342 : i32
        %dma_wait3A_344 = arith.constant 0 : i32
        %dma_wait3A_345 = arith.constant 0 : i32
        %dma_wait3A_346 = tpu.memref_slice %arg6[%select_n3A_338, %dma_wait3A_344, %dma_wait3A_345] : memref<2x8x128xi32, #tpu.memory_space<vmem>> -> memref<1x8x128xi32, #tpu.memory_space<vmem>>
        %dma_wait3A_347 = tpu.memref_squeeze %dma_wait3A_346 : memref<1x8x128xi32, #tpu.memory_space<vmem>> -> memref<8x128xi32, #tpu.memory_space<vmem>>
        %dma_wait3A_348 = arith.constant 0 : i32
        %dma_wait3A_349 = tpu.memref_slice %arg3[%add3A_343, %dma_wait3A_348] : memref<5120x128xi32, #tpu.memory_space<hbm>> -> memref<8x128xi32, #tpu.memory_space<hbm>>
        %dma_wait3A_350 = arith.constant 0 : i32
        %dma_wait3A_351 = arith.constant 0 : i32
        %dma_wait3A_352 = tpu.memref_slice %arg6[%select_n3A_338, %dma_wait3A_350, %dma_wait3A_351] : memref<2x8x128xi32, #tpu.memory_space<vmem>> -> memref<1x8x128xi32, #tpu.memory_space<vmem>>
        %dma_wait3A_353 = tpu.memref_squeeze %dma_wait3A_352 : memref<1x8x128xi32, #tpu.memory_space<vmem>> -> memref<8x128xi32, #tpu.memory_space<vmem>>
        %dma_wait3A_354 = arith.constant 0 : i32
        %dma_wait3A_355 = tpu.memref_slice %arg3[%add3A_343, %dma_wait3A_354] : memref<5120x128xi32, #tpu.memory_space<hbm>> -> memref<8x128xi32, #tpu.memory_space<hbm>>
        tpu.wait_dma2 semaphore(%arg12 : memref<!tpu.dma_semaphore, #tpu.memory_space<semaphore_mem>>) src(%dma_wait3A_355 : memref<8x128xi32, #tpu.memory_space<hbm>>) dst(%dma_wait3A_353 : memref<8x128xi32, #tpu.memory_space<vmem>>)
        %add3A_356 = arith.constant 1 : i32
        %add3A_357 = arith.addi %select_n3A_231, %add3A_356 : i32
        %mul3A_358 = arith.constant 8 : i32
        %mul3A_359 = arith.muli %mul3A_358, %add3A_357 : i32
        %add3A_360 = arith.addi %select_n3A, %mul3A_359 : i32
        %dma_wait3A_361 = arith.constant 0 : i32
        %dma_wait3A_362 = arith.constant 0 : i32
        %dma_wait3A_363 = tpu.memref_slice %arg7[%select_n3A_338, %dma_wait3A_361, %dma_wait3A_362] : memref<2x8x128xi32, #tpu.memory_space<vmem>> -> memref<1x8x128xi32, #tpu.memory_space<vmem>>
        %dma_wait3A_364 = tpu.memref_squeeze %dma_wait3A_363 : memref<1x8x128xi32, #tpu.memory_space<vmem>> -> memref<8x128xi32, #tpu.memory_space<vmem>>
        %dma_wait3A_365 = arith.constant 0 : i32
        %dma_wait3A_366 = tpu.memref_slice %arg4[%add3A_360, %dma_wait3A_365] : memref<5120x128xi32, #tpu.memory_space<hbm>> -> memref<8x128xi32, #tpu.memory_space<hbm>>
        %dma_wait3A_367 = arith.constant 0 : i32
        %dma_wait3A_368 = arith.constant 0 : i32
        %dma_wait3A_369 = tpu.memref_slice %arg7[%select_n3A_338, %dma_wait3A_367, %dma_wait3A_368] : memref<2x8x128xi32, #tpu.memory_space<vmem>> -> memref<1x8x128xi32, #tpu.memory_space<vmem>>
        %dma_wait3A_370 = tpu.memref_squeeze %dma_wait3A_369 : memref<1x8x128xi32, #tpu.memory_space<vmem>> -> memref<8x128xi32, #tpu.memory_space<vmem>>
        %dma_wait3A_371 = arith.constant 0 : i32
        %dma_wait3A_372 = tpu.memref_slice %arg4[%add3A_360, %dma_wait3A_371] : memref<5120x128xi32, #tpu.memory_space<hbm>> -> memref<8x128xi32, #tpu.memory_space<hbm>>
        tpu.wait_dma2 semaphore(%arg12 : memref<!tpu.dma_semaphore, #tpu.memory_space<semaphore_mem>>) src(%dma_wait3A_372 : memref<8x128xi32, #tpu.memory_space<hbm>>) dst(%dma_wait3A_370 : memref<8x128xi32, #tpu.memory_space<vmem>>)
      } else {
      }
      %add3A_313 = arith.constant 5 : i32
      %add3A_314 = arith.addi %while3A_207, %add3A_313 : i32
      %sub3A_315 = arith.constant 1 : i32
      %sub3A_316 = arith.subi %add3A_314, %sub3A_315 : i32
      %lt3A_317 = arith.cmpi slt, %sub3A_316, %select_n3A_8 : i32
      %convert_element_type3A_318 = arith.extui %lt3A_317 : i1 to i32
      %cond3A_319 = arith.constant 0 : i32
      %cond3A_320 = arith.cmpi ne, %convert_element_type3A_318, %cond3A_319 : i32
      scf.if %cond3A_320 {
        %jit3A_321 = arith.constant 8 : i32
        %div3A_322 = arith.divsi %sub3A_316, %jit3A_321 : i32
        %sign3A_323 = arith.constant 0 : i32
        %sign3A_324 = arith.cmpi sgt, %sub3A_316, %sign3A_323 : i32
        %sign3A_325 = arith.extui %sign3A_324 : i1 to i32
        %sign3A_326 = arith.constant 0 : i32
        %sign3A_327 = arith.cmpi slt, %sub3A_316, %sign3A_326 : i32
        %sign3A_328 = arith.extui %sign3A_327 : i1 to i32
        %sign3A_329 = arith.subi %sign3A_325, %sign3A_328 : i32
        %sign3A_330 = arith.constant 0 : i32
        %sign3A_331 = arith.cmpi sgt, %jit3A_321, %sign3A_330 : i32
        %sign3A_332 = arith.extui %sign3A_331 : i1 to i32
        %sign3A_333 = arith.constant 0 : i32
        %sign3A_334 = arith.cmpi slt, %jit3A_321, %sign3A_333 : i32
        %sign3A_335 = arith.extui %sign3A_334 : i1 to i32
        %sign3A_336 = arith.subi %sign3A_332, %sign3A_335 : i32
        %ne3A_337 = arith.cmpi ne, %sign3A_329, %sign3A_336 : i32
        %rem3A_338 = arith.remsi %sub3A_316, %jit3A_321 : i32
        %ne3A_339 = arith.constant 0 : i32
        %ne3A_340 = arith.cmpi ne, %rem3A_338, %ne3A_339 : i32
        %and3A_341 = arith.andi %ne3A_337, %ne3A_340 : i1
        %sub3A_342 = arith.constant 1 : i32
        %sub3A_343 = arith.subi %div3A_322, %sub3A_342 : i32
        %select_n3A_344 = arith.select %and3A_341, %sub3A_343, %div3A_322 : i32
        %jit3A_345 = arith.constant 2 : i32
        %eq3A_346 = arith.constant 0 : i32
        %eq3A_347 = arith.cmpi eq, %jit3A_345, %eq3A_346 : i32
        %jit3A_348 = arith.constant 1 : i32
        %select_n3A_349 = arith.select %eq3A_347, %jit3A_348, %jit3A_345 : i32
        %rem3A_350 = arith.remsi %select_n3A_344, %select_n3A_349 : i32
        %ne3A_351 = arith.constant 0 : i32
        %ne3A_352 = arith.cmpi ne, %rem3A_350, %ne3A_351 : i32
        %lt3A_353 = arith.constant 0 : i32
        %lt3A_354 = arith.cmpi slt, %rem3A_350, %lt3A_353 : i32
        %lt3A_355 = arith.constant 0 : i32
        %lt3A_356 = arith.cmpi slt, %select_n3A_349, %lt3A_355 : i32
        %ne3A_357 = arith.xori %lt3A_354, %lt3A_356 : i1
        %and3A_358 = arith.andi %ne3A_357, %ne3A_352 : i1
        %add3A_359 = arith.addi %rem3A_350, %select_n3A_349 : i32
        %select_n3A_360 = arith.select %and3A_358, %add3A_359, %rem3A_350 : i32
        %mul3A_361 = arith.constant 8 : i32
        %mul3A_362 = arith.muli %select_n3A_344, %mul3A_361 : i32
        %sub3A_363 = arith.subi %sub3A_316, %mul3A_362 : i32
        %jit3A_364 = arith.constant 5 : i32
        %eq3A_365 = arith.constant 0 : i32
        %eq3A_366 = arith.cmpi eq, %jit3A_364, %eq3A_365 : i32
        %jit3A_367 = arith.constant 1 : i32
        %select_n3A_368 = arith.select %eq3A_366, %jit3A_367, %jit3A_364 : i32
        %rem3A_369 = arith.remsi %sub3A_316, %select_n3A_368 : i32
        %ne3A_370 = arith.constant 0 : i32
        %ne3A_371 = arith.cmpi ne, %rem3A_369, %ne3A_370 : i32
        %lt3A_372 = arith.constant 0 : i32
        %lt3A_373 = arith.cmpi slt, %rem3A_369, %lt3A_372 : i32
        %lt3A_374 = arith.constant 0 : i32
        %lt3A_375 = arith.cmpi slt, %select_n3A_368, %lt3A_374 : i32
        %ne3A_376 = arith.xori %lt3A_373, %lt3A_375 : i1
        %and3A_377 = arith.andi %ne3A_376, %ne3A_371 : i1
        %add3A_378 = arith.addi %rem3A_369, %select_n3A_368 : i32
        %select_n3A_379 = arith.select %and3A_377, %add3A_378, %rem3A_369 : i32
        %jit3A_380 = arith.constant 5 : i32
        %eq3A_381 = arith.constant 0 : i32
        %eq3A_382 = arith.cmpi eq, %jit3A_380, %eq3A_381 : i32
        %jit3A_383 = arith.constant 1 : i32
        %select_n3A_384 = arith.select %eq3A_382, %jit3A_383, %jit3A_380 : i32
        %rem3A_385 = arith.remsi %sub3A_316, %select_n3A_384 : i32
        %ne3A_386 = arith.constant 0 : i32
        %ne3A_387 = arith.cmpi ne, %rem3A_385, %ne3A_386 : i32
        %lt3A_388 = arith.constant 0 : i32
        %lt3A_389 = arith.cmpi slt, %rem3A_385, %lt3A_388 : i32
        %lt3A_390 = arith.constant 0 : i32
        %lt3A_391 = arith.cmpi slt, %select_n3A_384, %lt3A_390 : i32
        %ne3A_392 = arith.xori %lt3A_389, %lt3A_391 : i1
        %and3A_393 = arith.andi %ne3A_392, %ne3A_387 : i1
        %add3A_394 = arith.addi %rem3A_385, %select_n3A_384 : i32
        %select_n3A_395 = arith.select %and3A_393, %add3A_394, %rem3A_385 : i32
        %dma_start3A_396 = arith.constant 0 : i32
        %dma_start3A_397 = arith.constant 0 : i32
        %dma_start3A_398 = tpu.memref_slice %arg8[%select_n3A_379, %dma_start3A_396, %dma_start3A_397] : memref<5x128x128xbf16, #tpu.memory_space<vmem>> -> memref<1x128x128xbf16, #tpu.memory_space<vmem>>
        %dma_start3A_399 = tpu.memref_squeeze %dma_start3A_398 : memref<1x128x128xbf16, #tpu.memory_space<vmem>> -> memref<128x128xbf16, #tpu.memory_space<vmem>>
        %dma_start3A_400 = arith.constant 0 : i32
        %dma_start3A_401 = tpu.memref_slice %arg6[%select_n3A_360, %sub3A_363, %dma_start3A_400] : memref<2x8x128xi32, #tpu.memory_space<vmem>> -> memref<1x1x128xi32, #tpu.memory_space<vmem>>
        %dma_start3A_402 = tpu.memref_squeeze %dma_start3A_401 : memref<1x1x128xi32, #tpu.memory_space<vmem>> -> memref<128xi32, #tpu.memory_space<vmem>>
        %dma_start3A_403 = arith.constant 0 : i32
        %dma_start3A_404 = arith.constant 0 : i32
        %dma_start3A_405 = tpu.memref_slice %arg2[%dma_start3A_403, %dma_start3A_404] : memref<20000x128xbf16, #tpu.memory_space<hbm>> -> memref<20000x128xbf16, #tpu.memory_space<hbm>>
        %dma_start3A_406 = tpu.memref_slice %arg10[%select_n3A_395] : memref<5x!tpu.dma_semaphore, #tpu.memory_space<semaphore_mem>> -> memref<1x!tpu.dma_semaphore, #tpu.memory_space<semaphore_mem>>
        %dma_start3A_407 = tpu.memref_squeeze %dma_start3A_406 : memref<1x!tpu.dma_semaphore, #tpu.memory_space<semaphore_mem>> -> memref<!tpu.dma_semaphore, #tpu.memory_space<semaphore_mem>>
        tpu.enqueue_indirect_dma source(%dma_start3A_405 : memref<20000x128xbf16, #tpu.memory_space<hbm>>) target(%dma_start3A_399 : memref<128x128xbf16, #tpu.memory_space<vmem>>) offsets(%dma_start3A_402 : memref<128xi32, #tpu.memory_space<vmem>>) semaphore(%dma_start3A_407 : memref<!tpu.dma_semaphore, #tpu.memory_space<semaphore_mem>>)
      } else {
      }
    }
    %sub3A_112 = arith.constant 1 : i32
    %sub3A_113 = arith.subi %select_n3A_8, %sub3A_112 : i32
    %jit3A_114 = arith.constant 8 : i32
    %div3A_115 = arith.divsi %sub3A_113, %jit3A_114 : i32
    %sign3A_116 = arith.constant 0 : i32
    %sign3A_117 = arith.cmpi sgt, %sub3A_113, %sign3A_116 : i32
    %sign3A_118 = arith.extui %sign3A_117 : i1 to i32
    %sign3A_119 = arith.constant 0 : i32
    %sign3A_120 = arith.cmpi slt, %sub3A_113, %sign3A_119 : i32
    %sign3A_121 = arith.extui %sign3A_120 : i1 to i32
    %sign3A_122 = arith.subi %sign3A_118, %sign3A_121 : i32
    %sign3A_123 = arith.constant 0 : i32
    %sign3A_124 = arith.cmpi sgt, %jit3A_114, %sign3A_123 : i32
    %sign3A_125 = arith.extui %sign3A_124 : i1 to i32
    %sign3A_126 = arith.constant 0 : i32
    %sign3A_127 = arith.cmpi slt, %jit3A_114, %sign3A_126 : i32
    %sign3A_128 = arith.extui %sign3A_127 : i1 to i32
    %sign3A_129 = arith.subi %sign3A_125, %sign3A_128 : i32
    %ne3A_130 = arith.cmpi ne, %sign3A_122, %sign3A_129 : i32
    %rem3A_131 = arith.remsi %sub3A_113, %jit3A_114 : i32
    %ne3A_132 = arith.constant 0 : i32
    %ne3A_133 = arith.cmpi ne, %rem3A_131, %ne3A_132 : i32
    %and3A_134 = arith.andi %ne3A_130, %ne3A_133 : i1
    %sub3A_135 = arith.constant 1 : i32
    %sub3A_136 = arith.subi %div3A_115, %sub3A_135 : i32
    %select_n3A_137 = arith.select %and3A_134, %sub3A_136, %div3A_115 : i32
    %jit3A_138 = arith.constant 5 : i32
    %eq3A_139 = arith.constant 0 : i32
    %eq3A_140 = arith.cmpi eq, %jit3A_138, %eq3A_139 : i32
    %jit3A_141 = arith.constant 1 : i32
    %select_n3A_142 = arith.select %eq3A_140, %jit3A_141, %jit3A_138 : i32
    %rem3A_143 = arith.remsi %sub3A_113, %select_n3A_142 : i32
    %ne3A_144 = arith.constant 0 : i32
    %ne3A_145 = arith.cmpi ne, %rem3A_143, %ne3A_144 : i32
    %lt3A = arith.constant 0 : i32
    %lt3A_146 = arith.cmpi slt, %rem3A_143, %lt3A : i32
    %lt3A_147 = arith.constant 0 : i32
    %lt3A_148 = arith.cmpi slt, %select_n3A_142, %lt3A_147 : i32
    %ne3A_149 = arith.xori %lt3A_146, %lt3A_148 : i1
    %and3A_150 = arith.andi %ne3A_149, %ne3A_145 : i1
    %add3A_151 = arith.addi %rem3A_143, %select_n3A_142 : i32
    %select_n3A_152 = arith.select %and3A_150, %add3A_151, %rem3A_143 : i32
    %jit3A_153 = arith.constant 2 : i32
    %eq3A_154 = arith.constant 0 : i32
    %eq3A_155 = arith.cmpi eq, %jit3A_153, %eq3A_154 : i32
    %jit3A_156 = arith.constant 1 : i32
    %select_n3A_157 = arith.select %eq3A_155, %jit3A_156, %jit3A_153 : i32
    %rem3A_158 = arith.remsi %select_n3A_137, %select_n3A_157 : i32
    %ne3A_159 = arith.constant 0 : i32
    %ne3A_160 = arith.cmpi ne, %rem3A_158, %ne3A_159 : i32
    %lt3A_161 = arith.constant 0 : i32
    %lt3A_162 = arith.cmpi slt, %rem3A_158, %lt3A_161 : i32
    %lt3A_163 = arith.constant 0 : i32
    %lt3A_164 = arith.cmpi slt, %select_n3A_157, %lt3A_163 : i32
    %ne3A_165 = arith.xori %lt3A_162, %lt3A_164 : i1
    %and3A_166 = arith.andi %ne3A_165, %ne3A_160 : i1
    %add3A_167 = arith.addi %rem3A_158, %select_n3A_157 : i32
    %select_n3A_168 = arith.select %and3A_166, %add3A_167, %rem3A_158 : i32
    %mul3A_169 = arith.constant 8 : i32
    %mul3A_170 = arith.muli %select_n3A_137, %mul3A_169 : i32
    %sub3A_171 = arith.subi %sub3A_113, %mul3A_170 : i32
    %jit3A_172 = arith.constant 5 : i32
    %eq3A_173 = arith.constant 0 : i32
    %eq3A_174 = arith.cmpi eq, %jit3A_172, %eq3A_173 : i32
    %jit3A_175 = arith.constant 1 : i32
    %select_n3A_176 = arith.select %eq3A_174, %jit3A_175, %jit3A_172 : i32
    %rem3A_177 = arith.remsi %sub3A_113, %select_n3A_176 : i32
    %ne3A_178 = arith.constant 0 : i32
    %ne3A_179 = arith.cmpi ne, %rem3A_177, %ne3A_178 : i32
    %lt3A_180 = arith.constant 0 : i32
    %lt3A_181 = arith.cmpi slt, %rem3A_177, %lt3A_180 : i32
    %lt3A_182 = arith.constant 0 : i32
    %lt3A_183 = arith.cmpi slt, %select_n3A_176, %lt3A_182 : i32
    %ne3A_184 = arith.xori %lt3A_181, %lt3A_183 : i1
    %and3A_185 = arith.andi %ne3A_184, %ne3A_179 : i1
    %add3A_186 = arith.addi %rem3A_177, %select_n3A_176 : i32
    %select_n3A_187 = arith.select %and3A_185, %add3A_186, %rem3A_177 : i32
    %dma_wait3A = arith.constant 0 : i32
    %dma_wait3A_188 = arith.constant 0 : i32
    %dma_wait3A_189 = tpu.memref_slice %arg8[%select_n3A_152, %dma_wait3A, %dma_wait3A_188] : memref<5x128x128xbf16, #tpu.memory_space<vmem>> -> memref<1x128x128xbf16, #tpu.memory_space<vmem>>
    %dma_wait3A_190 = tpu.memref_squeeze %dma_wait3A_189 : memref<1x128x128xbf16, #tpu.memory_space<vmem>> -> memref<128x128xbf16, #tpu.memory_space<vmem>>
    %dma_wait3A_191 = arith.constant 0 : i32
    %dma_wait3A_192 = tpu.memref_slice %arg7[%select_n3A_168, %sub3A_171, %dma_wait3A_191] : memref<2x8x128xi32, #tpu.memory_space<vmem>> -> memref<1x1x128xi32, #tpu.memory_space<vmem>>
    %dma_wait3A_193 = tpu.memref_squeeze %dma_wait3A_192 : memref<1x1x128xi32, #tpu.memory_space<vmem>> -> memref<128xi32, #tpu.memory_space<vmem>>
    %dma_wait3A_194 = arith.constant 0 : i32
    %dma_wait3A_195 = arith.constant 0 : i32
    %dma_wait3A_196 = tpu.memref_slice %arg9[%dma_wait3A_194, %dma_wait3A_195] : memref<20480x128xbf16, #tpu.memory_space<vmem_shared>> -> memref<20480x128xbf16, #tpu.memory_space<vmem_shared>>
    %dma_wait3A_197 = tpu.memref_slice %arg11[%select_n3A_187] : memref<5x!tpu.dma_semaphore, #tpu.memory_space<semaphore_mem>> -> memref<1x!tpu.dma_semaphore, #tpu.memory_space<semaphore_mem>>
    %dma_wait3A_198 = tpu.memref_squeeze %dma_wait3A_197 : memref<1x!tpu.dma_semaphore, #tpu.memory_space<semaphore_mem>> -> memref<!tpu.dma_semaphore, #tpu.memory_space<semaphore_mem>>
    tpu.wait_indirect_dma semaphore(%dma_wait3A_198 : memref<!tpu.dma_semaphore, #tpu.memory_space<semaphore_mem>>) src(%dma_wait3A_190 : memref<128x128xbf16, #tpu.memory_space<vmem>>) dst(%dma_wait3A_196 : memref<20480x128xbf16, #tpu.memory_space<vmem_shared>>)
    %barrier3A_199 = arith.constant 0 : index
    tpu.barrier barrier_id(%barrier3A_199)
    %mul3A_200 = arith.constant 1248 : i32
    %mul3A_201 = arith.muli %mul3A_200, %arg1 : i32
    %mul3A_202 = arith.constant 1248 : i32
    %mul3A_203 = arith.muli %mul3A_202, %arg1 : i32
    "tpu.region"() ({
      %run_scoped3A_207 = tpu.sem_alloc : memref<!tpu.dma_semaphore, #tpu.memory_space<semaphore_mem>>
      %dma_start3A_208 = arith.constant 0 : i32
      %dma_start3A_209 = tpu.memref_slice %arg5[%arg0, %mul3A_203, %dma_start3A_208] : memref<2x20000x128xbf16, #tpu.memory_space<hbm>> -> memref<1x1248x128xbf16, #tpu.memory_space<hbm>>
      %dma_start3A_210 = tpu.memref_squeeze %dma_start3A_209 : memref<1x1248x128xbf16, #tpu.memory_space<hbm>> -> memref<1248x128xbf16, #tpu.memory_space<hbm>>
      %dma_start3A_211 = arith.constant 0 : i32
      %dma_start3A_212 = tpu.memref_slice %arg9[%mul3A_201, %dma_start3A_211] : memref<20480x128xbf16, #tpu.memory_space<vmem_shared>> -> memref<1248x128xbf16, #tpu.memory_space<vmem_shared>>
      tpu.enqueue_dma source(%dma_start3A_212 : memref<1248x128xbf16, #tpu.memory_space<vmem_shared>>) target(%dma_start3A_210 : memref<1248x128xbf16, #tpu.memory_space<hbm>>) target_semaphore(%run_scoped3A_207 : memref<!tpu.dma_semaphore, #tpu.memory_space<semaphore_mem>>)
      %dma_wait3A_213 = arith.constant 0 : i32
      %dma_wait3A_214 = tpu.memref_slice %arg5[%arg0, %mul3A_203, %dma_wait3A_213] : memref<2x20000x128xbf16, #tpu.memory_space<hbm>> -> memref<1x1248x128xbf16, #tpu.memory_space<hbm>>
      %dma_wait3A_215 = tpu.memref_squeeze %dma_wait3A_214 : memref<1x1248x128xbf16, #tpu.memory_space<hbm>> -> memref<1248x128xbf16, #tpu.memory_space<hbm>>
      %dma_wait3A_216 = arith.constant 0 : i32
      %dma_wait3A_217 = tpu.memref_slice %arg9[%mul3A_201, %dma_wait3A_216] : memref<20480x128xbf16, #tpu.memory_space<vmem_shared>> -> memref<1248x128xbf16, #tpu.memory_space<vmem_shared>>
      tpu.wait_dma2 semaphore(%run_scoped3A_207 : memref<!tpu.dma_semaphore, #tpu.memory_space<semaphore_mem>>) src(%dma_wait3A_217 : memref<1248x128xbf16, #tpu.memory_space<vmem_shared>>) dst(%dma_wait3A_215 : memref<1248x128xbf16, #tpu.memory_space<hbm>>)
      tpu.yield
    }) : () -> ()
    %eq3A_204 = arith.constant 15 : i32
    %eq3A_205 = arith.cmpi eq, %arg1, %eq3A_204 : i32
    %convert_element_type3A = arith.extui %eq3A_205 : i1 to i32
    %cond3A = arith.constant 0 : i32
    %cond3A_206 = arith.cmpi ne, %convert_element_type3A, %cond3A : i32
    scf.if %cond3A_206 {
      "tpu.region"() ({
        %run_scoped3A_207 = tpu.sem_alloc : memref<!tpu.dma_semaphore, #tpu.memory_space<semaphore_mem>>
        %dma_start3A_208 = arith.constant 19968 : i32
        %dma_start3A_209 = arith.constant 0 : i32
        %dma_start3A_210 = tpu.memref_slice %arg5[%arg0, %dma_start3A_208, %dma_start3A_209] : memref<2x20000x128xbf16, #tpu.memory_space<hbm>> -> memref<1x32x128xbf16, #tpu.memory_space<hbm>>
        %dma_start3A_211 = tpu.memref_squeeze %dma_start3A_210 : memref<1x32x128xbf16, #tpu.memory_space<hbm>> -> memref<32x128xbf16, #tpu.memory_space<hbm>>
        %dma_start3A_212 = arith.constant 19968 : i32
        %dma_start3A_213 = arith.constant 0 : i32
        %dma_start3A_214 = tpu.memref_slice %arg9[%dma_start3A_212, %dma_start3A_213] : memref<20480x128xbf16, #tpu.memory_space<vmem_shared>> -> memref<32x128xbf16, #tpu.memory_space<vmem_shared>>
        tpu.enqueue_dma source(%dma_start3A_214 : memref<32x128xbf16, #tpu.memory_space<vmem_shared>>) target(%dma_start3A_211 : memref<32x128xbf16, #tpu.memory_space<hbm>>) target_semaphore(%run_scoped3A_207 : memref<!tpu.dma_semaphore, #tpu.memory_space<semaphore_mem>>)
        %dma_wait3A_215 = arith.constant 19968 : i32
        %dma_wait3A_216 = arith.constant 0 : i32
        %dma_wait3A_217 = tpu.memref_slice %arg5[%arg0, %dma_wait3A_215, %dma_wait3A_216] : memref<2x20000x128xbf16, #tpu.memory_space<hbm>> -> memref<1x32x128xbf16, #tpu.memory_space<hbm>>
        %dma_wait3A_218 = tpu.memref_squeeze %dma_wait3A_217 : memref<1x32x128xbf16, #tpu.memory_space<hbm>> -> memref<32x128xbf16, #tpu.memory_space<hbm>>
        %dma_wait3A_219 = arith.constant 19968 : i32
        %dma_wait3A_220 = arith.constant 0 : i32
        %dma_wait3A_221 = tpu.memref_slice %arg9[%dma_wait3A_219, %dma_wait3A_220] : memref<20480x128xbf16, #tpu.memory_space<vmem_shared>> -> memref<32x128xbf16, #tpu.memory_space<vmem_shared>>
        tpu.wait_dma2 semaphore(%run_scoped3A_207 : memref<!tpu.dma_semaphore, #tpu.memory_space<semaphore_mem>>) src(%dma_wait3A_221 : memref<32x128xbf16, #tpu.memory_space<vmem_shared>>) dst(%dma_wait3A_218 : memref<32x128xbf16, #tpu.memory_space<hbm>>)
        tpu.yield
      }) : () -> ()
    } else {
    }
    return
  }
}

#map = affine_map<(d0, d1) -> (0, 0)>
#map1 = affine_map<(d0, d1) -> (0, 0, 0)>
module attributes {stable_mosaic.version = 14 : i64} {
  func.func @_agg_body(%arg0: i32, %arg1: i32, %arg2: memref<20000x128xbf16, #tpu.memory_space<hbm>>, %arg3: memref<5120x128xi32, #tpu.memory_space<hbm>>, %arg4: memref<5120x128xi32, #tpu.memory_space<hbm>>, %arg5: memref<2x20000x128xbf16, #tpu.memory_space<hbm>>, %arg6: memref<2x8x128xi32, #tpu.memory_space<vmem>>, %arg7: memref<2x8x128xi32, #tpu.memory_space<vmem>>, %arg8: memref<5x128x128xbf16, #tpu.memory_space<vmem>>, %arg9: memref<20480x128xbf16, #tpu.memory_space<vmem_shared>>, %arg10: memref<5x!tpu.dma_semaphore, #tpu.memory_space<semaphore_mem>>, %arg11: memref<5x!tpu.dma_semaphore, #tpu.memory_space<semaphore_mem>>, %arg12: memref<!tpu.dma_semaphore, #tpu.memory_space<semaphore_mem>>) attributes {dimension_semantics = [#tpu.dimension_semantics<core_parallel>, #tpu.dimension_semantics<subcore_parallel>], iteration_bounds = array<i64: 2, 16>, scalar_prefetch = 0 : i64, scratch_operands = 7 : i64, tpu.core_type = #tpu.core_type<sc_vector_subcore>, window_params = [{transform_indices = #map}, {transform_indices = #map}, {transform_indices = #map}, {transform_indices = #map1}]} {
    %eq3A = arith.constant 0 : i32
    %eq3A_0 = arith.cmpi eq, %arg0, %eq3A : i32
    %mul3A = arith.constant 160 : i32
    %mul3A_1 = arith.muli %arg1, %mul3A : i32
    %mul3A_2 = arith.constant 160 : i32
    %mul3A_3 = arith.muli %arg1, %mul3A_2 : i32
    %add3A = arith.constant 2560 : i32
    %add3A_4 = arith.addi %add3A, %mul3A_3 : i32
    %select_n3A = arith.select %eq3A_0, %mul3A_1, %add3A_4 : i32
    %eq3A_5 = arith.constant 0 : i32
    %eq3A_6 = arith.cmpi eq, %arg0, %eq3A_5 : i32
    %jit3A = arith.constant 160 : i32
    %jit3A_7 = arith.constant 160 : i32
    %select_n3A_8 = arith.select %eq3A_6, %jit3A, %jit3A_7 : i32
    %jit3A_9 = arith.constant 8 : i32
    %div3A = arith.divsi %select_n3A_8, %jit3A_9 : i32
    %sign3A = arith.constant 0 : i32
    %sign3A_10 = arith.cmpi sgt, %select_n3A_8, %sign3A : i32
    %sign3A_11 = arith.extui %sign3A_10 : i1 to i32
    %sign3A_12 = arith.constant 0 : i32
    %sign3A_13 = arith.cmpi slt, %select_n3A_8, %sign3A_12 : i32
    %sign3A_14 = arith.extui %sign3A_13 : i1 to i32
    %sign3A_15 = arith.subi %sign3A_11, %sign3A_14 : i32
    %sign3A_16 = arith.constant 0 : i32
    %sign3A_17 = arith.cmpi sgt, %jit3A_9, %sign3A_16 : i32
    %sign3A_18 = arith.extui %sign3A_17 : i1 to i32
    %sign3A_19 = arith.constant 0 : i32
    %sign3A_20 = arith.cmpi slt, %jit3A_9, %sign3A_19 : i32
    %sign3A_21 = arith.extui %sign3A_20 : i1 to i32
    %sign3A_22 = arith.subi %sign3A_18, %sign3A_21 : i32
    %ne3A = arith.cmpi ne, %sign3A_15, %sign3A_22 : i32
    %rem3A = arith.remsi %select_n3A_8, %jit3A_9 : i32
    %ne3A_23 = arith.constant 0 : i32
    %ne3A_24 = arith.cmpi ne, %rem3A, %ne3A_23 : i32
    %and3A = arith.andi %ne3A, %ne3A_24 : i1
    %sub3A = arith.constant 1 : i32
    %sub3A_25 = arith.subi %div3A, %sub3A : i32
    %select_n3A_26 = arith.select %and3A, %sub3A_25, %div3A : i32
    %broadcast_in_dim3A = arith.constant 0.000000e+00 : bf16
    %broadcast_in_dim3A_27 = vector.broadcast %broadcast_in_dim3A : bf16 to vector<32xbf16>
    %scan3A = arith.constant 0 : i32
    %scan3A_28 = arith.constant 0 : i32
    %scan3A_29 = arith.constant 512 : i32
    %scan3A_30 = arith.addi %scan3A_28, %scan3A_29 : i32
    %scan3A_31 = arith.constant 1 : i32
    scf.for %scan3A_207 = %scan3A_28 to %scan3A_30 step %scan3A_31  : i32 {
      %jit3A_208 = arith.constant 4 : i32
      %div3A_209 = arith.divsi %scan3A_207, %jit3A_208 : i32
      %sign3A_210 = arith.constant 0 : i32
      %sign3A_211 = arith.cmpi sgt, %scan3A_207, %sign3A_210 : i32
      %sign3A_212 = arith.extui %sign3A_211 : i1 to i32
      %sign3A_213 = arith.constant 0 : i32
      %sign3A_214 = arith.cmpi slt, %scan3A_207, %sign3A_213 : i32
      %sign3A_215 = arith.extui %sign3A_214 : i1 to i32
      %sign3A_216 = arith.subi %sign3A_212, %sign3A_215 : i32
      %sign3A_217 = arith.constant 0 : i32
      %sign3A_218 = arith.cmpi sgt, %jit3A_208, %sign3A_217 : i32
      %sign3A_219 = arith.extui %sign3A_218 : i1 to i32
      %sign3A_220 = arith.constant 0 : i32
      %sign3A_221 = arith.cmpi slt, %jit3A_208, %sign3A_220 : i32
      %sign3A_222 = arith.extui %sign3A_221 : i1 to i32
      %sign3A_223 = arith.subi %sign3A_219, %sign3A_222 : i32
      %ne3A_224 = arith.cmpi ne, %sign3A_216, %sign3A_223 : i32
      %rem3A_225 = arith.remsi %scan3A_207, %jit3A_208 : i32
      %ne3A_226 = arith.constant 0 : i32
      %ne3A_227 = arith.cmpi ne, %rem3A_225, %ne3A_226 : i32
      %and3A_228 = arith.andi %ne3A_224, %ne3A_227 : i1
      %sub3A_229 = arith.constant 1 : i32
      %sub3A_230 = arith.subi %div3A_209, %sub3A_229 : i32
      %select_n3A_231 = arith.select %and3A_228, %sub3A_230, %div3A_209 : i32
      %mul3A_232 = arith.constant 4 : i32
      %mul3A_233 = arith.muli %select_n3A_231, %mul3A_232 : i32
      %sub3A_234 = arith.subi %scan3A_207, %mul3A_233 : i32
      %mul3A_235 = arith.constant 32 : i32
      %mul3A_236 = arith.muli %sub3A_234, %mul3A_235 : i32
      %swap3A = arith.constant 0 : i32
      %swap3A_237 = arith.index_cast %swap3A : i32 to index
      %swap3A_238 = arith.index_cast %select_n3A_231 : i32 to index
      %swap3A_239 = arith.index_cast %mul3A_236 : i32 to index
      %swap3A_240 = tpu.vector_load %arg8[%swap3A_237, %swap3A_238, %swap3A_239] {strides = array<i32>} : memref<5x128x128xbf16, #tpu.memory_space<vmem>>, vector<32xbf16>,
      tpu.vector_store %arg8[%swap3A_237, %swap3A_238, %swap3A_239], %broadcast_in_dim3A_27 {strides = array<i32>} : memref<5x128x128xbf16, #tpu.memory_space<vmem>>, vector<32xbf16>,
    }
    %scan3A_32 = arith.constant 512 : i32
    %scan3A_33 = arith.constant 0 : i32
    %scan3A_34 = arith.constant 0 : i32
    %scan3A_35 = arith.constant 10 : i32
    %scan3A_36 = arith.addi %scan3A_34, %scan3A_35 : i32
    %scan3A_37 = arith.constant 1 : i32
    scf.for %scan3A_207 = %scan3A_34 to %scan3A_36 step %scan3A_37  : i32 {
      %mul3A_208 = arith.constant 1280 : i32
      %mul3A_209 = arith.muli %mul3A_208, %arg1 : i32
      %mul3A_210 = arith.constant 128 : i32
      %mul3A_211 = arith.muli %mul3A_210, %scan3A_207 : i32
      %add3A_212 = arith.addi %mul3A_209, %mul3A_211 : i32
      %run_scoped3A_213 = arith.constant 0 : i32
      "tpu.region"() ({
        %run_scoped3A_214 = tpu.sem_alloc : memref<!tpu.dma_semaphore, #tpu.memory_space<semaphore_mem>>
        %dma_start3A_215 = arith.constant 0 : i32
        %dma_start3A_216 = arith.constant 0 : i32
        %dma_start3A_217 = tpu.memref_slice %arg8[%run_scoped3A_213, %dma_start3A_215, %dma_start3A_216] : memref<5x128x128xbf16, #tpu.memory_space<vmem>> -> memref<1x128x128xbf16, #tpu.memory_space<vmem>>
        %dma_start3A_218 = tpu.memref_squeeze %dma_start3A_217 : memref<1x128x128xbf16, #tpu.memory_space<vmem>> -> memref<128x128xbf16, #tpu.memory_space<vmem>>
        %dma_start3A_219 = arith.constant 0 : i32
        %dma_start3A_220 = tpu.memref_slice %arg9[%add3A_212, %dma_start3A_219] : memref<20480x128xbf16, #tpu.memory_space<vmem_shared>> -> memref<128x128xbf16, #tpu.memory_space<vmem_shared>>
        %dma_start3A_221 = arith.constant 0 : i32
        %dma_start3A_222 = tpu.memref_slice %arg9[%add3A_212, %dma_start3A_221] : memref<20480x128xbf16, #tpu.memory_space<vmem_shared>> -> memref<128x128xbf16, #tpu.memory_space<vmem_shared>>
        %dma_start3A_223 = arith.constant 0 : i32
        %dma_start3A_224 = arith.constant 0 : i32
        %dma_start3A_225 = tpu.memref_slice %arg8[%run_scoped3A_213, %dma_start3A_223, %dma_start3A_224] : memref<5x128x128xbf16, #tpu.memory_space<vmem>> -> memref<1x128x128xbf16, #tpu.memory_space<vmem>>
        %dma_start3A_226 = tpu.memref_squeeze %dma_start3A_225 : memref<1x128x128xbf16, #tpu.memory_space<vmem>> -> memref<128x128xbf16, #tpu.memory_space<vmem>>
        tpu.enqueue_dma source(%dma_start3A_226 : memref<128x128xbf16, #tpu.memory_space<vmem>>) target(%dma_start3A_222 : memref<128x128xbf16, #tpu.memory_space<vmem_shared>>) target_semaphore(%run_scoped3A_214 : memref<!tpu.dma_semaphore, #tpu.memory_space<semaphore_mem>>)
        %dma_wait3A_227 = arith.constant 0 : i32
        %dma_wait3A_228 = arith.constant 0 : i32
        %dma_wait3A_229 = tpu.memref_slice %arg8[%run_scoped3A_213, %dma_wait3A_227, %dma_wait3A_228] : memref<5x128x128xbf16, #tpu.memory_space<vmem>> -> memref<1x128x128xbf16, #tpu.memory_space<vmem>>
        %dma_wait3A_230 = tpu.memref_squeeze %dma_wait3A_229 : memref<1x128x128xbf16, #tpu.memory_space<vmem>> -> memref<128x128xbf16, #tpu.memory_space<vmem>>
        %dma_wait3A_231 = arith.constant 0 : i32
        %dma_wait3A_232 = tpu.memref_slice %arg9[%add3A_212, %dma_wait3A_231] : memref<20480x128xbf16, #tpu.memory_space<vmem_shared>> -> memref<128x128xbf16, #tpu.memory_space<vmem_shared>>
        %dma_wait3A_233 = arith.constant 0 : i32
        %dma_wait3A_234 = tpu.memref_slice %arg9[%add3A_212, %dma_wait3A_233] : memref<20480x128xbf16, #tpu.memory_space<vmem_shared>> -> memref<128x128xbf16, #tpu.memory_space<vmem_shared>>
        %dma_wait3A_235 = arith.constant 0 : i32
        %dma_wait3A_236 = arith.constant 0 : i32
        %dma_wait3A_237 = tpu.memref_slice %arg8[%run_scoped3A_213, %dma_wait3A_235, %dma_wait3A_236] : memref<5x128x128xbf16, #tpu.memory_space<vmem>> -> memref<1x128x128xbf16, #tpu.memory_space<vmem>>
        %dma_wait3A_238 = tpu.memref_squeeze %dma_wait3A_237 : memref<1x128x128xbf16, #tpu.memory_space<vmem>> -> memref<128x128xbf16, #tpu.memory_space<vmem>>
        tpu.wait_dma2 semaphore(%run_scoped3A_214 : memref<!tpu.dma_semaphore, #tpu.memory_space<semaphore_mem>>) src(%dma_wait3A_238 : memref<128x128xbf16, #tpu.memory_space<vmem>>) dst(%dma_wait3A_234 : memref<128x128xbf16, #tpu.memory_space<vmem_shared>>)
        tpu.yield
      }) : () -> ()
    }
    %scan3A_38 = arith.constant 10 : i32
    %run_scoped3A = arith.constant 0 : i32
    "tpu.region"() ({
      %run_scoped3A_207 = tpu.sem_alloc : memref<!tpu.dma_semaphore, #tpu.memory_space<semaphore_mem>>
      %dma_start3A_208 = arith.constant 0 : i32
      %dma_start3A_209 = arith.constant 0 : i32
      %dma_start3A_210 = tpu.memref_slice %arg6[%run_scoped3A, %dma_start3A_208, %dma_start3A_209] : memref<2x8x128xi32, #tpu.memory_space<vmem>> -> memref<1x8x128xi32, #tpu.memory_space<vmem>>
      %dma_start3A_211 = tpu.memref_squeeze %dma_start3A_210 : memref<1x8x128xi32, #tpu.memory_space<vmem>> -> memref<8x128xi32, #tpu.memory_space<vmem>>
      %dma_start3A_212 = arith.constant 0 : i32
      %dma_start3A_213 = tpu.memref_slice %arg3[%select_n3A, %dma_start3A_212] : memref<5120x128xi32, #tpu.memory_space<hbm>> -> memref<8x128xi32, #tpu.memory_space<hbm>>
      %dma_start3A_214 = arith.constant 0 : i32
      %dma_start3A_215 = arith.constant 0 : i32
      %dma_start3A_216 = tpu.memref_slice %arg6[%run_scoped3A, %dma_start3A_214, %dma_start3A_215] : memref<2x8x128xi32, #tpu.memory_space<vmem>> -> memref<1x8x128xi32, #tpu.memory_space<vmem>>
      %dma_start3A_217 = tpu.memref_squeeze %dma_start3A_216 : memref<1x8x128xi32, #tpu.memory_space<vmem>> -> memref<8x128xi32, #tpu.memory_space<vmem>>
      %dma_start3A_218 = arith.constant 0 : i32
      %dma_start3A_219 = tpu.memref_slice %arg3[%select_n3A, %dma_start3A_218] : memref<5120x128xi32, #tpu.memory_space<hbm>> -> memref<8x128xi32, #tpu.memory_space<hbm>>
      tpu.enqueue_dma source(%dma_start3A_219 : memref<8x128xi32, #tpu.memory_space<hbm>>) target(%dma_start3A_217 : memref<8x128xi32, #tpu.memory_space<vmem>>) target_semaphore(%run_scoped3A_207 : memref<!tpu.dma_semaphore, #tpu.memory_space<semaphore_mem>>)
      %dma_wait3A_220 = arith.constant 0 : i32
      %dma_wait3A_221 = arith.constant 0 : i32
      %dma_wait3A_222 = tpu.memref_slice %arg6[%run_scoped3A, %dma_wait3A_220, %dma_wait3A_221] : memref<2x8x128xi32, #tpu.memory_space<vmem>> -> memref<1x8x128xi32, #tpu.memory_space<vmem>>
      %dma_wait3A_223 = tpu.memref_squeeze %dma_wait3A_222 : memref<1x8x128xi32, #tpu.memory_space<vmem>> -> memref<8x128xi32, #tpu.memory_space<vmem>>
      %dma_wait3A_224 = arith.constant 0 : i32
      %dma_wait3A_225 = tpu.memref_slice %arg3[%select_n3A, %dma_wait3A_224] : memref<5120x128xi32, #tpu.memory_space<hbm>> -> memref<8x128xi32, #tpu.memory_space<hbm>>
      %dma_wait3A_226 = arith.constant 0 : i32
      %dma_wait3A_227 = arith.constant 0 : i32
      %dma_wait3A_228 = tpu.memref_slice %arg6[%run_scoped3A, %dma_wait3A_226, %dma_wait3A_227] : memref<2x8x128xi32, #tpu.memory_space<vmem>> -> memref<1x8x128xi32, #tpu.memory_space<vmem>>
      %dma_wait3A_229 = tpu.memref_squeeze %dma_wait3A_228 : memref<1x8x128xi32, #tpu.memory_space<vmem>> -> memref<8x128xi32, #tpu.memory_space<vmem>>
      %dma_wait3A_230 = arith.constant 0 : i32
      %dma_wait3A_231 = tpu.memref_slice %arg3[%select_n3A, %dma_wait3A_230] : memref<5120x128xi32, #tpu.memory_space<hbm>> -> memref<8x128xi32, #tpu.memory_space<hbm>>
      tpu.wait_dma2 semaphore(%run_scoped3A_207 : memref<!tpu.dma_semaphore, #tpu.memory_space<semaphore_mem>>) src(%dma_wait3A_231 : memref<8x128xi32, #tpu.memory_space<hbm>>) dst(%dma_wait3A_229 : memref<8x128xi32, #tpu.memory_space<vmem>>)
      tpu.yield
    }) : () -> ()
    %run_scoped3A_39 = arith.constant 0 : i32
    "tpu.region"() ({
      %run_scoped3A_207 = tpu.sem_alloc : memref<!tpu.dma_semaphore, #tpu.memory_space<semaphore_mem>>
      %dma_start3A_208 = arith.constant 0 : i32
      %dma_start3A_209 = arith.constant 0 : i32
      %dma_start3A_210 = tpu.memref_slice %arg7[%run_scoped3A_39, %dma_start3A_208, %dma_start3A_209] : memref<2x8x128xi32, #tpu.memory_space<vmem>> -> memref<1x8x128xi32, #tpu.memory_space<vmem>>
      %dma_start3A_211 = tpu.memref_squeeze %dma_start3A_210 : memref<1x8x128xi32, #tpu.memory_space<vmem>> -> memref<8x128xi32, #tpu.memory_space<vmem>>
      %dma_start3A_212 = arith.constant 0 : i32
      %dma_start3A_213 = tpu.memref_slice %arg4[%select_n3A, %dma_start3A_212] : memref<5120x128xi32, #tpu.memory_space<hbm>> -> memref<8x128xi32, #tpu.memory_space<hbm>>
      %dma_start3A_214 = arith.constant 0 : i32
      %dma_start3A_215 = arith.constant 0 : i32
      %dma_start3A_216 = tpu.memref_slice %arg7[%run_scoped3A_39, %dma_start3A_214, %dma_start3A_215] : memref<2x8x128xi32, #tpu.memory_space<vmem>> -> memref<1x8x128xi32, #tpu.memory_space<vmem>>
      %dma_start3A_217 = tpu.memref_squeeze %dma_start3A_216 : memref<1x8x128xi32, #tpu.memory_space<vmem>> -> memref<8x128xi32, #tpu.memory_space<vmem>>
      %dma_start3A_218 = arith.constant 0 : i32
      %dma_start3A_219 = tpu.memref_slice %arg4[%select_n3A, %dma_start3A_218] : memref<5120x128xi32, #tpu.memory_space<hbm>> -> memref<8x128xi32, #tpu.memory_space<hbm>>
      tpu.enqueue_dma source(%dma_start3A_219 : memref<8x128xi32, #tpu.memory_space<hbm>>) target(%dma_start3A_217 : memref<8x128xi32, #tpu.memory_space<vmem>>) target_semaphore(%run_scoped3A_207 : memref<!tpu.dma_semaphore, #tpu.memory_space<semaphore_mem>>)
      %dma_wait3A_220 = arith.constant 0 : i32
      %dma_wait3A_221 = arith.constant 0 : i32
      %dma_wait3A_222 = tpu.memref_slice %arg7[%run_scoped3A_39, %dma_wait3A_220, %dma_wait3A_221] : memref<2x8x128xi32, #tpu.memory_space<vmem>> -> memref<1x8x128xi32, #tpu.memory_space<vmem>>
      %dma_wait3A_223 = tpu.memref_squeeze %dma_wait3A_222 : memref<1x8x128xi32, #tpu.memory_space<vmem>> -> memref<8x128xi32, #tpu.memory_space<vmem>>
      %dma_wait3A_224 = arith.constant 0 : i32
      %dma_wait3A_225 = tpu.memref_slice %arg4[%select_n3A, %dma_wait3A_224] : memref<5120x128xi32, #tpu.memory_space<hbm>> -> memref<8x128xi32, #tpu.memory_space<hbm>>
      %dma_wait3A_226 = arith.constant 0 : i32
      %dma_wait3A_227 = arith.constant 0 : i32
      %dma_wait3A_228 = tpu.memref_slice %arg7[%run_scoped3A_39, %dma_wait3A_226, %dma_wait3A_227] : memref<2x8x128xi32, #tpu.memory_space<vmem>> -> memref<1x8x128xi32, #tpu.memory_space<vmem>>
      %dma_wait3A_229 = tpu.memref_squeeze %dma_wait3A_228 : memref<1x8x128xi32, #tpu.memory_space<vmem>> -> memref<8x128xi32, #tpu.memory_space<vmem>>
      %dma_wait3A_230 = arith.constant 0 : i32
      %dma_wait3A_231 = tpu.memref_slice %arg4[%select_n3A, %dma_wait3A_230] : memref<5120x128xi32, #tpu.memory_space<hbm>> -> memref<8x128xi32, #tpu.memory_space<hbm>>
      tpu.wait_dma2 semaphore(%run_scoped3A_207 : memref<!tpu.dma_semaphore, #tpu.memory_space<semaphore_mem>>) src(%dma_wait3A_231 : memref<8x128xi32, #tpu.memory_space<hbm>>) dst(%dma_wait3A_229 : memref<8x128xi32, #tpu.memory_space<vmem>>)
      tpu.yield
    }) : () -> ()
    %barrier3A = arith.constant 0 : index
    tpu.barrier barrier_id(%barrier3A)
    %dma_start3A = arith.constant 0 : i32
    %dma_start3A_40 = arith.constant 0 : i32
    %dma_start3A_41 = arith.constant 0 : i32
    %dma_start3A_42 = arith.constant 0 : i32
    %dma_start3A_43 = arith.constant 0 : i32
    %dma_start3A_44 = arith.constant 0 : i32
    %dma_start3A_45 = tpu.memref_slice %arg8[%dma_start3A_41, %dma_start3A_43, %dma_start3A_44] : memref<5x128x128xbf16, #tpu.memory_space<vmem>> -> memref<1x128x128xbf16, #tpu.memory_space<vmem>>
    %dma_start3A_46 = tpu.memref_squeeze %dma_start3A_45 : memref<1x128x128xbf16, #tpu.memory_space<vmem>> -> memref<128x128xbf16, #tpu.memory_space<vmem>>
    %dma_start3A_47 = arith.constant 0 : i32
    %dma_start3A_48 = tpu.memref_slice %arg6[%dma_start3A, %dma_start3A_40, %dma_start3A_47] : memref<2x8x128xi32, #tpu.memory_space<vmem>> -> memref<1x1x128xi32, #tpu.memory_space<vmem>>
    %dma_start3A_49 = tpu.memref_squeeze %dma_start3A_48 : memref<1x1x128xi32, #tpu.memory_space<vmem>> -> memref<128xi32, #tpu.memory_space<vmem>>
    %dma_start3A_50 = arith.constant 0 : i32
    %dma_start3A_51 = arith.constant 0 : i32
    %dma_start3A_52 = tpu.memref_slice %arg2[%dma_start3A_50, %dma_start3A_51] : memref<20000x128xbf16, #tpu.memory_space<hbm>> -> memref<20000x128xbf16, #tpu.memory_space<hbm>>
    %dma_start3A_53 = tpu.memref_slice %arg10[%dma_start3A_42] : memref<5x!tpu.dma_semaphore, #tpu.memory_space<semaphore_mem>> -> memref<1x!tpu.dma_semaphore, #tpu.memory_space<semaphore_mem>>
    %dma_start3A_54 = tpu.memref_squeeze %dma_start3A_53 : memref<1x!tpu.dma_semaphore, #tpu.memory_space<semaphore_mem>> -> memref<!tpu.dma_semaphore, #tpu.memory_space<semaphore_mem>>
    tpu.enqueue_indirect_dma source(%dma_start3A_52 : memref<20000x128xbf16, #tpu.memory_space<hbm>>) target(%dma_start3A_46 : memref<128x128xbf16, #tpu.memory_space<vmem>>) offsets(%dma_start3A_49 : memref<128xi32, #tpu.memory_space<vmem>>) semaphore(%dma_start3A_54 : memref<!tpu.dma_semaphore, #tpu.memory_space<semaphore_mem>>)
    %dma_start3A_55 = arith.constant 0 : i32
    %dma_start3A_56 = arith.constant 1 : i32
    %dma_start3A_57 = arith.constant 1 : i32
    %dma_start3A_58 = arith.constant 1 : i32
    %dma_start3A_59 = arith.constant 0 : i32
    %dma_start3A_60 = arith.constant 0 : i32
    %dma_start3A_61 = tpu.memref_slice %arg8[%dma_start3A_57, %dma_start3A_59, %dma_start3A_60] : memref<5x128x128xbf16, #tpu.memory_space<vmem>> -> memref<1x128x128xbf16, #tpu.memory_space<vmem>>
    %dma_start3A_62 = tpu.memref_squeeze %dma_start3A_61 : memref<1x128x128xbf16, #tpu.memory_space<vmem>> -> memref<128x128xbf16, #tpu.memory_space<vmem>>
    %dma_start3A_63 = arith.constant 0 : i32
    %dma_start3A_64 = tpu.memref_slice %arg6[%dma_start3A_55, %dma_start3A_56, %dma_start3A_63] : memref<2x8x128xi32, #tpu.memory_space<vmem>> -> memref<1x1x128xi32, #tpu.memory_space<vmem>>
    %dma_start3A_65 = tpu.memref_squeeze %dma_start3A_64 : memref<1x1x128xi32, #tpu.memory_space<vmem>> -> memref<128xi32, #tpu.memory_space<vmem>>
    %dma_start3A_66 = arith.constant 0 : i32
    %dma_start3A_67 = arith.constant 0 : i32
    %dma_start3A_68 = tpu.memref_slice %arg2[%dma_start3A_66, %dma_start3A_67] : memref<20000x128xbf16, #tpu.memory_space<hbm>> -> memref<20000x128xbf16, #tpu.memory_space<hbm>>
    %dma_start3A_69 = tpu.memref_slice %arg10[%dma_start3A_58] : memref<5x!tpu.dma_semaphore, #tpu.memory_space<semaphore_mem>> -> memref<1x!tpu.dma_semaphore, #tpu.memory_space<semaphore_mem>>
    %dma_start3A_70 = tpu.memref_squeeze %dma_start3A_69 : memref<1x!tpu.dma_semaphore, #tpu.memory_space<semaphore_mem>> -> memref<!tpu.dma_semaphore, #tpu.memory_space<semaphore_mem>>
    tpu.enqueue_indirect_dma source(%dma_start3A_68 : memref<20000x128xbf16, #tpu.memory_space<hbm>>) target(%dma_start3A_62 : memref<128x128xbf16, #tpu.memory_space<vmem>>) offsets(%dma_start3A_65 : memref<128xi32, #tpu.memory_space<vmem>>) semaphore(%dma_start3A_70 : memref<!tpu.dma_semaphore, #tpu.memory_space<semaphore_mem>>)
    %dma_start3A_71 = arith.constant 0 : i32
    %dma_start3A_72 = arith.constant 2 : i32
    %dma_start3A_73 = arith.constant 2 : i32
    %dma_start3A_74 = arith.constant 2 : i32
    %dma_start3A_75 = arith.constant 0 : i32
    %dma_start3A_76 = arith.constant 0 : i32
    %dma_start3A_77 = tpu.memref_slice %arg8[%dma_start3A_73, %dma_start3A_75, %dma_start3A_76] : memref<5x128x128xbf16, #tpu.memory_space<vmem>> -> memref<1x128x128xbf16, #tpu.memory_space<vmem>>
    %dma_start3A_78 = tpu.memref_squeeze %dma_start3A_77 : memref<1x128x128xbf16, #tpu.memory_space<vmem>> -> memref<128x128xbf16, #tpu.memory_space<vmem>>
    %dma_start3A_79 = arith.constant 0 : i32
    %dma_start3A_80 = tpu.memref_slice %arg6[%dma_start3A_71, %dma_start3A_72, %dma_start3A_79] : memref<2x8x128xi32, #tpu.memory_space<vmem>> -> memref<1x1x128xi32, #tpu.memory_space<vmem>>
    %dma_start3A_81 = tpu.memref_squeeze %dma_start3A_80 : memref<1x1x128xi32, #tpu.memory_space<vmem>> -> memref<128xi32, #tpu.memory_space<vmem>>
    %dma_start3A_82 = arith.constant 0 : i32
    %dma_start3A_83 = arith.constant 0 : i32
    %dma_start3A_84 = tpu.memref_slice %arg2[%dma_start3A_82, %dma_start3A_83] : memref<20000x128xbf16, #tpu.memory_space<hbm>> -> memref<20000x128xbf16, #tpu.memory_space<hbm>>
    %dma_start3A_85 = tpu.memref_slice %arg10[%dma_start3A_74] : memref<5x!tpu.dma_semaphore, #tpu.memory_space<semaphore_mem>> -> memref<1x!tpu.dma_semaphore, #tpu.memory_space<semaphore_mem>>
    %dma_start3A_86 = tpu.memref_squeeze %dma_start3A_85 : memref<1x!tpu.dma_semaphore, #tpu.memory_space<semaphore_mem>> -> memref<!tpu.dma_semaphore, #tpu.memory_space<semaphore_mem>>
    tpu.enqueue_indirect_dma source(%dma_start3A_84 : memref<20000x128xbf16, #tpu.memory_space<hbm>>) target(%dma_start3A_78 : memref<128x128xbf16, #tpu.memory_space<vmem>>) offsets(%dma_start3A_81 : memref<128xi32, #tpu.memory_space<vmem>>) semaphore(%dma_start3A_86 : memref<!tpu.dma_semaphore, #tpu.memory_space<semaphore_mem>>)
    %dma_start3A_87 = arith.constant 0 : i32
    %dma_start3A_88 = arith.constant 3 : i32
    %dma_start3A_89 = arith.constant 3 : i32
    %dma_start3A_90 = arith.constant 3 : i32
    %dma_start3A_91 = arith.constant 0 : i32
    %dma_start3A_92 = arith.constant 0 : i32
    %dma_start3A_93 = tpu.memref_slice %arg8[%dma_start3A_89, %dma_start3A_91, %dma_start3A_92] : memref<5x128x128xbf16, #tpu.memory_space<vmem>> -> memref<1x128x128xbf16, #tpu.memory_space<vmem>>
    %dma_start3A_94 = tpu.memref_squeeze %dma_start3A_93 : memref<1x128x128xbf16, #tpu.memory_space<vmem>> -> memref<128x128xbf16, #tpu.memory_space<vmem>>
    %dma_start3A_95 = arith.constant 0 : i32
    %dma_start3A_96 = tpu.memref_slice %arg6[%dma_start3A_87, %dma_start3A_88, %dma_start3A_95] : memref<2x8x128xi32, #tpu.memory_space<vmem>> -> memref<1x1x128xi32, #tpu.memory_space<vmem>>
    %dma_start3A_97 = tpu.memref_squeeze %dma_start3A_96 : memref<1x1x128xi32, #tpu.memory_space<vmem>> -> memref<128xi32, #tpu.memory_space<vmem>>
    %dma_start3A_98 = arith.constant 0 : i32
    %dma_start3A_99 = arith.constant 0 : i32
    %dma_start3A_100 = tpu.memref_slice %arg2[%dma_start3A_98, %dma_start3A_99] : memref<20000x128xbf16, #tpu.memory_space<hbm>> -> memref<20000x128xbf16, #tpu.memory_space<hbm>>
    %dma_start3A_101 = tpu.memref_slice %arg10[%dma_start3A_90] : memref<5x!tpu.dma_semaphore, #tpu.memory_space<semaphore_mem>> -> memref<1x!tpu.dma_semaphore, #tpu.memory_space<semaphore_mem>>
    %dma_start3A_102 = tpu.memref_squeeze %dma_start3A_101 : memref<1x!tpu.dma_semaphore, #tpu.memory_space<semaphore_mem>> -> memref<!tpu.dma_semaphore, #tpu.memory_space<semaphore_mem>>
    tpu.enqueue_indirect_dma source(%dma_start3A_100 : memref<20000x128xbf16, #tpu.memory_space<hbm>>) target(%dma_start3A_94 : memref<128x128xbf16, #tpu.memory_space<vmem>>) offsets(%dma_start3A_97 : memref<128xi32, #tpu.memory_space<vmem>>) semaphore(%dma_start3A_102 : memref<!tpu.dma_semaphore, #tpu.memory_space<semaphore_mem>>)
    %while3A = arith.constant 0 : i32
    %while3A_103 = arith.constant 0 : i32
    %while3A_104 = arith.subi %select_n3A_8, %while3A_103 : i32
    %while3A_105 = arith.addi %while3A_103, %while3A_104 : i32
    %while3A_106 = arith.constant 1 : i32
    %while3A_107 = arith.divsi %while3A_104, %while3A_106 : i32
    %while3A_108 = arith.muli %while3A_107, %while3A_106 : i32
    %while3A_109 = arith.addi %while3A_103, %while3A_108 : i32
    %while3A_110 = arith.constant 1 : i32
    scf.for %while3A_207 = %while3A_103 to %while3A_109 step %while3A_110  : i32 {
      %jit3A_208 = arith.constant 8 : i32
      %div3A_209 = arith.divsi %while3A_207, %jit3A_208 : i32
      %sign3A_210 = arith.constant 0 : i32
      %sign3A_211 = arith.cmpi sgt, %while3A_207, %sign3A_210 : i32
      %sign3A_212 = arith.extui %sign3A_211 : i1 to i32
      %sign3A_213 = arith.constant 0 : i32
      %sign3A_214 = arith.cmpi slt, %while3A_207, %sign3A_213 : i32
      %sign3A_215 = arith.extui %sign3A_214 : i1 to i32
      %sign3A_216 = arith.subi %sign3A_212, %sign3A_215 : i32
      %sign3A_217 = arith.constant 0 : i32
      %sign3A_218 = arith.cmpi sgt, %jit3A_208, %sign3A_217 : i32
      %sign3A_219 = arith.extui %sign3A_218 : i1 to i32
      %sign3A_220 = arith.constant 0 : i32
      %sign3A_221 = arith.cmpi slt, %jit3A_208, %sign3A_220 : i32
      %sign3A_222 = arith.extui %sign3A_221 : i1 to i32
      %sign3A_223 = arith.subi %sign3A_219, %sign3A_222 : i32
      %ne3A_224 = arith.cmpi ne, %sign3A_216, %sign3A_223 : i32
      %rem3A_225 = arith.remsi %while3A_207, %jit3A_208 : i32
      %ne3A_226 = arith.constant 0 : i32
      %ne3A_227 = arith.cmpi ne, %rem3A_225, %ne3A_226 : i32
      %and3A_228 = arith.andi %ne3A_224, %ne3A_227 : i1
      %sub3A_229 = arith.constant 1 : i32
      %sub3A_230 = arith.subi %div3A_209, %sub3A_229 : i32
      %select_n3A_231 = arith.select %and3A_228, %sub3A_230, %div3A_209 : i32
      %jit3A_232 = arith.constant 5 : i32
      %eq3A_233 = arith.constant 0 : i32
      %eq3A_234 = arith.cmpi eq, %jit3A_232, %eq3A_233 : i32
      %jit3A_235 = arith.constant 1 : i32
      %select_n3A_236 = arith.select %eq3A_234, %jit3A_235, %jit3A_232 : i32
      %rem3A_237 = arith.remsi %while3A_207, %select_n3A_236 : i32
      %ne3A_238 = arith.constant 0 : i32
      %ne3A_239 = arith.cmpi ne, %rem3A_237, %ne3A_238 : i32
      %lt3A_240 = arith.constant 0 : i32
      %lt3A_241 = arith.cmpi slt, %rem3A_237, %lt3A_240 : i32
      %lt3A_242 = arith.constant 0 : i32
      %lt3A_243 = arith.cmpi slt, %select_n3A_236, %lt3A_242 : i32
      %ne3A_244 = arith.xori %lt3A_241, %lt3A_243 : i1
      %and3A_245 = arith.andi %ne3A_244, %ne3A_239 : i1
      %add3A_246 = arith.addi %rem3A_237, %select_n3A_236 : i32
      %select_n3A_247 = arith.select %and3A_245, %add3A_246, %rem3A_237 : i32
      %jit3A_248 = arith.constant 2 : i32
      %eq3A_249 = arith.constant 0 : i32
      %eq3A_250 = arith.cmpi eq, %jit3A_248, %eq3A_249 : i32
      %jit3A_251 = arith.constant 1 : i32
      %select_n3A_252 = arith.select %eq3A_250, %jit3A_251, %jit3A_248 : i32
      %rem3A_253 = arith.remsi %select_n3A_231, %select_n3A_252 : i32
      %ne3A_254 = arith.constant 0 : i32
      %ne3A_255 = arith.cmpi ne, %rem3A_253, %ne3A_254 : i32
      %lt3A_256 = arith.constant 0 : i32
      %lt3A_257 = arith.cmpi slt, %rem3A_253, %lt3A_256 : i32
      %lt3A_258 = arith.constant 0 : i32
      %lt3A_259 = arith.cmpi slt, %select_n3A_252, %lt3A_258 : i32
      %ne3A_260 = arith.xori %lt3A_257, %lt3A_259 : i1
      %and3A_261 = arith.andi %ne3A_260, %ne3A_255 : i1
      %add3A_262 = arith.addi %rem3A_253, %select_n3A_252 : i32
      %select_n3A_263 = arith.select %and3A_261, %add3A_262, %rem3A_253 : i32
      %mul3A_264 = arith.constant 8 : i32
      %mul3A_265 = arith.muli %select_n3A_231, %mul3A_264 : i32
      %sub3A_266 = arith.subi %while3A_207, %mul3A_265 : i32
      %dma_wait3A_267 = arith.constant 0 : i32
      %dma_wait3A_268 = arith.constant 0 : i32
      %dma_wait3A_269 = tpu.memref_slice %arg8[%select_n3A_247, %dma_wait3A_267, %dma_wait3A_268] : memref<5x128x128xbf16, #tpu.memory_space<vmem>> -> memref<1x128x128xbf16, #tpu.memory_space<vmem>>
      %dma_wait3A_270 = tpu.memref_squeeze %dma_wait3A_269 : memref<1x128x128xbf16, #tpu.memory_space<vmem>> -> memref<128x128xbf16, #tpu.memory_space<vmem>>
      %dma_wait3A_271 = arith.constant 0 : i32
      %dma_wait3A_272 = tpu.memref_slice %arg6[%select_n3A_263, %sub3A_266, %dma_wait3A_271] : memref<2x8x128xi32, #tpu.memory_space<vmem>> -> memref<1x1x128xi32, #tpu.memory_space<vmem>>
      %dma_wait3A_273 = tpu.memref_squeeze %dma_wait3A_272 : memref<1x1x128xi32, #tpu.memory_space<vmem>> -> memref<128xi32, #tpu.memory_space<vmem>>
      %dma_wait3A_274 = arith.constant 0 : i32
      %dma_wait3A_275 = arith.constant 0 : i32
      %dma_wait3A_276 = tpu.memref_slice %arg2[%dma_wait3A_274, %dma_wait3A_275] : memref<20000x128xbf16, #tpu.memory_space<hbm>> -> memref<20000x128xbf16, #tpu.memory_space<hbm>>
      %dma_wait3A_277 = tpu.memref_slice %arg10[%select_n3A_247] : memref<5x!tpu.dma_semaphore, #tpu.memory_space<semaphore_mem>> -> memref<1x!tpu.dma_semaphore, #tpu.memory_space<semaphore_mem>>
      %dma_wait3A_278 = tpu.memref_squeeze %dma_wait3A_277 : memref<1x!tpu.dma_semaphore, #tpu.memory_space<semaphore_mem>> -> memref<!tpu.dma_semaphore, #tpu.memory_space<semaphore_mem>>
      tpu.wait_indirect_dma semaphore(%dma_wait3A_278 : memref<!tpu.dma_semaphore, #tpu.memory_space<semaphore_mem>>) src(%dma_wait3A_276 : memref<20000x128xbf16, #tpu.memory_space<hbm>>) dst(%dma_wait3A_270 : memref<128x128xbf16, #tpu.memory_space<vmem>>)
      %dma_start3A_279 = arith.constant 0 : i32
      %dma_start3A_280 = arith.constant 0 : i32
      %dma_start3A_281 = tpu.memref_slice %arg8[%select_n3A_247, %dma_start3A_279, %dma_start3A_280] : memref<5x128x128xbf16, #tpu.memory_space<vmem>> -> memref<1x128x128xbf16, #tpu.memory_space<vmem>>
      %dma_start3A_282 = tpu.memref_squeeze %dma_start3A_281 : memref<1x128x128xbf16, #tpu.memory_space<vmem>> -> memref<128x128xbf16, #tpu.memory_space<vmem>>
      %dma_start3A_283 = arith.constant 0 : i32
      %dma_start3A_284 = tpu.memref_slice %arg7[%select_n3A_263, %sub3A_266, %dma_start3A_283] : memref<2x8x128xi32, #tpu.memory_space<vmem>> -> memref<1x1x128xi32, #tpu.memory_space<vmem>>
      %dma_start3A_285 = tpu.memref_squeeze %dma_start3A_284 : memref<1x1x128xi32, #tpu.memory_space<vmem>> -> memref<128xi32, #tpu.memory_space<vmem>>
      %dma_start3A_286 = arith.constant 0 : i32
      %dma_start3A_287 = arith.constant 0 : i32
      %dma_start3A_288 = tpu.memref_slice %arg9[%dma_start3A_286, %dma_start3A_287] : memref<20480x128xbf16, #tpu.memory_space<vmem_shared>> -> memref<20480x128xbf16, #tpu.memory_space<vmem_shared>>
      %dma_start3A_289 = tpu.memref_slice %arg11[%select_n3A_247] : memref<5x!tpu.dma_semaphore, #tpu.memory_space<semaphore_mem>> -> memref<1x!tpu.dma_semaphore, #tpu.memory_space<semaphore_mem>>
      %dma_start3A_290 = tpu.memref_squeeze %dma_start3A_289 : memref<1x!tpu.dma_semaphore, #tpu.memory_space<semaphore_mem>> -> memref<!tpu.dma_semaphore, #tpu.memory_space<semaphore_mem>>
      tpu.enqueue_indirect_dma source(%dma_start3A_282 : memref<128x128xbf16, #tpu.memory_space<vmem>>) target(%dma_start3A_288 : memref<20480x128xbf16, #tpu.memory_space<vmem_shared>>) offsets(%dma_start3A_285 : memref<128xi32, #tpu.memory_space<vmem>>) semaphore(%dma_start3A_290 : memref<!tpu.dma_semaphore, #tpu.memory_space<semaphore_mem>>) {add = true}
      %gt3A = arith.constant 0 : i32
      %gt3A_291 = arith.cmpi sgt, %while3A_207, %gt3A : i32
      %convert_element_type3A_292 = arith.extui %gt3A_291 : i1 to i32
      %cond3A_293 = arith.constant 0 : i32
      %cond3A_294 = arith.cmpi ne, %convert_element_type3A_292, %cond3A_293 : i32
      scf.if %cond3A_294 {
        %sub3A_321 = arith.constant 1 : i32
        %sub3A_322 = arith.subi %while3A_207, %sub3A_321 : i32
        %jit3A_323 = arith.constant 8 : i32
        %div3A_324 = arith.divsi %sub3A_322, %jit3A_323 : i32
        %sign3A_325 = arith.constant 0 : i32
        %sign3A_326 = arith.cmpi sgt, %sub3A_322, %sign3A_325 : i32
        %sign3A_327 = arith.extui %sign3A_326 : i1 to i32
        %sign3A_328 = arith.constant 0 : i32
        %sign3A_329 = arith.cmpi slt, %sub3A_322, %sign3A_328 : i32
        %sign3A_330 = arith.extui %sign3A_329 : i1 to i32
        %sign3A_331 = arith.subi %sign3A_327, %sign3A_330 : i32
        %sign3A_332 = arith.constant 0 : i32
        %sign3A_333 = arith.cmpi sgt, %jit3A_323, %sign3A_332 : i32
        %sign3A_334 = arith.extui %sign3A_333 : i1 to i32
        %sign3A_335 = arith.constant 0 : i32
        %sign3A_336 = arith.cmpi slt, %jit3A_323, %sign3A_335 : i32
        %sign3A_337 = arith.extui %sign3A_336 : i1 to i32
        %sign3A_338 = arith.subi %sign3A_334, %sign3A_337 : i32
        %ne3A_339 = arith.cmpi ne, %sign3A_331, %sign3A_338 : i32
        %rem3A_340 = arith.remsi %sub3A_322, %jit3A_323 : i32
        %ne3A_341 = arith.constant 0 : i32
        %ne3A_342 = arith.cmpi ne, %rem3A_340, %ne3A_341 : i32
        %and3A_343 = arith.andi %ne3A_339, %ne3A_342 : i1
        %sub3A_344 = arith.constant 1 : i32
        %sub3A_345 = arith.subi %div3A_324, %sub3A_344 : i32
        %select_n3A_346 = arith.select %and3A_343, %sub3A_345, %div3A_324 : i32
        %jit3A_347 = arith.constant 5 : i32
        %eq3A_348 = arith.constant 0 : i32
        %eq3A_349 = arith.cmpi eq, %jit3A_347, %eq3A_348 : i32
        %jit3A_350 = arith.constant 1 : i32
        %select_n3A_351 = arith.select %eq3A_349, %jit3A_350, %jit3A_347 : i32
        %rem3A_352 = arith.remsi %sub3A_322, %select_n3A_351 : i32
        %ne3A_353 = arith.constant 0 : i32
        %ne3A_354 = arith.cmpi ne, %rem3A_352, %ne3A_353 : i32
        %lt3A_355 = arith.constant 0 : i32
        %lt3A_356 = arith.cmpi slt, %rem3A_352, %lt3A_355 : i32
        %lt3A_357 = arith.constant 0 : i32
        %lt3A_358 = arith.cmpi slt, %select_n3A_351, %lt3A_357 : i32
        %ne3A_359 = arith.xori %lt3A_356, %lt3A_358 : i1
        %and3A_360 = arith.andi %ne3A_359, %ne3A_354 : i1
        %add3A_361 = arith.addi %rem3A_352, %select_n3A_351 : i32
        %select_n3A_362 = arith.select %and3A_360, %add3A_361, %rem3A_352 : i32
        %jit3A_363 = arith.constant 2 : i32
        %eq3A_364 = arith.constant 0 : i32
        %eq3A_365 = arith.cmpi eq, %jit3A_363, %eq3A_364 : i32
        %jit3A_366 = arith.constant 1 : i32
        %select_n3A_367 = arith.select %eq3A_365, %jit3A_366, %jit3A_363 : i32
        %rem3A_368 = arith.remsi %select_n3A_346, %select_n3A_367 : i32
        %ne3A_369 = arith.constant 0 : i32
        %ne3A_370 = arith.cmpi ne, %rem3A_368, %ne3A_369 : i32
        %lt3A_371 = arith.constant 0 : i32
        %lt3A_372 = arith.cmpi slt, %rem3A_368, %lt3A_371 : i32
        %lt3A_373 = arith.constant 0 : i32
        %lt3A_374 = arith.cmpi slt, %select_n3A_367, %lt3A_373 : i32
        %ne3A_375 = arith.xori %lt3A_372, %lt3A_374 : i1
        %and3A_376 = arith.andi %ne3A_375, %ne3A_370 : i1
        %add3A_377 = arith.addi %rem3A_368, %select_n3A_367 : i32
        %select_n3A_378 = arith.select %and3A_376, %add3A_377, %rem3A_368 : i32
        %mul3A_379 = arith.constant 8 : i32
        %mul3A_380 = arith.muli %select_n3A_346, %mul3A_379 : i32
        %sub3A_381 = arith.subi %sub3A_322, %mul3A_380 : i32
        %dma_wait3A_382 = arith.constant 0 : i32
        %dma_wait3A_383 = arith.constant 0 : i32
        %dma_wait3A_384 = tpu.memref_slice %arg8[%select_n3A_362, %dma_wait3A_382, %dma_wait3A_383] : memref<5x128x128xbf16, #tpu.memory_space<vmem>> -> memref<1x128x128xbf16, #tpu.memory_space<vmem>>
        %dma_wait3A_385 = tpu.memref_squeeze %dma_wait3A_384 : memref<1x128x128xbf16, #tpu.memory_space<vmem>> -> memref<128x128xbf16, #tpu.memory_space<vmem>>
        %dma_wait3A_386 = arith.constant 0 : i32
        %dma_wait3A_387 = tpu.memref_slice %arg7[%select_n3A_378, %sub3A_381, %dma_wait3A_386] : memref<2x8x128xi32, #tpu.memory_space<vmem>> -> memref<1x1x128xi32, #tpu.memory_space<vmem>>
        %dma_wait3A_388 = tpu.memref_squeeze %dma_wait3A_387 : memref<1x1x128xi32, #tpu.memory_space<vmem>> -> memref<128xi32, #tpu.memory_space<vmem>>
        %dma_wait3A_389 = arith.constant 0 : i32
        %dma_wait3A_390 = arith.constant 0 : i32
        %dma_wait3A_391 = tpu.memref_slice %arg9[%dma_wait3A_389, %dma_wait3A_390] : memref<20480x128xbf16, #tpu.memory_space<vmem_shared>> -> memref<20480x128xbf16, #tpu.memory_space<vmem_shared>>
        %dma_wait3A_392 = tpu.memref_slice %arg11[%select_n3A_362] : memref<5x!tpu.dma_semaphore, #tpu.memory_space<semaphore_mem>> -> memref<1x!tpu.dma_semaphore, #tpu.memory_space<semaphore_mem>>
        %dma_wait3A_393 = tpu.memref_squeeze %dma_wait3A_392 : memref<1x!tpu.dma_semaphore, #tpu.memory_space<semaphore_mem>> -> memref<!tpu.dma_semaphore, #tpu.memory_space<semaphore_mem>>
        tpu.wait_indirect_dma semaphore(%dma_wait3A_393 : memref<!tpu.dma_semaphore, #tpu.memory_space<semaphore_mem>>) src(%dma_wait3A_385 : memref<128x128xbf16, #tpu.memory_space<vmem>>) dst(%dma_wait3A_391 : memref<20480x128xbf16, #tpu.memory_space<vmem_shared>>)
      } else {
      }
      %eq3A_295 = arith.constant 0 : i32
      %eq3A_296 = arith.cmpi eq, %sub3A_266, %eq3A_295 : i32
      %add3A_297 = arith.constant 1 : i32
      %add3A_298 = arith.addi %select_n3A_231, %add3A_297 : i32
      %lt3A_299 = arith.cmpi slt, %add3A_298, %select_n3A_26 : i32
      %and3A_300 = arith.andi %eq3A_296, %lt3A_299 : i1
      %convert_element_type3A_301 = arith.extui %and3A_300 : i1 to i32
      %cond3A_302 = arith.constant 0 : i32
      %cond3A_303 = arith.cmpi ne, %convert_element_type3A_301, %cond3A_302 : i32
      scf.if %cond3A_303 {
        %add3A_321 = arith.constant 1 : i32
        %add3A_322 = arith.addi %select_n3A_231, %add3A_321 : i32
        %jit3A_323 = arith.constant 2 : i32
        %eq3A_324 = arith.constant 0 : i32
        %eq3A_325 = arith.cmpi eq, %jit3A_323, %eq3A_324 : i32
        %jit3A_326 = arith.constant 1 : i32
        %select_n3A_327 = arith.select %eq3A_325, %jit3A_326, %jit3A_323 : i32
        %rem3A_328 = arith.remsi %add3A_322, %select_n3A_327 : i32
        %ne3A_329 = arith.constant 0 : i32
        %ne3A_330 = arith.cmpi ne, %rem3A_328, %ne3A_329 : i32
        %lt3A_331 = arith.constant 0 : i32
        %lt3A_332 = arith.cmpi slt, %rem3A_328, %lt3A_331 : i32
        %lt3A_333 = arith.constant 0 : i32
        %lt3A_334 = arith.cmpi slt, %select_n3A_327, %lt3A_333 : i32
        %ne3A_335 = arith.xori %lt3A_332, %lt3A_334 : i1
        %and3A_336 = arith.andi %ne3A_335, %ne3A_330 : i1
        %add3A_337 = arith.addi %rem3A_328, %select_n3A_327 : i32
        %select_n3A_338 = arith.select %and3A_336, %add3A_337, %rem3A_328 : i32
        %add3A_339 = arith.constant 1 : i32
        %add3A_340 = arith.addi %select_n3A_231, %add3A_339 : i32
        %mul3A_341 = arith.constant 8 : i32
        %mul3A_342 = arith.muli %mul3A_341, %add3A_340 : i32
        %add3A_343 = arith.addi %select_n3A, %mul3A_342 : i32
        %dma_start3A_344 = arith.constant 0 : i32
        %dma_start3A_345 = arith.constant 0 : i32
        %dma_start3A_346 = tpu.memref_slice %arg6[%select_n3A_338, %dma_start3A_344, %dma_start3A_345] : memref<2x8x128xi32, #tpu.memory_space<vmem>> -> memref<1x8x128xi32, #tpu.memory_space<vmem>>
        %dma_start3A_347 = tpu.memref_squeeze %dma_start3A_346 : memref<1x8x128xi32, #tpu.memory_space<vmem>> -> memref<8x128xi32, #tpu.memory_space<vmem>>
        %dma_start3A_348 = arith.constant 0 : i32
        %dma_start3A_349 = tpu.memref_slice %arg3[%add3A_343, %dma_start3A_348] : memref<5120x128xi32, #tpu.memory_space<hbm>> -> memref<8x128xi32, #tpu.memory_space<hbm>>
        %dma_start3A_350 = arith.constant 0 : i32
        %dma_start3A_351 = arith.constant 0 : i32
        %dma_start3A_352 = tpu.memref_slice %arg6[%select_n3A_338, %dma_start3A_350, %dma_start3A_351] : memref<2x8x128xi32, #tpu.memory_space<vmem>> -> memref<1x8x128xi32, #tpu.memory_space<vmem>>
        %dma_start3A_353 = tpu.memref_squeeze %dma_start3A_352 : memref<1x8x128xi32, #tpu.memory_space<vmem>> -> memref<8x128xi32, #tpu.memory_space<vmem>>
        %dma_start3A_354 = arith.constant 0 : i32
        %dma_start3A_355 = tpu.memref_slice %arg3[%add3A_343, %dma_start3A_354] : memref<5120x128xi32, #tpu.memory_space<hbm>> -> memref<8x128xi32, #tpu.memory_space<hbm>>
        tpu.enqueue_dma source(%dma_start3A_355 : memref<8x128xi32, #tpu.memory_space<hbm>>) target(%dma_start3A_353 : memref<8x128xi32, #tpu.memory_space<vmem>>) target_semaphore(%arg12 : memref<!tpu.dma_semaphore, #tpu.memory_space<semaphore_mem>>)
        %add3A_356 = arith.constant 1 : i32
        %add3A_357 = arith.addi %select_n3A_231, %add3A_356 : i32
        %mul3A_358 = arith.constant 8 : i32
        %mul3A_359 = arith.muli %mul3A_358, %add3A_357 : i32
        %add3A_360 = arith.addi %select_n3A, %mul3A_359 : i32
        %dma_start3A_361 = arith.constant 0 : i32
        %dma_start3A_362 = arith.constant 0 : i32
        %dma_start3A_363 = tpu.memref_slice %arg7[%select_n3A_338, %dma_start3A_361, %dma_start3A_362] : memref<2x8x128xi32, #tpu.memory_space<vmem>> -> memref<1x8x128xi32, #tpu.memory_space<vmem>>
        %dma_start3A_364 = tpu.memref_squeeze %dma_start3A_363 : memref<1x8x128xi32, #tpu.memory_space<vmem>> -> memref<8x128xi32, #tpu.memory_space<vmem>>
        %dma_start3A_365 = arith.constant 0 : i32
        %dma_start3A_366 = tpu.memref_slice %arg4[%add3A_360, %dma_start3A_365] : memref<5120x128xi32, #tpu.memory_space<hbm>> -> memref<8x128xi32, #tpu.memory_space<hbm>>
        %dma_start3A_367 = arith.constant 0 : i32
        %dma_start3A_368 = arith.constant 0 : i32
        %dma_start3A_369 = tpu.memref_slice %arg7[%select_n3A_338, %dma_start3A_367, %dma_start3A_368] : memref<2x8x128xi32, #tpu.memory_space<vmem>> -> memref<1x8x128xi32, #tpu.memory_space<vmem>>
        %dma_start3A_370 = tpu.memref_squeeze %dma_start3A_369 : memref<1x8x128xi32, #tpu.memory_space<vmem>> -> memref<8x128xi32, #tpu.memory_space<vmem>>
        %dma_start3A_371 = arith.constant 0 : i32
        %dma_start3A_372 = tpu.memref_slice %arg4[%add3A_360, %dma_start3A_371] : memref<5120x128xi32, #tpu.memory_space<hbm>> -> memref<8x128xi32, #tpu.memory_space<hbm>>
        tpu.enqueue_dma source(%dma_start3A_372 : memref<8x128xi32, #tpu.memory_space<hbm>>) target(%dma_start3A_370 : memref<8x128xi32, #tpu.memory_space<vmem>>) target_semaphore(%arg12 : memref<!tpu.dma_semaphore, #tpu.memory_space<semaphore_mem>>)
      } else {
      }
      %eq3A_304 = arith.constant 4 : i32
      %eq3A_305 = arith.cmpi eq, %sub3A_266, %eq3A_304 : i32
      %add3A_306 = arith.constant 1 : i32
      %add3A_307 = arith.addi %select_n3A_231, %add3A_306 : i32
      %lt3A_308 = arith.cmpi slt, %add3A_307, %select_n3A_26 : i32
      %and3A_309 = arith.andi %eq3A_305, %lt3A_308 : i1
      %convert_element_type3A_310 = arith.extui %and3A_309 : i1 to i32
      %cond3A_311 = arith.constant 0 : i32
      %cond3A_312 = arith.cmpi ne, %convert_element_type3A_310, %cond3A_311 : i32
      scf.if %cond3A_312 {
        %add3A_321 = arith.constant 1 : i32
        %add3A_322 = arith.addi %select_n3A_231, %add3A_321 : i32
        %jit3A_323 = arith.constant 2 : i32
        %eq3A_324 = arith.constant 0 : i32
        %eq3A_325 = arith.cmpi eq, %jit3A_323, %eq3A_324 : i32
        %jit3A_326 = arith.constant 1 : i32
        %select_n3A_327 = arith.select %eq3A_325, %jit3A_326, %jit3A_323 : i32
        %rem3A_328 = arith.remsi %add3A_322, %select_n3A_327 : i32
        %ne3A_329 = arith.constant 0 : i32
        %ne3A_330 = arith.cmpi ne, %rem3A_328, %ne3A_329 : i32
        %lt3A_331 = arith.constant 0 : i32
        %lt3A_332 = arith.cmpi slt, %rem3A_328, %lt3A_331 : i32
        %lt3A_333 = arith.constant 0 : i32
        %lt3A_334 = arith.cmpi slt, %select_n3A_327, %lt3A_333 : i32
        %ne3A_335 = arith.xori %lt3A_332, %lt3A_334 : i1
        %and3A_336 = arith.andi %ne3A_335, %ne3A_330 : i1
        %add3A_337 = arith.addi %rem3A_328, %select_n3A_327 : i32
        %select_n3A_338 = arith.select %and3A_336, %add3A_337, %rem3A_328 : i32
        %add3A_339 = arith.constant 1 : i32
        %add3A_340 = arith.addi %select_n3A_231, %add3A_339 : i32
        %mul3A_341 = arith.constant 8 : i32
        %mul3A_342 = arith.muli %mul3A_341, %add3A_340 : i32
        %add3A_343 = arith.addi %select_n3A, %mul3A_342 : i32
        %dma_wait3A_344 = arith.constant 0 : i32
        %dma_wait3A_345 = arith.constant 0 : i32
        %dma_wait3A_346 = tpu.memref_slice %arg6[%select_n3A_338, %dma_wait3A_344, %dma_wait3A_345] : memref<2x8x128xi32, #tpu.memory_space<vmem>> -> memref<1x8x128xi32, #tpu.memory_space<vmem>>
        %dma_wait3A_347 = tpu.memref_squeeze %dma_wait3A_346 : memref<1x8x128xi32, #tpu.memory_space<vmem>> -> memref<8x128xi32, #tpu.memory_space<vmem>>
        %dma_wait3A_348 = arith.constant 0 : i32
        %dma_wait3A_349 = tpu.memref_slice %arg3[%add3A_343, %dma_wait3A_348] : memref<5120x128xi32, #tpu.memory_space<hbm>> -> memref<8x128xi32, #tpu.memory_space<hbm>>
        %dma_wait3A_350 = arith.constant 0 : i32
        %dma_wait3A_351 = arith.constant 0 : i32
        %dma_wait3A_352 = tpu.memref_slice %arg6[%select_n3A_338, %dma_wait3A_350, %dma_wait3A_351] : memref<2x8x128xi32, #tpu.memory_space<vmem>> -> memref<1x8x128xi32, #tpu.memory_space<vmem>>
        %dma_wait3A_353 = tpu.memref_squeeze %dma_wait3A_352 : memref<1x8x128xi32, #tpu.memory_space<vmem>> -> memref<8x128xi32, #tpu.memory_space<vmem>>
        %dma_wait3A_354 = arith.constant 0 : i32
        %dma_wait3A_355 = tpu.memref_slice %arg3[%add3A_343, %dma_wait3A_354] : memref<5120x128xi32, #tpu.memory_space<hbm>> -> memref<8x128xi32, #tpu.memory_space<hbm>>
        tpu.wait_dma2 semaphore(%arg12 : memref<!tpu.dma_semaphore, #tpu.memory_space<semaphore_mem>>) src(%dma_wait3A_355 : memref<8x128xi32, #tpu.memory_space<hbm>>) dst(%dma_wait3A_353 : memref<8x128xi32, #tpu.memory_space<vmem>>)
        %add3A_356 = arith.constant 1 : i32
        %add3A_357 = arith.addi %select_n3A_231, %add3A_356 : i32
        %mul3A_358 = arith.constant 8 : i32
        %mul3A_359 = arith.muli %mul3A_358, %add3A_357 : i32
        %add3A_360 = arith.addi %select_n3A, %mul3A_359 : i32
        %dma_wait3A_361 = arith.constant 0 : i32
        %dma_wait3A_362 = arith.constant 0 : i32
        %dma_wait3A_363 = tpu.memref_slice %arg7[%select_n3A_338, %dma_wait3A_361, %dma_wait3A_362] : memref<2x8x128xi32, #tpu.memory_space<vmem>> -> memref<1x8x128xi32, #tpu.memory_space<vmem>>
        %dma_wait3A_364 = tpu.memref_squeeze %dma_wait3A_363 : memref<1x8x128xi32, #tpu.memory_space<vmem>> -> memref<8x128xi32, #tpu.memory_space<vmem>>
        %dma_wait3A_365 = arith.constant 0 : i32
        %dma_wait3A_366 = tpu.memref_slice %arg4[%add3A_360, %dma_wait3A_365] : memref<5120x128xi32, #tpu.memory_space<hbm>> -> memref<8x128xi32, #tpu.memory_space<hbm>>
        %dma_wait3A_367 = arith.constant 0 : i32
        %dma_wait3A_368 = arith.constant 0 : i32
        %dma_wait3A_369 = tpu.memref_slice %arg7[%select_n3A_338, %dma_wait3A_367, %dma_wait3A_368] : memref<2x8x128xi32, #tpu.memory_space<vmem>> -> memref<1x8x128xi32, #tpu.memory_space<vmem>>
        %dma_wait3A_370 = tpu.memref_squeeze %dma_wait3A_369 : memref<1x8x128xi32, #tpu.memory_space<vmem>> -> memref<8x128xi32, #tpu.memory_space<vmem>>
        %dma_wait3A_371 = arith.constant 0 : i32
        %dma_wait3A_372 = tpu.memref_slice %arg4[%add3A_360, %dma_wait3A_371] : memref<5120x128xi32, #tpu.memory_space<hbm>> -> memref<8x128xi32, #tpu.memory_space<hbm>>
        tpu.wait_dma2 semaphore(%arg12 : memref<!tpu.dma_semaphore, #tpu.memory_space<semaphore_mem>>) src(%dma_wait3A_372 : memref<8x128xi32, #tpu.memory_space<hbm>>) dst(%dma_wait3A_370 : memref<8x128xi32, #tpu.memory_space<vmem>>)
      } else {
      }
      %add3A_313 = arith.constant 5 : i32
      %add3A_314 = arith.addi %while3A_207, %add3A_313 : i32
      %sub3A_315 = arith.constant 1 : i32
      %sub3A_316 = arith.subi %add3A_314, %sub3A_315 : i32
      %lt3A_317 = arith.cmpi slt, %sub3A_316, %select_n3A_8 : i32
      %convert_element_type3A_318 = arith.extui %lt3A_317 : i1 to i32
      %cond3A_319 = arith.constant 0 : i32
      %cond3A_320 = arith.cmpi ne, %convert_element_type3A_318, %cond3A_319 : i32
      scf.if %cond3A_320 {
        %jit3A_321 = arith.constant 8 : i32
        %div3A_322 = arith.divsi %sub3A_316, %jit3A_321 : i32
        %sign3A_323 = arith.constant 0 : i32
        %sign3A_324 = arith.cmpi sgt, %sub3A_316, %sign3A_323 : i32
        %sign3A_325 = arith.extui %sign3A_324 : i1 to i32
        %sign3A_326 = arith.constant 0 : i32
        %sign3A_327 = arith.cmpi slt, %sub3A_316, %sign3A_326 : i32
        %sign3A_328 = arith.extui %sign3A_327 : i1 to i32
        %sign3A_329 = arith.subi %sign3A_325, %sign3A_328 : i32
        %sign3A_330 = arith.constant 0 : i32
        %sign3A_331 = arith.cmpi sgt, %jit3A_321, %sign3A_330 : i32
        %sign3A_332 = arith.extui %sign3A_331 : i1 to i32
        %sign3A_333 = arith.constant 0 : i32
        %sign3A_334 = arith.cmpi slt, %jit3A_321, %sign3A_333 : i32
        %sign3A_335 = arith.extui %sign3A_334 : i1 to i32
        %sign3A_336 = arith.subi %sign3A_332, %sign3A_335 : i32
        %ne3A_337 = arith.cmpi ne, %sign3A_329, %sign3A_336 : i32
        %rem3A_338 = arith.remsi %sub3A_316, %jit3A_321 : i32
        %ne3A_339 = arith.constant 0 : i32
        %ne3A_340 = arith.cmpi ne, %rem3A_338, %ne3A_339 : i32
        %and3A_341 = arith.andi %ne3A_337, %ne3A_340 : i1
        %sub3A_342 = arith.constant 1 : i32
        %sub3A_343 = arith.subi %div3A_322, %sub3A_342 : i32
        %select_n3A_344 = arith.select %and3A_341, %sub3A_343, %div3A_322 : i32
        %jit3A_345 = arith.constant 2 : i32
        %eq3A_346 = arith.constant 0 : i32
        %eq3A_347 = arith.cmpi eq, %jit3A_345, %eq3A_346 : i32
        %jit3A_348 = arith.constant 1 : i32
        %select_n3A_349 = arith.select %eq3A_347, %jit3A_348, %jit3A_345 : i32
        %rem3A_350 = arith.remsi %select_n3A_344, %select_n3A_349 : i32
        %ne3A_351 = arith.constant 0 : i32
        %ne3A_352 = arith.cmpi ne, %rem3A_350, %ne3A_351 : i32
        %lt3A_353 = arith.constant 0 : i32
        %lt3A_354 = arith.cmpi slt, %rem3A_350, %lt3A_353 : i32
        %lt3A_355 = arith.constant 0 : i32
        %lt3A_356 = arith.cmpi slt, %select_n3A_349, %lt3A_355 : i32
        %ne3A_357 = arith.xori %lt3A_354, %lt3A_356 : i1
        %and3A_358 = arith.andi %ne3A_357, %ne3A_352 : i1
        %add3A_359 = arith.addi %rem3A_350, %select_n3A_349 : i32
        %select_n3A_360 = arith.select %and3A_358, %add3A_359, %rem3A_350 : i32
        %mul3A_361 = arith.constant 8 : i32
        %mul3A_362 = arith.muli %select_n3A_344, %mul3A_361 : i32
        %sub3A_363 = arith.subi %sub3A_316, %mul3A_362 : i32
        %jit3A_364 = arith.constant 5 : i32
        %eq3A_365 = arith.constant 0 : i32
        %eq3A_366 = arith.cmpi eq, %jit3A_364, %eq3A_365 : i32
        %jit3A_367 = arith.constant 1 : i32
        %select_n3A_368 = arith.select %eq3A_366, %jit3A_367, %jit3A_364 : i32
        %rem3A_369 = arith.remsi %sub3A_316, %select_n3A_368 : i32
        %ne3A_370 = arith.constant 0 : i32
        %ne3A_371 = arith.cmpi ne, %rem3A_369, %ne3A_370 : i32
        %lt3A_372 = arith.constant 0 : i32
        %lt3A_373 = arith.cmpi slt, %rem3A_369, %lt3A_372 : i32
        %lt3A_374 = arith.constant 0 : i32
        %lt3A_375 = arith.cmpi slt, %select_n3A_368, %lt3A_374 : i32
        %ne3A_376 = arith.xori %lt3A_373, %lt3A_375 : i1
        %and3A_377 = arith.andi %ne3A_376, %ne3A_371 : i1
        %add3A_378 = arith.addi %rem3A_369, %select_n3A_368 : i32
        %select_n3A_379 = arith.select %and3A_377, %add3A_378, %rem3A_369 : i32
        %jit3A_380 = arith.constant 5 : i32
        %eq3A_381 = arith.constant 0 : i32
        %eq3A_382 = arith.cmpi eq, %jit3A_380, %eq3A_381 : i32
        %jit3A_383 = arith.constant 1 : i32
        %select_n3A_384 = arith.select %eq3A_382, %jit3A_383, %jit3A_380 : i32
        %rem3A_385 = arith.remsi %sub3A_316, %select_n3A_384 : i32
        %ne3A_386 = arith.constant 0 : i32
        %ne3A_387 = arith.cmpi ne, %rem3A_385, %ne3A_386 : i32
        %lt3A_388 = arith.constant 0 : i32
        %lt3A_389 = arith.cmpi slt, %rem3A_385, %lt3A_388 : i32
        %lt3A_390 = arith.constant 0 : i32
        %lt3A_391 = arith.cmpi slt, %select_n3A_384, %lt3A_390 : i32
        %ne3A_392 = arith.xori %lt3A_389, %lt3A_391 : i1
        %and3A_393 = arith.andi %ne3A_392, %ne3A_387 : i1
        %add3A_394 = arith.addi %rem3A_385, %select_n3A_384 : i32
        %select_n3A_395 = arith.select %and3A_393, %add3A_394, %rem3A_385 : i32
        %dma_start3A_396 = arith.constant 0 : i32
        %dma_start3A_397 = arith.constant 0 : i32
        %dma_start3A_398 = tpu.memref_slice %arg8[%select_n3A_379, %dma_start3A_396, %dma_start3A_397] : memref<5x128x128xbf16, #tpu.memory_space<vmem>> -> memref<1x128x128xbf16, #tpu.memory_space<vmem>>
        %dma_start3A_399 = tpu.memref_squeeze %dma_start3A_398 : memref<1x128x128xbf16, #tpu.memory_space<vmem>> -> memref<128x128xbf16, #tpu.memory_space<vmem>>
        %dma_start3A_400 = arith.constant 0 : i32
        %dma_start3A_401 = tpu.memref_slice %arg6[%select_n3A_360, %sub3A_363, %dma_start3A_400] : memref<2x8x128xi32, #tpu.memory_space<vmem>> -> memref<1x1x128xi32, #tpu.memory_space<vmem>>
        %dma_start3A_402 = tpu.memref_squeeze %dma_start3A_401 : memref<1x1x128xi32, #tpu.memory_space<vmem>> -> memref<128xi32, #tpu.memory_space<vmem>>
        %dma_start3A_403 = arith.constant 0 : i32
        %dma_start3A_404 = arith.constant 0 : i32
        %dma_start3A_405 = tpu.memref_slice %arg2[%dma_start3A_403, %dma_start3A_404] : memref<20000x128xbf16, #tpu.memory_space<hbm>> -> memref<20000x128xbf16, #tpu.memory_space<hbm>>
        %dma_start3A_406 = tpu.memref_slice %arg10[%select_n3A_395] : memref<5x!tpu.dma_semaphore, #tpu.memory_space<semaphore_mem>> -> memref<1x!tpu.dma_semaphore, #tpu.memory_space<semaphore_mem>>
        %dma_start3A_407 = tpu.memref_squeeze %dma_start3A_406 : memref<1x!tpu.dma_semaphore, #tpu.memory_space<semaphore_mem>> -> memref<!tpu.dma_semaphore, #tpu.memory_space<semaphore_mem>>
        tpu.enqueue_indirect_dma source(%dma_start3A_405 : memref<20000x128xbf16, #tpu.memory_space<hbm>>) target(%dma_start3A_399 : memref<128x128xbf16, #tpu.memory_space<vmem>>) offsets(%dma_start3A_402 : memref<128xi32, #tpu.memory_space<vmem>>) semaphore(%dma_start3A_407 : memref<!tpu.dma_semaphore, #tpu.memory_space<semaphore_mem>>)
      } else {
      }
    }
    %while3A_111 = arith.constant 1 : i32
    scf.for %while3A_207 = %while3A_109 to %while3A_105 step %while3A_111  : i32 {
      %jit3A_208 = arith.constant 8 : i32
      %div3A_209 = arith.divsi %while3A_207, %jit3A_208 : i32
      %sign3A_210 = arith.constant 0 : i32
      %sign3A_211 = arith.cmpi sgt, %while3A_207, %sign3A_210 : i32
      %sign3A_212 = arith.extui %sign3A_211 : i1 to i32
      %sign3A_213 = arith.constant 0 : i32
      %sign3A_214 = arith.cmpi slt, %while3A_207, %sign3A_213 : i32
      %sign3A_215 = arith.extui %sign3A_214 : i1 to i32
      %sign3A_216 = arith.subi %sign3A_212, %sign3A_215 : i32
      %sign3A_217 = arith.constant 0 : i32
      %sign3A_218 = arith.cmpi sgt, %jit3A_208, %sign3A_217 : i32
      %sign3A_219 = arith.extui %sign3A_218 : i1 to i32
      %sign3A_220 = arith.constant 0 : i32
      %sign3A_221 = arith.cmpi slt, %jit3A_208, %sign3A_220 : i32
      %sign3A_222 = arith.extui %sign3A_221 : i1 to i32
      %sign3A_223 = arith.subi %sign3A_219, %sign3A_222 : i32
      %ne3A_224 = arith.cmpi ne, %sign3A_216, %sign3A_223 : i32
      %rem3A_225 = arith.remsi %while3A_207, %jit3A_208 : i32
      %ne3A_226 = arith.constant 0 : i32
      %ne3A_227 = arith.cmpi ne, %rem3A_225, %ne3A_226 : i32
      %and3A_228 = arith.andi %ne3A_224, %ne3A_227 : i1
      %sub3A_229 = arith.constant 1 : i32
      %sub3A_230 = arith.subi %div3A_209, %sub3A_229 : i32
      %select_n3A_231 = arith.select %and3A_228, %sub3A_230, %div3A_209 : i32
      %jit3A_232 = arith.constant 5 : i32
      %eq3A_233 = arith.constant 0 : i32
      %eq3A_234 = arith.cmpi eq, %jit3A_232, %eq3A_233 : i32
      %jit3A_235 = arith.constant 1 : i32
      %select_n3A_236 = arith.select %eq3A_234, %jit3A_235, %jit3A_232 : i32
      %rem3A_237 = arith.remsi %while3A_207, %select_n3A_236 : i32
      %ne3A_238 = arith.constant 0 : i32
      %ne3A_239 = arith.cmpi ne, %rem3A_237, %ne3A_238 : i32
      %lt3A_240 = arith.constant 0 : i32
      %lt3A_241 = arith.cmpi slt, %rem3A_237, %lt3A_240 : i32
      %lt3A_242 = arith.constant 0 : i32
      %lt3A_243 = arith.cmpi slt, %select_n3A_236, %lt3A_242 : i32
      %ne3A_244 = arith.xori %lt3A_241, %lt3A_243 : i1
      %and3A_245 = arith.andi %ne3A_244, %ne3A_239 : i1
      %add3A_246 = arith.addi %rem3A_237, %select_n3A_236 : i32
      %select_n3A_247 = arith.select %and3A_245, %add3A_246, %rem3A_237 : i32
      %jit3A_248 = arith.constant 2 : i32
      %eq3A_249 = arith.constant 0 : i32
      %eq3A_250 = arith.cmpi eq, %jit3A_248, %eq3A_249 : i32
      %jit3A_251 = arith.constant 1 : i32
      %select_n3A_252 = arith.select %eq3A_250, %jit3A_251, %jit3A_248 : i32
      %rem3A_253 = arith.remsi %select_n3A_231, %select_n3A_252 : i32
      %ne3A_254 = arith.constant 0 : i32
      %ne3A_255 = arith.cmpi ne, %rem3A_253, %ne3A_254 : i32
      %lt3A_256 = arith.constant 0 : i32
      %lt3A_257 = arith.cmpi slt, %rem3A_253, %lt3A_256 : i32
      %lt3A_258 = arith.constant 0 : i32
      %lt3A_259 = arith.cmpi slt, %select_n3A_252, %lt3A_258 : i32
      %ne3A_260 = arith.xori %lt3A_257, %lt3A_259 : i1
      %and3A_261 = arith.andi %ne3A_260, %ne3A_255 : i1
      %add3A_262 = arith.addi %rem3A_253, %select_n3A_252 : i32
      %select_n3A_263 = arith.select %and3A_261, %add3A_262, %rem3A_253 : i32
      %mul3A_264 = arith.constant 8 : i32
      %mul3A_265 = arith.muli %select_n3A_231, %mul3A_264 : i32
      %sub3A_266 = arith.subi %while3A_207, %mul3A_265 : i32
      %dma_wait3A_267 = arith.constant 0 : i32
      %dma_wait3A_268 = arith.constant 0 : i32
      %dma_wait3A_269 = tpu.memref_slice %arg8[%select_n3A_247, %dma_wait3A_267, %dma_wait3A_268] : memref<5x128x128xbf16, #tpu.memory_space<vmem>> -> memref<1x128x128xbf16, #tpu.memory_space<vmem>>
      %dma_wait3A_270 = tpu.memref_squeeze %dma_wait3A_269 : memref<1x128x128xbf16, #tpu.memory_space<vmem>> -> memref<128x128xbf16, #tpu.memory_space<vmem>>
      %dma_wait3A_271 = arith.constant 0 : i32
      %dma_wait3A_272 = tpu.memref_slice %arg6[%select_n3A_263, %sub3A_266, %dma_wait3A_271] : memref<2x8x128xi32, #tpu.memory_space<vmem>> -> memref<1x1x128xi32, #tpu.memory_space<vmem>>
      %dma_wait3A_273 = tpu.memref_squeeze %dma_wait3A_272 : memref<1x1x128xi32, #tpu.memory_space<vmem>> -> memref<128xi32, #tpu.memory_space<vmem>>
      %dma_wait3A_274 = arith.constant 0 : i32
      %dma_wait3A_275 = arith.constant 0 : i32
      %dma_wait3A_276 = tpu.memref_slice %arg2[%dma_wait3A_274, %dma_wait3A_275] : memref<20000x128xbf16, #tpu.memory_space<hbm>> -> memref<20000x128xbf16, #tpu.memory_space<hbm>>
      %dma_wait3A_277 = tpu.memref_slice %arg10[%select_n3A_247] : memref<5x!tpu.dma_semaphore, #tpu.memory_space<semaphore_mem>> -> memref<1x!tpu.dma_semaphore, #tpu.memory_space<semaphore_mem>>
      %dma_wait3A_278 = tpu.memref_squeeze %dma_wait3A_277 : memref<1x!tpu.dma_semaphore, #tpu.memory_space<semaphore_mem>> -> memref<!tpu.dma_semaphore, #tpu.memory_space<semaphore_mem>>
      tpu.wait_indirect_dma semaphore(%dma_wait3A_278 : memref<!tpu.dma_semaphore, #tpu.memory_space<semaphore_mem>>) src(%dma_wait3A_276 : memref<20000x128xbf16, #tpu.memory_space<hbm>>) dst(%dma_wait3A_270 : memref<128x128xbf16, #tpu.memory_space<vmem>>)
      %dma_start3A_279 = arith.constant 0 : i32
      %dma_start3A_280 = arith.constant 0 : i32
      %dma_start3A_281 = tpu.memref_slice %arg8[%select_n3A_247, %dma_start3A_279, %dma_start3A_280] : memref<5x128x128xbf16, #tpu.memory_space<vmem>> -> memref<1x128x128xbf16, #tpu.memory_space<vmem>>
      %dma_start3A_282 = tpu.memref_squeeze %dma_start3A_281 : memref<1x128x128xbf16, #tpu.memory_space<vmem>> -> memref<128x128xbf16, #tpu.memory_space<vmem>>
      %dma_start3A_283 = arith.constant 0 : i32
      %dma_start3A_284 = tpu.memref_slice %arg7[%select_n3A_263, %sub3A_266, %dma_start3A_283] : memref<2x8x128xi32, #tpu.memory_space<vmem>> -> memref<1x1x128xi32, #tpu.memory_space<vmem>>
      %dma_start3A_285 = tpu.memref_squeeze %dma_start3A_284 : memref<1x1x128xi32, #tpu.memory_space<vmem>> -> memref<128xi32, #tpu.memory_space<vmem>>
      %dma_start3A_286 = arith.constant 0 : i32
      %dma_start3A_287 = arith.constant 0 : i32
      %dma_start3A_288 = tpu.memref_slice %arg9[%dma_start3A_286, %dma_start3A_287] : memref<20480x128xbf16, #tpu.memory_space<vmem_shared>> -> memref<20480x128xbf16, #tpu.memory_space<vmem_shared>>
      %dma_start3A_289 = tpu.memref_slice %arg11[%select_n3A_247] : memref<5x!tpu.dma_semaphore, #tpu.memory_space<semaphore_mem>> -> memref<1x!tpu.dma_semaphore, #tpu.memory_space<semaphore_mem>>
      %dma_start3A_290 = tpu.memref_squeeze %dma_start3A_289 : memref<1x!tpu.dma_semaphore, #tpu.memory_space<semaphore_mem>> -> memref<!tpu.dma_semaphore, #tpu.memory_space<semaphore_mem>>
      tpu.enqueue_indirect_dma source(%dma_start3A_282 : memref<128x128xbf16, #tpu.memory_space<vmem>>) target(%dma_start3A_288 : memref<20480x128xbf16, #tpu.memory_space<vmem_shared>>) offsets(%dma_start3A_285 : memref<128xi32, #tpu.memory_space<vmem>>) semaphore(%dma_start3A_290 : memref<!tpu.dma_semaphore, #tpu.memory_space<semaphore_mem>>) {add = true}
      %gt3A = arith.constant 0 : i32
      %gt3A_291 = arith.cmpi sgt, %while3A_207, %gt3A : i32
      %convert_element_type3A_292 = arith.extui %gt3A_291 : i1 to i32
      %cond3A_293 = arith.constant 0 : i32
      %cond3A_294 = arith.cmpi ne, %convert_element_type3A_292, %cond3A_293 : i32
      scf.if %cond3A_294 {
        %sub3A_321 = arith.constant 1 : i32
        %sub3A_322 = arith.subi %while3A_207, %sub3A_321 : i32
        %jit3A_323 = arith.constant 8 : i32
        %div3A_324 = arith.divsi %sub3A_322, %jit3A_323 : i32
        %sign3A_325 = arith.constant 0 : i32
        %sign3A_326 = arith.cmpi sgt, %sub3A_322, %sign3A_325 : i32
        %sign3A_327 = arith.extui %sign3A_326 : i1 to i32
        %sign3A_328 = arith.constant 0 : i32
        %sign3A_329 = arith.cmpi slt, %sub3A_322, %sign3A_328 : i32
        %sign3A_330 = arith.extui %sign3A_329 : i1 to i32
        %sign3A_331 = arith.subi %sign3A_327, %sign3A_330 : i32
        %sign3A_332 = arith.constant 0 : i32
        %sign3A_333 = arith.cmpi sgt, %jit3A_323, %sign3A_332 : i32
        %sign3A_334 = arith.extui %sign3A_333 : i1 to i32
        %sign3A_335 = arith.constant 0 : i32
        %sign3A_336 = arith.cmpi slt, %jit3A_323, %sign3A_335 : i32
        %sign3A_337 = arith.extui %sign3A_336 : i1 to i32
        %sign3A_338 = arith.subi %sign3A_334, %sign3A_337 : i32
        %ne3A_339 = arith.cmpi ne, %sign3A_331, %sign3A_338 : i32
        %rem3A_340 = arith.remsi %sub3A_322, %jit3A_323 : i32
        %ne3A_341 = arith.constant 0 : i32
        %ne3A_342 = arith.cmpi ne, %rem3A_340, %ne3A_341 : i32
        %and3A_343 = arith.andi %ne3A_339, %ne3A_342 : i1
        %sub3A_344 = arith.constant 1 : i32
        %sub3A_345 = arith.subi %div3A_324, %sub3A_344 : i32
        %select_n3A_346 = arith.select %and3A_343, %sub3A_345, %div3A_324 : i32
        %jit3A_347 = arith.constant 5 : i32
        %eq3A_348 = arith.constant 0 : i32
        %eq3A_349 = arith.cmpi eq, %jit3A_347, %eq3A_348 : i32
        %jit3A_350 = arith.constant 1 : i32
        %select_n3A_351 = arith.select %eq3A_349, %jit3A_350, %jit3A_347 : i32
        %rem3A_352 = arith.remsi %sub3A_322, %select_n3A_351 : i32
        %ne3A_353 = arith.constant 0 : i32
        %ne3A_354 = arith.cmpi ne, %rem3A_352, %ne3A_353 : i32
        %lt3A_355 = arith.constant 0 : i32
        %lt3A_356 = arith.cmpi slt, %rem3A_352, %lt3A_355 : i32
        %lt3A_357 = arith.constant 0 : i32
        %lt3A_358 = arith.cmpi slt, %select_n3A_351, %lt3A_357 : i32
        %ne3A_359 = arith.xori %lt3A_356, %lt3A_358 : i1
        %and3A_360 = arith.andi %ne3A_359, %ne3A_354 : i1
        %add3A_361 = arith.addi %rem3A_352, %select_n3A_351 : i32
        %select_n3A_362 = arith.select %and3A_360, %add3A_361, %rem3A_352 : i32
        %jit3A_363 = arith.constant 2 : i32
        %eq3A_364 = arith.constant 0 : i32
        %eq3A_365 = arith.cmpi eq, %jit3A_363, %eq3A_364 : i32
        %jit3A_366 = arith.constant 1 : i32
        %select_n3A_367 = arith.select %eq3A_365, %jit3A_366, %jit3A_363 : i32
        %rem3A_368 = arith.remsi %select_n3A_346, %select_n3A_367 : i32
        %ne3A_369 = arith.constant 0 : i32
        %ne3A_370 = arith.cmpi ne, %rem3A_368, %ne3A_369 : i32
        %lt3A_371 = arith.constant 0 : i32
        %lt3A_372 = arith.cmpi slt, %rem3A_368, %lt3A_371 : i32
        %lt3A_373 = arith.constant 0 : i32
        %lt3A_374 = arith.cmpi slt, %select_n3A_367, %lt3A_373 : i32
        %ne3A_375 = arith.xori %lt3A_372, %lt3A_374 : i1
        %and3A_376 = arith.andi %ne3A_375, %ne3A_370 : i1
        %add3A_377 = arith.addi %rem3A_368, %select_n3A_367 : i32
        %select_n3A_378 = arith.select %and3A_376, %add3A_377, %rem3A_368 : i32
        %mul3A_379 = arith.constant 8 : i32
        %mul3A_380 = arith.muli %select_n3A_346, %mul3A_379 : i32
        %sub3A_381 = arith.subi %sub3A_322, %mul3A_380 : i32
        %dma_wait3A_382 = arith.constant 0 : i32
        %dma_wait3A_383 = arith.constant 0 : i32
        %dma_wait3A_384 = tpu.memref_slice %arg8[%select_n3A_362, %dma_wait3A_382, %dma_wait3A_383] : memref<5x128x128xbf16, #tpu.memory_space<vmem>> -> memref<1x128x128xbf16, #tpu.memory_space<vmem>>
        %dma_wait3A_385 = tpu.memref_squeeze %dma_wait3A_384 : memref<1x128x128xbf16, #tpu.memory_space<vmem>> -> memref<128x128xbf16, #tpu.memory_space<vmem>>
        %dma_wait3A_386 = arith.constant 0 : i32
        %dma_wait3A_387 = tpu.memref_slice %arg7[%select_n3A_378, %sub3A_381, %dma_wait3A_386] : memref<2x8x128xi32, #tpu.memory_space<vmem>> -> memref<1x1x128xi32, #tpu.memory_space<vmem>>
        %dma_wait3A_388 = tpu.memref_squeeze %dma_wait3A_387 : memref<1x1x128xi32, #tpu.memory_space<vmem>> -> memref<128xi32, #tpu.memory_space<vmem>>
        %dma_wait3A_389 = arith.constant 0 : i32
        %dma_wait3A_390 = arith.constant 0 : i32
        %dma_wait3A_391 = tpu.memref_slice %arg9[%dma_wait3A_389, %dma_wait3A_390] : memref<20480x128xbf16, #tpu.memory_space<vmem_shared>> -> memref<20480x128xbf16, #tpu.memory_space<vmem_shared>>
        %dma_wait3A_392 = tpu.memref_slice %arg11[%select_n3A_362] : memref<5x!tpu.dma_semaphore, #tpu.memory_space<semaphore_mem>> -> memref<1x!tpu.dma_semaphore, #tpu.memory_space<semaphore_mem>>
        %dma_wait3A_393 = tpu.memref_squeeze %dma_wait3A_392 : memref<1x!tpu.dma_semaphore, #tpu.memory_space<semaphore_mem>> -> memref<!tpu.dma_semaphore, #tpu.memory_space<semaphore_mem>>
        tpu.wait_indirect_dma semaphore(%dma_wait3A_393 : memref<!tpu.dma_semaphore, #tpu.memory_space<semaphore_mem>>) src(%dma_wait3A_385 : memref<128x128xbf16, #tpu.memory_space<vmem>>) dst(%dma_wait3A_391 : memref<20480x128xbf16, #tpu.memory_space<vmem_shared>>)
      } else {
      }
      %eq3A_295 = arith.constant 0 : i32
      %eq3A_296 = arith.cmpi eq, %sub3A_266, %eq3A_295 : i32
      %add3A_297 = arith.constant 1 : i32
      %add3A_298 = arith.addi %select_n3A_231, %add3A_297 : i32
      %lt3A_299 = arith.cmpi slt, %add3A_298, %select_n3A_26 : i32
      %and3A_300 = arith.andi %eq3A_296, %lt3A_299 : i1
      %convert_element_type3A_301 = arith.extui %and3A_300 : i1 to i32
      %cond3A_302 = arith.constant 0 : i32
      %cond3A_303 = arith.cmpi ne, %convert_element_type3A_301, %cond3A_302 : i32
      scf.if %cond3A_303 {
        %add3A_321 = arith.constant 1 : i32
        %add3A_322 = arith.addi %select_n3A_231, %add3A_321 : i32
        %jit3A_323 = arith.constant 2 : i32
        %eq3A_324 = arith.constant 0 : i32
        %eq3A_325 = arith.cmpi eq, %jit3A_323, %eq3A_324 : i32
        %jit3A_326 = arith.constant 1 : i32
        %select_n3A_327 = arith.select %eq3A_325, %jit3A_326, %jit3A_323 : i32
        %rem3A_328 = arith.remsi %add3A_322, %select_n3A_327 : i32
        %ne3A_329 = arith.constant 0 : i32
        %ne3A_330 = arith.cmpi ne, %rem3A_328, %ne3A_329 : i32
        %lt3A_331 = arith.constant 0 : i32
        %lt3A_332 = arith.cmpi slt, %rem3A_328, %lt3A_331 : i32
        %lt3A_333 = arith.constant 0 : i32
        %lt3A_334 = arith.cmpi slt, %select_n3A_327, %lt3A_333 : i32
        %ne3A_335 = arith.xori %lt3A_332, %lt3A_334 : i1
        %and3A_336 = arith.andi %ne3A_335, %ne3A_330 : i1
        %add3A_337 = arith.addi %rem3A_328, %select_n3A_327 : i32
        %select_n3A_338 = arith.select %and3A_336, %add3A_337, %rem3A_328 : i32
        %add3A_339 = arith.constant 1 : i32
        %add3A_340 = arith.addi %select_n3A_231, %add3A_339 : i32
        %mul3A_341 = arith.constant 8 : i32
        %mul3A_342 = arith.muli %mul3A_341, %add3A_340 : i32
        %add3A_343 = arith.addi %select_n3A, %mul3A_342 : i32
        %dma_start3A_344 = arith.constant 0 : i32
        %dma_start3A_345 = arith.constant 0 : i32
        %dma_start3A_346 = tpu.memref_slice %arg6[%select_n3A_338, %dma_start3A_344, %dma_start3A_345] : memref<2x8x128xi32, #tpu.memory_space<vmem>> -> memref<1x8x128xi32, #tpu.memory_space<vmem>>
        %dma_start3A_347 = tpu.memref_squeeze %dma_start3A_346 : memref<1x8x128xi32, #tpu.memory_space<vmem>> -> memref<8x128xi32, #tpu.memory_space<vmem>>
        %dma_start3A_348 = arith.constant 0 : i32
        %dma_start3A_349 = tpu.memref_slice %arg3[%add3A_343, %dma_start3A_348] : memref<5120x128xi32, #tpu.memory_space<hbm>> -> memref<8x128xi32, #tpu.memory_space<hbm>>
        %dma_start3A_350 = arith.constant 0 : i32
        %dma_start3A_351 = arith.constant 0 : i32
        %dma_start3A_352 = tpu.memref_slice %arg6[%select_n3A_338, %dma_start3A_350, %dma_start3A_351] : memref<2x8x128xi32, #tpu.memory_space<vmem>> -> memref<1x8x128xi32, #tpu.memory_space<vmem>>
        %dma_start3A_353 = tpu.memref_squeeze %dma_start3A_352 : memref<1x8x128xi32, #tpu.memory_space<vmem>> -> memref<8x128xi32, #tpu.memory_space<vmem>>
        %dma_start3A_354 = arith.constant 0 : i32
        %dma_start3A_355 = tpu.memref_slice %arg3[%add3A_343, %dma_start3A_354] : memref<5120x128xi32, #tpu.memory_space<hbm>> -> memref<8x128xi32, #tpu.memory_space<hbm>>
        tpu.enqueue_dma source(%dma_start3A_355 : memref<8x128xi32, #tpu.memory_space<hbm>>) target(%dma_start3A_353 : memref<8x128xi32, #tpu.memory_space<vmem>>) target_semaphore(%arg12 : memref<!tpu.dma_semaphore, #tpu.memory_space<semaphore_mem>>)
        %add3A_356 = arith.constant 1 : i32
        %add3A_357 = arith.addi %select_n3A_231, %add3A_356 : i32
        %mul3A_358 = arith.constant 8 : i32
        %mul3A_359 = arith.muli %mul3A_358, %add3A_357 : i32
        %add3A_360 = arith.addi %select_n3A, %mul3A_359 : i32
        %dma_start3A_361 = arith.constant 0 : i32
        %dma_start3A_362 = arith.constant 0 : i32
        %dma_start3A_363 = tpu.memref_slice %arg7[%select_n3A_338, %dma_start3A_361, %dma_start3A_362] : memref<2x8x128xi32, #tpu.memory_space<vmem>> -> memref<1x8x128xi32, #tpu.memory_space<vmem>>
        %dma_start3A_364 = tpu.memref_squeeze %dma_start3A_363 : memref<1x8x128xi32, #tpu.memory_space<vmem>> -> memref<8x128xi32, #tpu.memory_space<vmem>>
        %dma_start3A_365 = arith.constant 0 : i32
        %dma_start3A_366 = tpu.memref_slice %arg4[%add3A_360, %dma_start3A_365] : memref<5120x128xi32, #tpu.memory_space<hbm>> -> memref<8x128xi32, #tpu.memory_space<hbm>>
        %dma_start3A_367 = arith.constant 0 : i32
        %dma_start3A_368 = arith.constant 0 : i32
        %dma_start3A_369 = tpu.memref_slice %arg7[%select_n3A_338, %dma_start3A_367, %dma_start3A_368] : memref<2x8x128xi32, #tpu.memory_space<vmem>> -> memref<1x8x128xi32, #tpu.memory_space<vmem>>
        %dma_start3A_370 = tpu.memref_squeeze %dma_start3A_369 : memref<1x8x128xi32, #tpu.memory_space<vmem>> -> memref<8x128xi32, #tpu.memory_space<vmem>>
        %dma_start3A_371 = arith.constant 0 : i32
        %dma_start3A_372 = tpu.memref_slice %arg4[%add3A_360, %dma_start3A_371] : memref<5120x128xi32, #tpu.memory_space<hbm>> -> memref<8x128xi32, #tpu.memory_space<hbm>>
        tpu.enqueue_dma source(%dma_start3A_372 : memref<8x128xi32, #tpu.memory_space<hbm>>) target(%dma_start3A_370 : memref<8x128xi32, #tpu.memory_space<vmem>>) target_semaphore(%arg12 : memref<!tpu.dma_semaphore, #tpu.memory_space<semaphore_mem>>)
      } else {
      }
      %eq3A_304 = arith.constant 4 : i32
      %eq3A_305 = arith.cmpi eq, %sub3A_266, %eq3A_304 : i32
      %add3A_306 = arith.constant 1 : i32
      %add3A_307 = arith.addi %select_n3A_231, %add3A_306 : i32
      %lt3A_308 = arith.cmpi slt, %add3A_307, %select_n3A_26 : i32
      %and3A_309 = arith.andi %eq3A_305, %lt3A_308 : i1
      %convert_element_type3A_310 = arith.extui %and3A_309 : i1 to i32
      %cond3A_311 = arith.constant 0 : i32
      %cond3A_312 = arith.cmpi ne, %convert_element_type3A_310, %cond3A_311 : i32
      scf.if %cond3A_312 {
        %add3A_321 = arith.constant 1 : i32
        %add3A_322 = arith.addi %select_n3A_231, %add3A_321 : i32
        %jit3A_323 = arith.constant 2 : i32
        %eq3A_324 = arith.constant 0 : i32
        %eq3A_325 = arith.cmpi eq, %jit3A_323, %eq3A_324 : i32
        %jit3A_326 = arith.constant 1 : i32
        %select_n3A_327 = arith.select %eq3A_325, %jit3A_326, %jit3A_323 : i32
        %rem3A_328 = arith.remsi %add3A_322, %select_n3A_327 : i32
        %ne3A_329 = arith.constant 0 : i32
        %ne3A_330 = arith.cmpi ne, %rem3A_328, %ne3A_329 : i32
        %lt3A_331 = arith.constant 0 : i32
        %lt3A_332 = arith.cmpi slt, %rem3A_328, %lt3A_331 : i32
        %lt3A_333 = arith.constant 0 : i32
        %lt3A_334 = arith.cmpi slt, %select_n3A_327, %lt3A_333 : i32
        %ne3A_335 = arith.xori %lt3A_332, %lt3A_334 : i1
        %and3A_336 = arith.andi %ne3A_335, %ne3A_330 : i1
        %add3A_337 = arith.addi %rem3A_328, %select_n3A_327 : i32
        %select_n3A_338 = arith.select %and3A_336, %add3A_337, %rem3A_328 : i32
        %add3A_339 = arith.constant 1 : i32
        %add3A_340 = arith.addi %select_n3A_231, %add3A_339 : i32
        %mul3A_341 = arith.constant 8 : i32
        %mul3A_342 = arith.muli %mul3A_341, %add3A_340 : i32
        %add3A_343 = arith.addi %select_n3A, %mul3A_342 : i32
        %dma_wait3A_344 = arith.constant 0 : i32
        %dma_wait3A_345 = arith.constant 0 : i32
        %dma_wait3A_346 = tpu.memref_slice %arg6[%select_n3A_338, %dma_wait3A_344, %dma_wait3A_345] : memref<2x8x128xi32, #tpu.memory_space<vmem>> -> memref<1x8x128xi32, #tpu.memory_space<vmem>>
        %dma_wait3A_347 = tpu.memref_squeeze %dma_wait3A_346 : memref<1x8x128xi32, #tpu.memory_space<vmem>> -> memref<8x128xi32, #tpu.memory_space<vmem>>
        %dma_wait3A_348 = arith.constant 0 : i32
        %dma_wait3A_349 = tpu.memref_slice %arg3[%add3A_343, %dma_wait3A_348] : memref<5120x128xi32, #tpu.memory_space<hbm>> -> memref<8x128xi32, #tpu.memory_space<hbm>>
        %dma_wait3A_350 = arith.constant 0 : i32
        %dma_wait3A_351 = arith.constant 0 : i32
        %dma_wait3A_352 = tpu.memref_slice %arg6[%select_n3A_338, %dma_wait3A_350, %dma_wait3A_351] : memref<2x8x128xi32, #tpu.memory_space<vmem>> -> memref<1x8x128xi32, #tpu.memory_space<vmem>>
        %dma_wait3A_353 = tpu.memref_squeeze %dma_wait3A_352 : memref<1x8x128xi32, #tpu.memory_space<vmem>> -> memref<8x128xi32, #tpu.memory_space<vmem>>
        %dma_wait3A_354 = arith.constant 0 : i32
        %dma_wait3A_355 = tpu.memref_slice %arg3[%add3A_343, %dma_wait3A_354] : memref<5120x128xi32, #tpu.memory_space<hbm>> -> memref<8x128xi32, #tpu.memory_space<hbm>>
        tpu.wait_dma2 semaphore(%arg12 : memref<!tpu.dma_semaphore, #tpu.memory_space<semaphore_mem>>) src(%dma_wait3A_355 : memref<8x128xi32, #tpu.memory_space<hbm>>) dst(%dma_wait3A_353 : memref<8x128xi32, #tpu.memory_space<vmem>>)
        %add3A_356 = arith.constant 1 : i32
        %add3A_357 = arith.addi %select_n3A_231, %add3A_356 : i32
        %mul3A_358 = arith.constant 8 : i32
        %mul3A_359 = arith.muli %mul3A_358, %add3A_357 : i32
        %add3A_360 = arith.addi %select_n3A, %mul3A_359 : i32
        %dma_wait3A_361 = arith.constant 0 : i32
        %dma_wait3A_362 = arith.constant 0 : i32
        %dma_wait3A_363 = tpu.memref_slice %arg7[%select_n3A_338, %dma_wait3A_361, %dma_wait3A_362] : memref<2x8x128xi32, #tpu.memory_space<vmem>> -> memref<1x8x128xi32, #tpu.memory_space<vmem>>
        %dma_wait3A_364 = tpu.memref_squeeze %dma_wait3A_363 : memref<1x8x128xi32, #tpu.memory_space<vmem>> -> memref<8x128xi32, #tpu.memory_space<vmem>>
        %dma_wait3A_365 = arith.constant 0 : i32
        %dma_wait3A_366 = tpu.memref_slice %arg4[%add3A_360, %dma_wait3A_365] : memref<5120x128xi32, #tpu.memory_space<hbm>> -> memref<8x128xi32, #tpu.memory_space<hbm>>
        %dma_wait3A_367 = arith.constant 0 : i32
        %dma_wait3A_368 = arith.constant 0 : i32
        %dma_wait3A_369 = tpu.memref_slice %arg7[%select_n3A_338, %dma_wait3A_367, %dma_wait3A_368] : memref<2x8x128xi32, #tpu.memory_space<vmem>> -> memref<1x8x128xi32, #tpu.memory_space<vmem>>
        %dma_wait3A_370 = tpu.memref_squeeze %dma_wait3A_369 : memref<1x8x128xi32, #tpu.memory_space<vmem>> -> memref<8x128xi32, #tpu.memory_space<vmem>>
        %dma_wait3A_371 = arith.constant 0 : i32
        %dma_wait3A_372 = tpu.memref_slice %arg4[%add3A_360, %dma_wait3A_371] : memref<5120x128xi32, #tpu.memory_space<hbm>> -> memref<8x128xi32, #tpu.memory_space<hbm>>
        tpu.wait_dma2 semaphore(%arg12 : memref<!tpu.dma_semaphore, #tpu.memory_space<semaphore_mem>>) src(%dma_wait3A_372 : memref<8x128xi32, #tpu.memory_space<hbm>>) dst(%dma_wait3A_370 : memref<8x128xi32, #tpu.memory_space<vmem>>)
      } else {
      }
      %add3A_313 = arith.constant 5 : i32
      %add3A_314 = arith.addi %while3A_207, %add3A_313 : i32
      %sub3A_315 = arith.constant 1 : i32
      %sub3A_316 = arith.subi %add3A_314, %sub3A_315 : i32
      %lt3A_317 = arith.cmpi slt, %sub3A_316, %select_n3A_8 : i32
      %convert_element_type3A_318 = arith.extui %lt3A_317 : i1 to i32
      %cond3A_319 = arith.constant 0 : i32
      %cond3A_320 = arith.cmpi ne, %convert_element_type3A_318, %cond3A_319 : i32
      scf.if %cond3A_320 {
        %jit3A_321 = arith.constant 8 : i32
        %div3A_322 = arith.divsi %sub3A_316, %jit3A_321 : i32
        %sign3A_323 = arith.constant 0 : i32
        %sign3A_324 = arith.cmpi sgt, %sub3A_316, %sign3A_323 : i32
        %sign3A_325 = arith.extui %sign3A_324 : i1 to i32
        %sign3A_326 = arith.constant 0 : i32
        %sign3A_327 = arith.cmpi slt, %sub3A_316, %sign3A_326 : i32
        %sign3A_328 = arith.extui %sign3A_327 : i1 to i32
        %sign3A_329 = arith.subi %sign3A_325, %sign3A_328 : i32
        %sign3A_330 = arith.constant 0 : i32
        %sign3A_331 = arith.cmpi sgt, %jit3A_321, %sign3A_330 : i32
        %sign3A_332 = arith.extui %sign3A_331 : i1 to i32
        %sign3A_333 = arith.constant 0 : i32
        %sign3A_334 = arith.cmpi slt, %jit3A_321, %sign3A_333 : i32
        %sign3A_335 = arith.extui %sign3A_334 : i1 to i32
        %sign3A_336 = arith.subi %sign3A_332, %sign3A_335 : i32
        %ne3A_337 = arith.cmpi ne, %sign3A_329, %sign3A_336 : i32
        %rem3A_338 = arith.remsi %sub3A_316, %jit3A_321 : i32
        %ne3A_339 = arith.constant 0 : i32
        %ne3A_340 = arith.cmpi ne, %rem3A_338, %ne3A_339 : i32
        %and3A_341 = arith.andi %ne3A_337, %ne3A_340 : i1
        %sub3A_342 = arith.constant 1 : i32
        %sub3A_343 = arith.subi %div3A_322, %sub3A_342 : i32
        %select_n3A_344 = arith.select %and3A_341, %sub3A_343, %div3A_322 : i32
        %jit3A_345 = arith.constant 2 : i32
        %eq3A_346 = arith.constant 0 : i32
        %eq3A_347 = arith.cmpi eq, %jit3A_345, %eq3A_346 : i32
        %jit3A_348 = arith.constant 1 : i32
        %select_n3A_349 = arith.select %eq3A_347, %jit3A_348, %jit3A_345 : i32
        %rem3A_350 = arith.remsi %select_n3A_344, %select_n3A_349 : i32
        %ne3A_351 = arith.constant 0 : i32
        %ne3A_352 = arith.cmpi ne, %rem3A_350, %ne3A_351 : i32
        %lt3A_353 = arith.constant 0 : i32
        %lt3A_354 = arith.cmpi slt, %rem3A_350, %lt3A_353 : i32
        %lt3A_355 = arith.constant 0 : i32
        %lt3A_356 = arith.cmpi slt, %select_n3A_349, %lt3A_355 : i32
        %ne3A_357 = arith.xori %lt3A_354, %lt3A_356 : i1
        %and3A_358 = arith.andi %ne3A_357, %ne3A_352 : i1
        %add3A_359 = arith.addi %rem3A_350, %select_n3A_349 : i32
        %select_n3A_360 = arith.select %and3A_358, %add3A_359, %rem3A_350 : i32
        %mul3A_361 = arith.constant 8 : i32
        %mul3A_362 = arith.muli %select_n3A_344, %mul3A_361 : i32
        %sub3A_363 = arith.subi %sub3A_316, %mul3A_362 : i32
        %jit3A_364 = arith.constant 5 : i32
        %eq3A_365 = arith.constant 0 : i32
        %eq3A_366 = arith.cmpi eq, %jit3A_364, %eq3A_365 : i32
        %jit3A_367 = arith.constant 1 : i32
        %select_n3A_368 = arith.select %eq3A_366, %jit3A_367, %jit3A_364 : i32
        %rem3A_369 = arith.remsi %sub3A_316, %select_n3A_368 : i32
        %ne3A_370 = arith.constant 0 : i32
        %ne3A_371 = arith.cmpi ne, %rem3A_369, %ne3A_370 : i32
        %lt3A_372 = arith.constant 0 : i32
        %lt3A_373 = arith.cmpi slt, %rem3A_369, %lt3A_372 : i32
        %lt3A_374 = arith.constant 0 : i32
        %lt3A_375 = arith.cmpi slt, %select_n3A_368, %lt3A_374 : i32
        %ne3A_376 = arith.xori %lt3A_373, %lt3A_375 : i1
        %and3A_377 = arith.andi %ne3A_376, %ne3A_371 : i1
        %add3A_378 = arith.addi %rem3A_369, %select_n3A_368 : i32
        %select_n3A_379 = arith.select %and3A_377, %add3A_378, %rem3A_369 : i32
        %jit3A_380 = arith.constant 5 : i32
        %eq3A_381 = arith.constant 0 : i32
        %eq3A_382 = arith.cmpi eq, %jit3A_380, %eq3A_381 : i32
        %jit3A_383 = arith.constant 1 : i32
        %select_n3A_384 = arith.select %eq3A_382, %jit3A_383, %jit3A_380 : i32
        %rem3A_385 = arith.remsi %sub3A_316, %select_n3A_384 : i32
        %ne3A_386 = arith.constant 0 : i32
        %ne3A_387 = arith.cmpi ne, %rem3A_385, %ne3A_386 : i32
        %lt3A_388 = arith.constant 0 : i32
        %lt3A_389 = arith.cmpi slt, %rem3A_385, %lt3A_388 : i32
        %lt3A_390 = arith.constant 0 : i32
        %lt3A_391 = arith.cmpi slt, %select_n3A_384, %lt3A_390 : i32
        %ne3A_392 = arith.xori %lt3A_389, %lt3A_391 : i1
        %and3A_393 = arith.andi %ne3A_392, %ne3A_387 : i1
        %add3A_394 = arith.addi %rem3A_385, %select_n3A_384 : i32
        %select_n3A_395 = arith.select %and3A_393, %add3A_394, %rem3A_385 : i32
        %dma_start3A_396 = arith.constant 0 : i32
        %dma_start3A_397 = arith.constant 0 : i32
        %dma_start3A_398 = tpu.memref_slice %arg8[%select_n3A_379, %dma_start3A_396, %dma_start3A_397] : memref<5x128x128xbf16, #tpu.memory_space<vmem>> -> memref<1x128x128xbf16, #tpu.memory_space<vmem>>
        %dma_start3A_399 = tpu.memref_squeeze %dma_start3A_398 : memref<1x128x128xbf16, #tpu.memory_space<vmem>> -> memref<128x128xbf16, #tpu.memory_space<vmem>>
        %dma_start3A_400 = arith.constant 0 : i32
        %dma_start3A_401 = tpu.memref_slice %arg6[%select_n3A_360, %sub3A_363, %dma_start3A_400] : memref<2x8x128xi32, #tpu.memory_space<vmem>> -> memref<1x1x128xi32, #tpu.memory_space<vmem>>
        %dma_start3A_402 = tpu.memref_squeeze %dma_start3A_401 : memref<1x1x128xi32, #tpu.memory_space<vmem>> -> memref<128xi32, #tpu.memory_space<vmem>>
        %dma_start3A_403 = arith.constant 0 : i32
        %dma_start3A_404 = arith.constant 0 : i32
        %dma_start3A_405 = tpu.memref_slice %arg2[%dma_start3A_403, %dma_start3A_404] : memref<20000x128xbf16, #tpu.memory_space<hbm>> -> memref<20000x128xbf16, #tpu.memory_space<hbm>>
        %dma_start3A_406 = tpu.memref_slice %arg10[%select_n3A_395] : memref<5x!tpu.dma_semaphore, #tpu.memory_space<semaphore_mem>> -> memref<1x!tpu.dma_semaphore, #tpu.memory_space<semaphore_mem>>
        %dma_start3A_407 = tpu.memref_squeeze %dma_start3A_406 : memref<1x!tpu.dma_semaphore, #tpu.memory_space<semaphore_mem>> -> memref<!tpu.dma_semaphore, #tpu.memory_space<semaphore_mem>>
        tpu.enqueue_indirect_dma source(%dma_start3A_405 : memref<20000x128xbf16, #tpu.memory_space<hbm>>) target(%dma_start3A_399 : memref<128x128xbf16, #tpu.memory_space<vmem>>) offsets(%dma_start3A_402 : memref<128xi32, #tpu.memory_space<vmem>>) semaphore(%dma_start3A_407 : memref<!tpu.dma_semaphore, #tpu.memory_space<semaphore_mem>>)
      } else {
      }
    }
    %sub3A_112 = arith.constant 1 : i32
    %sub3A_113 = arith.subi %select_n3A_8, %sub3A_112 : i32
    %jit3A_114 = arith.constant 8 : i32
    %div3A_115 = arith.divsi %sub3A_113, %jit3A_114 : i32
    %sign3A_116 = arith.constant 0 : i32
    %sign3A_117 = arith.cmpi sgt, %sub3A_113, %sign3A_116 : i32
    %sign3A_118 = arith.extui %sign3A_117 : i1 to i32
    %sign3A_119 = arith.constant 0 : i32
    %sign3A_120 = arith.cmpi slt, %sub3A_113, %sign3A_119 : i32
    %sign3A_121 = arith.extui %sign3A_120 : i1 to i32
    %sign3A_122 = arith.subi %sign3A_118, %sign3A_121 : i32
    %sign3A_123 = arith.constant 0 : i32
    %sign3A_124 = arith.cmpi sgt, %jit3A_114, %sign3A_123 : i32
    %sign3A_125 = arith.extui %sign3A_124 : i1 to i32
    %sign3A_126 = arith.constant 0 : i32
    %sign3A_127 = arith.cmpi slt, %jit3A_114, %sign3A_126 : i32
    %sign3A_128 = arith.extui %sign3A_127 : i1 to i32
    %sign3A_129 = arith.subi %sign3A_125, %sign3A_128 : i32
    %ne3A_130 = arith.cmpi ne, %sign3A_122, %sign3A_129 : i32
    %rem3A_131 = arith.remsi %sub3A_113, %jit3A_114 : i32
    %ne3A_132 = arith.constant 0 : i32
    %ne3A_133 = arith.cmpi ne, %rem3A_131, %ne3A_132 : i32
    %and3A_134 = arith.andi %ne3A_130, %ne3A_133 : i1
    %sub3A_135 = arith.constant 1 : i32
    %sub3A_136 = arith.subi %div3A_115, %sub3A_135 : i32
    %select_n3A_137 = arith.select %and3A_134, %sub3A_136, %div3A_115 : i32
    %jit3A_138 = arith.constant 5 : i32
    %eq3A_139 = arith.constant 0 : i32
    %eq3A_140 = arith.cmpi eq, %jit3A_138, %eq3A_139 : i32
    %jit3A_141 = arith.constant 1 : i32
    %select_n3A_142 = arith.select %eq3A_140, %jit3A_141, %jit3A_138 : i32
    %rem3A_143 = arith.remsi %sub3A_113, %select_n3A_142 : i32
    %ne3A_144 = arith.constant 0 : i32
    %ne3A_145 = arith.cmpi ne, %rem3A_143, %ne3A_144 : i32
    %lt3A = arith.constant 0 : i32
    %lt3A_146 = arith.cmpi slt, %rem3A_143, %lt3A : i32
    %lt3A_147 = arith.constant 0 : i32
    %lt3A_148 = arith.cmpi slt, %select_n3A_142, %lt3A_147 : i32
    %ne3A_149 = arith.xori %lt3A_146, %lt3A_148 : i1
    %and3A_150 = arith.andi %ne3A_149, %ne3A_145 : i1
    %add3A_151 = arith.addi %rem3A_143, %select_n3A_142 : i32
    %select_n3A_152 = arith.select %and3A_150, %add3A_151, %rem3A_143 : i32
    %jit3A_153 = arith.constant 2 : i32
    %eq3A_154 = arith.constant 0 : i32
    %eq3A_155 = arith.cmpi eq, %jit3A_153, %eq3A_154 : i32
    %jit3A_156 = arith.constant 1 : i32
    %select_n3A_157 = arith.select %eq3A_155, %jit3A_156, %jit3A_153 : i32
    %rem3A_158 = arith.remsi %select_n3A_137, %select_n3A_157 : i32
    %ne3A_159 = arith.constant 0 : i32
    %ne3A_160 = arith.cmpi ne, %rem3A_158, %ne3A_159 : i32
    %lt3A_161 = arith.constant 0 : i32
    %lt3A_162 = arith.cmpi slt, %rem3A_158, %lt3A_161 : i32
    %lt3A_163 = arith.constant 0 : i32
    %lt3A_164 = arith.cmpi slt, %select_n3A_157, %lt3A_163 : i32
    %ne3A_165 = arith.xori %lt3A_162, %lt3A_164 : i1
    %and3A_166 = arith.andi %ne3A_165, %ne3A_160 : i1
    %add3A_167 = arith.addi %rem3A_158, %select_n3A_157 : i32
    %select_n3A_168 = arith.select %and3A_166, %add3A_167, %rem3A_158 : i32
    %mul3A_169 = arith.constant 8 : i32
    %mul3A_170 = arith.muli %select_n3A_137, %mul3A_169 : i32
    %sub3A_171 = arith.subi %sub3A_113, %mul3A_170 : i32
    %jit3A_172 = arith.constant 5 : i32
    %eq3A_173 = arith.constant 0 : i32
    %eq3A_174 = arith.cmpi eq, %jit3A_172, %eq3A_173 : i32
    %jit3A_175 = arith.constant 1 : i32
    %select_n3A_176 = arith.select %eq3A_174, %jit3A_175, %jit3A_172 : i32
    %rem3A_177 = arith.remsi %sub3A_113, %select_n3A_176 : i32
    %ne3A_178 = arith.constant 0 : i32
    %ne3A_179 = arith.cmpi ne, %rem3A_177, %ne3A_178 : i32
    %lt3A_180 = arith.constant 0 : i32
    %lt3A_181 = arith.cmpi slt, %rem3A_177, %lt3A_180 : i32
    %lt3A_182 = arith.constant 0 : i32
    %lt3A_183 = arith.cmpi slt, %select_n3A_176, %lt3A_182 : i32
    %ne3A_184 = arith.xori %lt3A_181, %lt3A_183 : i1
    %and3A_185 = arith.andi %ne3A_184, %ne3A_179 : i1
    %add3A_186 = arith.addi %rem3A_177, %select_n3A_176 : i32
    %select_n3A_187 = arith.select %and3A_185, %add3A_186, %rem3A_177 : i32
    %dma_wait3A = arith.constant 0 : i32
    %dma_wait3A_188 = arith.constant 0 : i32
    %dma_wait3A_189 = tpu.memref_slice %arg8[%select_n3A_152, %dma_wait3A, %dma_wait3A_188] : memref<5x128x128xbf16, #tpu.memory_space<vmem>> -> memref<1x128x128xbf16, #tpu.memory_space<vmem>>
    %dma_wait3A_190 = tpu.memref_squeeze %dma_wait3A_189 : memref<1x128x128xbf16, #tpu.memory_space<vmem>> -> memref<128x128xbf16, #tpu.memory_space<vmem>>
    %dma_wait3A_191 = arith.constant 0 : i32
    %dma_wait3A_192 = tpu.memref_slice %arg7[%select_n3A_168, %sub3A_171, %dma_wait3A_191] : memref<2x8x128xi32, #tpu.memory_space<vmem>> -> memref<1x1x128xi32, #tpu.memory_space<vmem>>
    %dma_wait3A_193 = tpu.memref_squeeze %dma_wait3A_192 : memref<1x1x128xi32, #tpu.memory_space<vmem>> -> memref<128xi32, #tpu.memory_space<vmem>>
    %dma_wait3A_194 = arith.constant 0 : i32
    %dma_wait3A_195 = arith.constant 0 : i32
    %dma_wait3A_196 = tpu.memref_slice %arg9[%dma_wait3A_194, %dma_wait3A_195] : memref<20480x128xbf16, #tpu.memory_space<vmem_shared>> -> memref<20480x128xbf16, #tpu.memory_space<vmem_shared>>
    %dma_wait3A_197 = tpu.memref_slice %arg11[%select_n3A_187] : memref<5x!tpu.dma_semaphore, #tpu.memory_space<semaphore_mem>> -> memref<1x!tpu.dma_semaphore, #tpu.memory_space<semaphore_mem>>
    %dma_wait3A_198 = tpu.memref_squeeze %dma_wait3A_197 : memref<1x!tpu.dma_semaphore, #tpu.memory_space<semaphore_mem>> -> memref<!tpu.dma_semaphore, #tpu.memory_space<semaphore_mem>>
    tpu.wait_indirect_dma semaphore(%dma_wait3A_198 : memref<!tpu.dma_semaphore, #tpu.memory_space<semaphore_mem>>) src(%dma_wait3A_190 : memref<128x128xbf16, #tpu.memory_space<vmem>>) dst(%dma_wait3A_196 : memref<20480x128xbf16, #tpu.memory_space<vmem_shared>>)
    %barrier3A_199 = arith.constant 0 : index
    tpu.barrier barrier_id(%barrier3A_199)
    %mul3A_200 = arith.constant 1248 : i32
    %mul3A_201 = arith.muli %mul3A_200, %arg1 : i32
    %mul3A_202 = arith.constant 1248 : i32
    %mul3A_203 = arith.muli %mul3A_202, %arg1 : i32
    "tpu.region"() ({
      %run_scoped3A_207 = tpu.sem_alloc : memref<!tpu.dma_semaphore, #tpu.memory_space<semaphore_mem>>
      %dma_start3A_208 = arith.constant 0 : i32
      %dma_start3A_209 = tpu.memref_slice %arg5[%arg0, %mul3A_203, %dma_start3A_208] : memref<2x20000x128xbf16, #tpu.memory_space<hbm>> -> memref<1x1248x128xbf16, #tpu.memory_space<hbm>>
      %dma_start3A_210 = tpu.memref_squeeze %dma_start3A_209 : memref<1x1248x128xbf16, #tpu.memory_space<hbm>> -> memref<1248x128xbf16, #tpu.memory_space<hbm>>
      %dma_start3A_211 = arith.constant 0 : i32
      %dma_start3A_212 = tpu.memref_slice %arg9[%mul3A_201, %dma_start3A_211] : memref<20480x128xbf16, #tpu.memory_space<vmem_shared>> -> memref<1248x128xbf16, #tpu.memory_space<vmem_shared>>
      tpu.enqueue_dma source(%dma_start3A_212 : memref<1248x128xbf16, #tpu.memory_space<vmem_shared>>) target(%dma_start3A_210 : memref<1248x128xbf16, #tpu.memory_space<hbm>>) target_semaphore(%run_scoped3A_207 : memref<!tpu.dma_semaphore, #tpu.memory_space<semaphore_mem>>)
      %dma_wait3A_213 = arith.constant 0 : i32
      %dma_wait3A_214 = tpu.memref_slice %arg5[%arg0, %mul3A_203, %dma_wait3A_213] : memref<2x20000x128xbf16, #tpu.memory_space<hbm>> -> memref<1x1248x128xbf16, #tpu.memory_space<hbm>>
      %dma_wait3A_215 = tpu.memref_squeeze %dma_wait3A_214 : memref<1x1248x128xbf16, #tpu.memory_space<hbm>> -> memref<1248x128xbf16, #tpu.memory_space<hbm>>
      %dma_wait3A_216 = arith.constant 0 : i32
      %dma_wait3A_217 = tpu.memref_slice %arg9[%mul3A_201, %dma_wait3A_216] : memref<20480x128xbf16, #tpu.memory_space<vmem_shared>> -> memref<1248x128xbf16, #tpu.memory_space<vmem_shared>>
      tpu.wait_dma2 semaphore(%run_scoped3A_207 : memref<!tpu.dma_semaphore, #tpu.memory_space<semaphore_mem>>) src(%dma_wait3A_217 : memref<1248x128xbf16, #tpu.memory_space<vmem_shared>>) dst(%dma_wait3A_215 : memref<1248x128xbf16, #tpu.memory_space<hbm>>)
      tpu.yield
    }) : () -> ()
    %eq3A_204 = arith.constant 15 : i32
    %eq3A_205 = arith.cmpi eq, %arg1, %eq3A_204 : i32
    %convert_element_type3A = arith.extui %eq3A_205 : i1 to i32
    %cond3A = arith.constant 0 : i32
    %cond3A_206 = arith.cmpi ne, %convert_element_type3A, %cond3A : i32
    scf.if %cond3A_206 {
      "tpu.region"() ({
        %run_scoped3A_207 = tpu.sem_alloc : memref<!tpu.dma_semaphore, #tpu.memory_space<semaphore_mem>>
        %dma_start3A_208 = arith.constant 19968 : i32
        %dma_start3A_209 = arith.constant 0 : i32
        %dma_start3A_210 = tpu.memref_slice %arg5[%arg0, %dma_start3A_208, %dma_start3A_209] : memref<2x20000x128xbf16, #tpu.memory_space<hbm>> -> memref<1x32x128xbf16, #tpu.memory_space<hbm>>
        %dma_start3A_211 = tpu.memref_squeeze %dma_start3A_210 : memref<1x32x128xbf16, #tpu.memory_space<hbm>> -> memref<32x128xbf16, #tpu.memory_space<hbm>>
        %dma_start3A_212 = arith.constant 19968 : i32
        %dma_start3A_213 = arith.constant 0 : i32
        %dma_start3A_214 = tpu.memref_slice %arg9[%dma_start3A_212, %dma_start3A_213] : memref<20480x128xbf16, #tpu.memory_space<vmem_shared>> -> memref<32x128xbf16, #tpu.memory_space<vmem_shared>>
        tpu.enqueue_dma source(%dma_start3A_214 : memref<32x128xbf16, #tpu.memory_space<vmem_shared>>) target(%dma_start3A_211 : memref<32x128xbf16, #tpu.memory_space<hbm>>) target_semaphore(%run_scoped3A_207 : memref<!tpu.dma_semaphore, #tpu.memory_space<semaphore_mem>>)
        %dma_wait3A_215 = arith.constant 19968 : i32
        %dma_wait3A_216 = arith.constant 0 : i32
        %dma_wait3A_217 = tpu.memref_slice %arg5[%arg0, %dma_wait3A_215, %dma_wait3A_216] : memref<2x20000x128xbf16, #tpu.memory_space<hbm>> -> memref<1x32x128xbf16, #tpu.memory_space<hbm>>
        %dma_wait3A_218 = tpu.memref_squeeze %dma_wait3A_217 : memref<1x32x128xbf16, #tpu.memory_space<hbm>> -> memref<32x128xbf16, #tpu.memory_space<hbm>>
        %dma_wait3A_219 = arith.constant 19968 : i32
        %dma_wait3A_220 = arith.constant 0 : i32
        %dma_wait3A_221 = tpu.memref_slice %arg9[%dma_wait3A_219, %dma_wait3A_220] : memref<20480x128xbf16, #tpu.memory_space<vmem_shared>> -> memref<32x128xbf16, #tpu.memory_space<vmem_shared>>
        tpu.wait_dma2 semaphore(%run_scoped3A_207 : memref<!tpu.dma_semaphore, #tpu.memory_space<semaphore_mem>>) src(%dma_wait3A_221 : memref<32x128xbf16, #tpu.memory_space<vmem_shared>>) dst(%dma_wait3A_218 : memref<32x128xbf16, #tpu.memory_space<hbm>>)
        tpu.yield
      }) : () -> ()
    } else {
    }
    return
  }
}

module attributes {stable_mosaic.version = 14 : i64} {
  func.func @_tc0_body(%arg0: memref<32x160x128xf32, #tpu.memory_space<vmem>>, %arg1: memref<160x128xf32, #tpu.memory_space<vmem>>) attributes {dimension_semantics = [], scalar_prefetch = 0 : i64, scratch_operands = 0 : i64, tpu.core_type = #tpu.core_type<tc>} {
    %get3A = arith.constant 0 : index
    %get3A_0 = arith.constant 0 : index
    %get3A_1 = arith.constant 0 : index
    %get3A_2 = vector.load %arg0[%get3A, %get3A_0, %get3A_1] : memref<32x160x128xf32, #tpu.memory_space<vmem>>, vector<32x160x128xf32>
    %reduce_sum3A = arith.constant dense<0.000000e+00> : vector<160x128xf32>
    %reduce_sum3A_3 = vector.multi_reduction <add>, %get3A_2, %reduce_sum3A [0] : vector<32x160x128xf32> to vector<160x128xf32>
    %add3A = arith.constant 1.000000e+00 : f32
    %add3A_4 = vector.broadcast %add3A : f32 to vector<160x128xf32>
    %add3A_5 = arith.addf %add3A_4, %reduce_sum3A_3 : vector<160x128xf32>
    %rsqrt3A = math.rsqrt %add3A_5 : vector<160x128xf32>
    %swap3A = arith.constant 0 : index
    %swap3A_6 = arith.constant 0 : index
    %swap3A_7 = vector.load %arg1[%swap3A, %swap3A_6] : memref<160x128xf32, #tpu.memory_space<vmem>>, vector<160x128xf32>
    tpu.vector_store %arg1[%swap3A, %swap3A_6], %rsqrt3A {strides = array<i32>} : memref<160x128xf32, #tpu.memory_space<vmem>>, vector<160x128xf32>,
    return
  }
}

module attributes {stable_mosaic.version = 14 : i64} {
  func.func @_tc1_body(%arg0: i32, %arg1: memref<2000x128xf32, #tpu.memory_space<vmem>>, %arg2: memref<128x128xf32, #tpu.memory_space<vmem>>, %arg3: memref<2000x1xf32, #tpu.memory_space<vmem>>, %arg4: memref<2000x128xbf16, #tpu.memory_space<vmem>>) attributes {dimension_semantics = [#tpu.dimension_semantics<arbitrary>], iteration_bounds = array<i64: 10>, scalar_prefetch = 0 : i64, scratch_operands = 0 : i64, tpu.core_type = #tpu.core_type<tc>, window_params = [{transform_indices = @transform_0, window_bounds = array<i64: 2000, 128>}, {pipeline_mode = #tpu.pipeline_mode<synchronous>, transform_indices = @transform_1, window_bounds = array<i64: 128, 128>}, {transform_indices = @transform_2, window_bounds = array<i64: 2000, 1>}, {transform_indices = @transform_3, window_bounds = array<i64: 2000, 128>}]} {
    %get3A = arith.constant 0 : index
    %get3A_0 = arith.constant 0 : index
    %get3A_1 = vector.load %arg1[%get3A, %get3A_0] : memref<2000x128xf32, #tpu.memory_space<vmem>>, vector<2000x128xf32>
    %get3A_2 = arith.constant 0 : index
    %get3A_3 = arith.constant 0 : index
    %get3A_4 = vector.load %arg2[%get3A_2, %get3A_3] : memref<128x128xf32, #tpu.memory_space<vmem>>, vector<128x128xf32>
    %dot_general3A = arith.constant dense<0.000000e+00> : vector<2000x128xf32>
    %dot_general3A_5 = tpu.matmul %get3A_1, %get3A_4, %dot_general3A {dimension_numbers = #tpu.dot_dimension_numbers<[1], [0], [0], [1], [0, 0, 1, 1], [], []>, transpose_lhs_hint = false} : vector<2000x128xf32>, vector<128x128xf32>, vector<2000x128xf32> -> vector<2000x128xf32>
    %get3A_6 = arith.constant 0 : index
    %get3A_7 = arith.constant 0 : index
    %get3A_8 = vector.load %arg3[%get3A_6, %get3A_7] : memref<2000x1xf32, #tpu.memory_space<vmem>>, vector<2000x1xf32>
    %mul3A = vector.broadcast %get3A_8 : vector<2000x1xf32> to vector<2000x128xf32>
    %mul3A_9 = arith.mulf %dot_general3A_5, %mul3A : vector<2000x128xf32>
    %convert_element_type3A = arith.truncf %mul3A_9 : vector<2000x128xf32> to vector<2000x128xbf16>
    %swap3A = arith.constant 0 : index
    %swap3A_10 = arith.constant 0 : index
    %swap3A_11 = vector.load %arg4[%swap3A, %swap3A_10] : memref<2000x128xbf16, #tpu.memory_space<vmem>>, vector<2000x128xbf16>
    tpu.vector_store %arg4[%swap3A, %swap3A_10], %convert_element_type3A {strides = array<i32>} : memref<2000x128xbf16, #tpu.memory_space<vmem>>, vector<2000x128xbf16>,
    return
  }
  func.func @transform_0(%arg0: i32) -> (i32, i32) {
    %c0_i32 = arith.constant 0 : i32
    %c0_i32_0 = arith.constant 0 : i32
    return %arg0, %c0_i32 : i32, i32
  }
  func.func @transform_1(%arg0: i32) -> (i32, i32) {
    %c0_i32 = arith.constant 0 : i32
    %c0_i32_0 = arith.constant 0 : i32
    %c0_i32_1 = arith.constant 0 : i32
    return %c0_i32, %c0_i32_0 : i32, i32
  }
  func.func @transform_2(%arg0: i32) -> (i32, i32) {
    %c0_i32 = arith.constant 0 : i32
    %c0_i32_0 = arith.constant 0 : i32
    return %arg0, %c0_i32 : i32, i32
  }
  func.func @transform_3(%arg0: i32) -> (i32, i32) {
    %c0_i32 = arith.constant 0 : i32
    %c0_i32_0 = arith.constant 0 : i32
    return %arg0, %c0_i32 : i32, i32
  }
}

module attributes {stable_mosaic.version = 14 : i64} {
  func.func @_tc2_body(%arg0: i32, %arg1: memref<2000x128xf32, #tpu.memory_space<vmem>>, %arg2: memref<2000x128xbf16, #tpu.memory_space<vmem>>, %arg3: memref<2x2000x128xbf16, #tpu.memory_space<vmem>>, %arg4: memref<2000x1xf32, #tpu.memory_space<vmem>>, %arg5: memref<1x128xf32, #tpu.memory_space<vmem>>, %arg6: memref<128x128xf32, #tpu.memory_space<vmem>>, %arg7: memref<2000x128xf32, #tpu.memory_space<vmem>>, %arg8: memref<2000x128xbf16, #tpu.memory_space<vmem>>) attributes {dimension_semantics = [#tpu.dimension_semantics<arbitrary>], iteration_bounds = array<i64: 10>, scalar_prefetch = 0 : i64, scratch_operands = 0 : i64, tpu.core_type = #tpu.core_type<tc>, window_params = [{transform_indices = @transform_0, window_bounds = array<i64: 2000, 128>}, {transform_indices = @transform_1, window_bounds = array<i64: 2000, 128>}, {transform_indices = @transform_2, window_bounds = array<i64: 2, 2000, 128>}, {transform_indices = @transform_3, window_bounds = array<i64: 2000, 1>}, {pipeline_mode = #tpu.pipeline_mode<synchronous>, transform_indices = @transform_4, window_bounds = array<i64: 1, 128>}, {pipeline_mode = #tpu.pipeline_mode<synchronous>, transform_indices = @transform_5, window_bounds = array<i64: 128, 128>}, {transform_indices = @transform_6, window_bounds = array<i64: 2000, 128>}, {transform_indices = @transform_7, window_bounds = array<i64: 2000, 128>}]} {
    %get3A = arith.constant 0 : index
    %get3A_0 = arith.constant 0 : index
    %get3A_1 = vector.load %arg4[%get3A, %get3A_0] : memref<2000x1xf32, #tpu.memory_space<vmem>>, vector<2000x1xf32>
    %get3A_2 = arith.constant 0 : index
    %get3A_3 = arith.constant 0 : index
    %get3A_4 = arith.constant 0 : index
    %get3A_5 = vector.load %arg3[%get3A_2, %get3A_3, %get3A_4] : memref<2x2000x128xbf16, #tpu.memory_space<vmem>>, vector<1x2000x128xbf16>
    %get3A_6 = vector.shape_cast %get3A_5 : vector<1x2000x128xbf16> to vector<2000x128xbf16>
    %convert_element_type3A = arith.extf %get3A_6 : vector<2000x128xbf16> to vector<2000x128xf32>
    %get3A_7 = arith.constant 1 : index
    %get3A_8 = arith.constant 0 : index
    %get3A_9 = arith.constant 0 : index
    %get3A_10 = vector.load %arg3[%get3A_7, %get3A_8, %get3A_9] : memref<2x2000x128xbf16, #tpu.memory_space<vmem>>, vector<1x2000x128xbf16>
    %get3A_11 = vector.shape_cast %get3A_10 : vector<1x2000x128xbf16> to vector<2000x128xbf16>
    %convert_element_type3A_12 = arith.extf %get3A_11 : vector<2000x128xbf16> to vector<2000x128xf32>
    %add3A = arith.addf %convert_element_type3A, %convert_element_type3A_12 : vector<2000x128xf32>
    %get3A_13 = arith.constant 0 : index
    %get3A_14 = arith.constant 0 : index
    %get3A_15 = vector.load %arg2[%get3A_13, %get3A_14] : memref<2000x128xbf16, #tpu.memory_space<vmem>>, vector<2000x128xbf16>
    %convert_element_type3A_16 = arith.extf %get3A_15 : vector<2000x128xbf16> to vector<2000x128xf32>
    %add3A_17 = arith.addf %add3A, %convert_element_type3A_16 : vector<2000x128xf32>
    %mul3A = vector.broadcast %get3A_1 : vector<2000x1xf32> to vector<2000x128xf32>
    %mul3A_18 = arith.mulf %mul3A, %add3A_17 : vector<2000x128xf32>
    %get3A_19 = arith.constant 0 : index
    %get3A_20 = arith.constant 0 : index
    %get3A_21 = vector.load %arg5[%get3A_19, %get3A_20] : memref<1x128xf32, #tpu.memory_space<vmem>>, vector<1x128xf32>
    %add3A_22 = vector.broadcast %get3A_21 : vector<1x128xf32> to vector<2000x128xf32>
    %add3A_23 = arith.addf %mul3A_18, %add3A_22 : vector<2000x128xf32>
    %mul3A_24 = arith.constant 5.000000e-01 : f32
    %mul3A_25 = vector.broadcast %mul3A_24 : f32 to vector<2000x128xf32>
    %mul3A_26 = arith.mulf %add3A_23, %mul3A_25 : vector<2000x128xf32>
    %mul3A_27 = arith.constant 0.707106769 : f32
    %mul3A_28 = vector.broadcast %mul3A_27 : f32 to vector<2000x128xf32>
    %mul3A_29 = arith.mulf %add3A_23, %mul3A_28 : vector<2000x128xf32>
    %erf3A = math.erf %mul3A_29 : vector<2000x128xf32>
    %add3A_30 = arith.constant 1.000000e+00 : f32
    %add3A_31 = vector.broadcast %add3A_30 : f32 to vector<2000x128xf32>
    %add3A_32 = arith.addf %add3A_31, %erf3A : vector<2000x128xf32>
    %mul3A_33 = arith.mulf %mul3A_26, %add3A_32 : vector<2000x128xf32>
    %get3A_34 = arith.constant 0 : index
    %get3A_35 = arith.constant 0 : index
    %get3A_36 = vector.load %arg1[%get3A_34, %get3A_35] : memref<2000x128xf32, #tpu.memory_space<vmem>>, vector<2000x128xf32>
    %add3A_37 = arith.addf %get3A_36, %mul3A_33 : vector<2000x128xf32>
    %swap3A = arith.constant 0 : index
    %swap3A_38 = arith.constant 0 : index
    %swap3A_39 = vector.load %arg7[%swap3A, %swap3A_38] : memref<2000x128xf32, #tpu.memory_space<vmem>>, vector<2000x128xf32>
    tpu.vector_store %arg7[%swap3A, %swap3A_38], %add3A_37 {strides = array<i32>} : memref<2000x128xf32, #tpu.memory_space<vmem>>, vector<2000x128xf32>,
    %get3A_40 = arith.constant 0 : index
    %get3A_41 = arith.constant 0 : index
    %get3A_42 = vector.load %arg6[%get3A_40, %get3A_41] : memref<128x128xf32, #tpu.memory_space<vmem>>, vector<128x128xf32>
    %dot_general3A = arith.constant dense<0.000000e+00> : vector<2000x128xf32>
    %dot_general3A_43 = tpu.matmul %add3A_37, %get3A_42, %dot_general3A {dimension_numbers = #tpu.dot_dimension_numbers<[1], [0], [0], [1], [0, 0, 1, 1], [], []>, transpose_lhs_hint = false} : vector<2000x128xf32>, vector<128x128xf32>, vector<2000x128xf32> -> vector<2000x128xf32>
    %mul3A_44 = vector.broadcast %get3A_1 : vector<2000x1xf32> to vector<2000x128xf32>
    %mul3A_45 = arith.mulf %dot_general3A_43, %mul3A_44 : vector<2000x128xf32>
    %convert_element_type3A_46 = arith.truncf %mul3A_45 : vector<2000x128xf32> to vector<2000x128xbf16>
    %swap3A_47 = arith.constant 0 : index
    %swap3A_48 = arith.constant 0 : index
    %swap3A_49 = vector.load %arg8[%swap3A_47, %swap3A_48] : memref<2000x128xbf16, #tpu.memory_space<vmem>>, vector<2000x128xbf16>
    tpu.vector_store %arg8[%swap3A_47, %swap3A_48], %convert_element_type3A_46 {strides = array<i32>} : memref<2000x128xbf16, #tpu.memory_space<vmem>>, vector<2000x128xbf16>,
    return
  }
  func.func @transform_0(%arg0: i32) -> (i32, i32) {
    %c0_i32 = arith.constant 0 : i32
    %c0_i32_0 = arith.constant 0 : i32
    return %arg0, %c0_i32 : i32, i32
  }
  func.func @transform_1(%arg0: i32) -> (i32, i32) {
    %c0_i32 = arith.constant 0 : i32
    %c0_i32_0 = arith.constant 0 : i32
    return %arg0, %c0_i32 : i32, i32
  }
  func.func @transform_2(%arg0: i32) -> (i32, i32, i32) {
    %c0_i32 = arith.constant 0 : i32
    %c0_i32_0 = arith.constant 0 : i32
    %c0_i32_1 = arith.constant 0 : i32
    return %c0_i32, %arg0, %c0_i32_0 : i32, i32, i32
  }
  func.func @transform_3(%arg0: i32) -> (i32, i32) {
    %c0_i32 = arith.constant 0 : i32
    %c0_i32_0 = arith.constant 0 : i32
    return %arg0, %c0_i32 : i32, i32
  }
  func.func @transform_4(%arg0: i32) -> (i32, i32) {
    %c0_i32 = arith.constant 0 : i32
    %c0_i32_0 = arith.constant 0 : i32
    %c0_i32_1 = arith.constant 0 : i32
    return %c0_i32, %c0_i32_0 : i32, i32
  }
  func.func @transform_5(%arg0: i32) -> (i32, i32) {
    %c0_i32 = arith.constant 0 : i32
    %c0_i32_0 = arith.constant 0 : i32
    %c0_i32_1 = arith.constant 0 : i32
    return %c0_i32, %c0_i32_0 : i32, i32
  }
  func.func @transform_6(%arg0: i32) -> (i32, i32) {
    %c0_i32 = arith.constant 0 : i32
    %c0_i32_0 = arith.constant 0 : i32
    return %arg0, %c0_i32 : i32, i32
  }
  func.func @transform_7(%arg0: i32) -> (i32, i32) {
    %c0_i32 = arith.constant 0 : i32
    %c0_i32_0 = arith.constant 0 : i32
    return %arg0, %c0_i32 : i32, i32
  }
}

module attributes {stable_mosaic.version = 14 : i64} {
  func.func @_tc3_body(%arg0: i32, %arg1: memref<2000x128xf32, #tpu.memory_space<vmem>>, %arg2: memref<2000x128xbf16, #tpu.memory_space<vmem>>, %arg3: memref<2x2000x128xbf16, #tpu.memory_space<vmem>>, %arg4: memref<2000x1xf32, #tpu.memory_space<vmem>>, %arg5: memref<1x128xf32, #tpu.memory_space<vmem>>, %arg6: memref<2000x128xf32, #tpu.memory_space<vmem>>) attributes {dimension_semantics = [#tpu.dimension_semantics<arbitrary>], iteration_bounds = array<i64: 10>, scalar_prefetch = 0 : i64, scratch_operands = 0 : i64, tpu.core_type = #tpu.core_type<tc>, window_params = [{transform_indices = @transform_0, window_bounds = array<i64: 2000, 128>}, {transform_indices = @transform_1, window_bounds = array<i64: 2000, 128>}, {transform_indices = @transform_2, window_bounds = array<i64: 2, 2000, 128>}, {transform_indices = @transform_3, window_bounds = array<i64: 2000, 1>}, {pipeline_mode = #tpu.pipeline_mode<synchronous>, transform_indices = @transform_4, window_bounds = array<i64: 1, 128>}, {transform_indices = @transform_5, window_bounds = array<i64: 2000, 128>}]} {
    %get3A = arith.constant 0 : index
    %get3A_0 = arith.constant 0 : index
    %get3A_1 = arith.constant 0 : index
    %get3A_2 = vector.load %arg3[%get3A, %get3A_0, %get3A_1] : memref<2x2000x128xbf16, #tpu.memory_space<vmem>>, vector<1x2000x128xbf16>
    %get3A_3 = vector.shape_cast %get3A_2 : vector<1x2000x128xbf16> to vector<2000x128xbf16>
    %convert_element_type3A = arith.extf %get3A_3 : vector<2000x128xbf16> to vector<2000x128xf32>
    %get3A_4 = arith.constant 1 : index
    %get3A_5 = arith.constant 0 : index
    %get3A_6 = arith.constant 0 : index
    %get3A_7 = vector.load %arg3[%get3A_4, %get3A_5, %get3A_6] : memref<2x2000x128xbf16, #tpu.memory_space<vmem>>, vector<1x2000x128xbf16>
    %get3A_8 = vector.shape_cast %get3A_7 : vector<1x2000x128xbf16> to vector<2000x128xbf16>
    %convert_element_type3A_9 = arith.extf %get3A_8 : vector<2000x128xbf16> to vector<2000x128xf32>
    %add3A = arith.addf %convert_element_type3A, %convert_element_type3A_9 : vector<2000x128xf32>
    %get3A_10 = arith.constant 0 : index
    %get3A_11 = arith.constant 0 : index
    %get3A_12 = vector.load %arg2[%get3A_10, %get3A_11] : memref<2000x128xbf16, #tpu.memory_space<vmem>>, vector<2000x128xbf16>
    %convert_element_type3A_13 = arith.extf %get3A_12 : vector<2000x128xbf16> to vector<2000x128xf32>
    %add3A_14 = arith.addf %add3A, %convert_element_type3A_13 : vector<2000x128xf32>
    %get3A_15 = arith.constant 0 : index
    %get3A_16 = arith.constant 0 : index
    %get3A_17 = vector.load %arg1[%get3A_15, %get3A_16] : memref<2000x128xf32, #tpu.memory_space<vmem>>, vector<2000x128xf32>
    %get3A_18 = arith.constant 0 : index
    %get3A_19 = arith.constant 0 : index
    %get3A_20 = vector.load %arg4[%get3A_18, %get3A_19] : memref<2000x1xf32, #tpu.memory_space<vmem>>, vector<2000x1xf32>
    %mul3A = vector.broadcast %get3A_20 : vector<2000x1xf32> to vector<2000x128xf32>
    %mul3A_21 = arith.mulf %mul3A, %add3A_14 : vector<2000x128xf32>
    %add3A_22 = arith.addf %get3A_17, %mul3A_21 : vector<2000x128xf32>
    %get3A_23 = arith.constant 0 : index
    %get3A_24 = arith.constant 0 : index
    %get3A_25 = vector.load %arg5[%get3A_23, %get3A_24] : memref<1x128xf32, #tpu.memory_space<vmem>>, vector<1x128xf32>
    %add3A_26 = vector.broadcast %get3A_25 : vector<1x128xf32> to vector<2000x128xf32>
    %add3A_27 = arith.addf %add3A_22, %add3A_26 : vector<2000x128xf32>
    %swap3A = arith.constant 0 : index
    %swap3A_28 = arith.constant 0 : index
    %swap3A_29 = vector.load %arg6[%swap3A, %swap3A_28] : memref<2000x128xf32, #tpu.memory_space<vmem>>, vector<2000x128xf32>
    tpu.vector_store %arg6[%swap3A, %swap3A_28], %add3A_27 {strides = array<i32>} : memref<2000x128xf32, #tpu.memory_space<vmem>>, vector<2000x128xf32>,
    return
  }
  func.func @transform_0(%arg0: i32) -> (i32, i32) {
    %c0_i32 = arith.constant 0 : i32
    %c0_i32_0 = arith.constant 0 : i32
    return %arg0, %c0_i32 : i32, i32
  }
  func.func @transform_1(%arg0: i32) -> (i32, i32) {
    %c0_i32 = arith.constant 0 : i32
    %c0_i32_0 = arith.constant 0 : i32
    return %arg0, %c0_i32 : i32, i32
  }
  func.func @transform_2(%arg0: i32) -> (i32, i32, i32) {
    %c0_i32 = arith.constant 0 : i32
    %c0_i32_0 = arith.constant 0 : i32
    %c0_i32_1 = arith.constant 0 : i32
    return %c0_i32, %arg0, %c0_i32_0 : i32, i32, i32
  }
  func.func @transform_3(%arg0: i32) -> (i32, i32) {
    %c0_i32 = arith.constant 0 : i32
    %c0_i32_0 = arith.constant 0 : i32
    return %arg0, %c0_i32 : i32, i32
  }
  func.func @transform_4(%arg0: i32) -> (i32, i32) {
    %c0_i32 = arith.constant 0 : i32
    %c0_i32_0 = arith.constant 0 : i32
    %c0_i32_1 = arith.constant 0 : i32
    return %c0_i32, %c0_i32_0 : i32, i32
  }
  func.func @transform_5(%arg0: i32) -> (i32, i32) {
    %c0_i32 = arith.constant 0 : i32
    %c0_i32_0 = arith.constant 0 : i32
    return %arg0, %c0_i32 : i32, i32
  }
}

</mosaic_0001>

<sc_bundles>
// kernel: kernel.12.cloned.1.call-start
scs
__scs_entry_jumppad:
0x0: {  	(pc) =	sbr.rel $0x88, $3  }
0x1: {  	(tag) =	ssettag $0x0;
	lr =	simm.s32 $0x1  }
0x2: {  	[smem:$0x3F9B] =	sst lr;
	_ =	strace $0xD0000000  }
0x3: {  	_ = 	snop  }
0x4: {  	_ = 	snop  }
0x5: {  	_ = 	snop  }
0x6: {  	_ = 	snop  }
0x7: {  	_ = 	snop  }
__scs_overlays_trampoline_lowered:
0x8: {  	[smem:$0x3FAA] =	sst s0  }
0x9: {  	[smem:$0x3FAB] =	sst s1  }
0xa: {  	[smem:$0x3FAC] =	sst s2  }
0xb: {  	[smem:$0x3FAD] =	sst s3  }
0xc: {  	[smem:$0x3FAE] =	sst s4  }
0xd: {  	[smem:$0x3FAF] =	sst s5  }
0xe: {  	[smem:$0x3FB0] =	sst s6  }
0xf: {  	[smem:$0x3FB1] =	sst s7  }
0x10: {  	[smem:$0x3FB2] =	sst s8  }
0x11: {  	[smem:$0x3FB3] =	sst s9;
	s0 =	simm.s32 @!p0 $0x0  }
0x12: {  	s1 =	sld [smem:$0x3F99];
	s0 =	simm.s32 @p0 $0x1  }
0x13: {  	[smem:$0x3FB4] =	sst s0;
	s0 =	simm.s32 @!p1 $0x0  }
0x14: {  	s2 =	sld [smem:$0x3F98];
	s0 =	simm.s32 @p1 $0x1  }
0x15: {  	[smem:$0x3FB5] =	sst s0;
	s0 =	simm.s32 @!p2 $0x0  }
0x16: {  	s3 =	sld [smem:$0x3FDB];
	s0 =	simm.s32 @p2 $0x1  }
0x17: {  	s4 =	simm.s32 $0x1BF5;
	[smem:$0x3FB7] =	sst s0  }
0x18: {  	s0 =	sld [smem:$0x3F9A];
	_ =	swait.ge [sflag:s4], $0x0  }
0x19: {  	s7 =	sld [smem:$0x3F9B]  }
0x1a: {  	s8 =	sadd.s32 $0xFFFFE003, lr  }
0x1b: {  	s9 =	sadd.s32 $0xFFFFFEF7, lr;
	s5 =	simm.s32 $0xFFFFFFFF;
	p2 =	slt.u32 s8, $0xFFFFF086  }
0x1c: {  	p1 =	slt.u32 s9, $0xF7A;
	s5 =	simm.s32 @!p2 $0x0  }
0x1d: {  	s5 =	simm.s32 @p1 $0x1;
	p0 =	seq.s32 s7, s2  }
0x1e: {  	s7 =	smul.u32 @!p0 $0xF7A, s2;
	p2 =	seq.s32 @!p0 s5, $0x0  }
0x1f: {  	s9 =	smul.u32 $0xF7A, s1;
	s8 =	simm.s32 @!p0 $0x1BF5;
	p2 =	por !p2, p0  }
0x20: {  	[sflag:s8] =	ssyncset.s32 @!p0 $0xFFFFF086;
	s6 =	sadd.s32 @!p0 s3, s7;
	s7 =	simm.s32 @!p0 $0x108  }
0x21: {  	s3 =	sadd.s32 s3, s9;
	s6 =	sadd.s32 @!p0 $0x88, s6;
	s7 =	simm.s32 @p2 $0x1082  }
0x22: {  	[simem:s7], [sflag:s8] =	dma.local @!p0 [hbm:s6], $0xF7A  }
0x23: {  	s9 =	sor.u32 $0xD0000000, s2;
	s6 =	simm.s32 $0x108;
	_ =	swait.ge @!p0 [sflag:s8], $0x0  }
0x24: {  	s3 =	sadd.s32 $0x88, s3;
	s6 =	simm.s32 @!p1 $0x1082;
	[sflag:s4] =	ssyncset.s32 $0xFFFFF086  }
0x25: {  	[simem:s6], [sflag:s4] =	dma.local [hbm:s3], $0xF7A  }
0x26: {  	[smem:$0x3F9B] =	sst s1;
	(tag) =	ssettag s2;
	_ =	strace s9  }
0x27: {  	s1 =	sld [smem:$0x3FAB]  }
0x28: {  	s2 =	sld [smem:$0x3FAC]  }
0x29: {  	s4 =	sld [smem:$0x3FAE]  }
0x2a: {  	p0 =	seq.s32 s5, $0x0;
	s5 =	sld [smem:$0x3FAF]  }
0x2b: {  	s6 =	sld [smem:$0x3FB0]  }
0x2c: {  	s7 =	sld [smem:$0x3FB1]  }
0x2d: {  	s3 =	simm.s32 $0x108;
	s8 =	sld [smem:$0x3FB2]  }
0x2e: {  	s3 =	simm.s32 @!p0 $0x1082;
	s9 =	sld [smem:$0x3FB3]  }
0x2f: {  	lr =	sadd.s32 s0, s3;
	s0 =	sld [smem:$0x3FAA]  }
0x30: {  	s3 =	sld [smem:$0x3FAD]  }
0x31: {  	[smem:$0x3FB6] =	sst s10  }
0x32: {  	s10 =	sld [smem:$0x3FB4];
	_ =	sdelay $0x3  }
0x33: {  	p0 =	seq.s32 s10, $0x1;
	s10 =	sld [smem:$0x3FB6];
	_ =	sdelay $0x3  }
0x34: {  	[smem:$0x3FB6] =	sst s10  }
0x35: {  	s10 =	sld [smem:$0x3FB5];
	_ =	sdelay $0x3  }
0x36: {  	p1 =	seq.s32 s10, $0x1;
	s10 =	sld [smem:$0x3FB6];
	_ =	sdelay $0x3  }
0x37: {  	[smem:$0x3FB6] =	sst s10  }
0x38: {  	s10 =	sld [smem:$0x3FB7]  }
0x39: {  	_ = 	snop;
	(pc) =	sbr.ind lr, $3  }
0x3a: {  	_ = 	snop  }
0x3b: {  	_ = 	snop  }
0x3c: {  	p2 =	seq.s32 s10, $0x1;
	s10 =	sld [smem:$0x3FB6]  }
0x3d: {  	_ =	shalt  }
0x3e: {  	_ =	shalt  }
0x3f: {  	_ =	shalt  }
0x40: {  	_ =	shalt  }
0x41: {  	_ =	shalt  }
0x42: {  	_ =	shalt  }
0x43: {  	_ =	shalt  }
0x44: {  	_ =	shalt  }
0x45: {  	_ =	shalt  }
0x46: {  	_ =	shalt  }
0x47: {  	_ =	shalt  }
0x48: {  	_ =	shalt  }
0x49: {  	_ =	shalt  }
0x4a: {  	_ =	shalt  }
0x4b: {  	_ =	shalt  }
0x4c: {  	_ =	shalt  }
0x4d: {  	_ =	shalt  }
0x4e: {  	_ =	shalt  }
0x4f: {  	_ =	shalt  }
0x50: {  	_ =	shalt  }
0x51: {  	_ =	shalt  }
0x52: {  	_ =	shalt  }
0x53: {  	_ =	shalt  }
0x54: {  	_ =	shalt  }
0x55: {  	_ =	shalt  }
0x56: {  	_ =	shalt  }
0x57: {  	_ =	shalt  }
0x58: {  	_ =	shalt  }
0x59: {  	_ =	shalt  }
0x5a: {  	_ =	shalt  }
0x5b: {  	_ =	shalt  }
0x5c: {  	_ =	shalt  }
0x5d: {  	_ =	shalt  }
0x5e: {  	_ =	shalt  }
0x5f: {  	_ =	shalt  }
0x60: {  	_ =	shalt  }
0x61: {  	_ =	shalt  }
0x62: {  	_ =	shalt  }
0x63: {  	_ =	shalt  }
0x64: {  	_ =	shalt  }
0x65: {  	_ =	shalt  }
0x66: {  	_ =	shalt  }
0x67: {  	_ =	shalt  }
0x68: {  	_ =	shalt  }
0x69: {  	_ =	shalt  }
0x6a: {  	_ =	shalt  }
0x6b: {  	_ =	shalt  }
0x6c: {  	_ =	shalt  }
0x6d: {  	_ =	shalt  }
0x6e: {  	_ =	shalt  }
0x6f: {  	_ =	shalt  }
0x70: {  	_ =	shalt  }
0x71: {  	_ =	shalt  }
0x72: {  	_ =	shalt  }
0x73: {  	_ =	shalt  }
0x74: {  	_ =	shalt  }
0x75: {  	_ =	shalt  }
0x76: {  	_ =	shalt  }
0x77: {  	_ =	shalt  }
0x78: {  	_ =	shalt  }
0x79: {  	_ =	shalt  }
0x7a: {  	_ =	shalt  }
0x7b: {  	_ =	shalt  }
0x7c: {  	_ =	shalt  }
0x7d: {  	_ =	shalt  }
0x7e: {  	_ =	shalt  }
0x7f: {  	_ =	shalt  }
0x80: {  	_ =	shalt  }
0x81: {  	_ =	shalt  }
0x82: {  	_ =	shalt  }
0x83: {  	_ =	shalt  }
0x84: {  	_ =	shalt  }
0x85: {  	_ =	shalt  }
0x86: {  	_ =	shalt  }
0x87: {  	_ =	shalt  }
.Lfunc_end0:
.L_simem_size_0:
called_computation.1_lowered:
.L_overlay_start_0:
0x88: {  	s2 =	sld [smem:$0x3FD9]  }
0x89: {  	s3 =	sld [smem:$0x3FFE];
	_ =	sdelay $0x1  }
0x8a: {  	s1 =	srdreg.scid  }
0x8b: {  	s0 =	sand.u32 $0x1, s1  }
0x8c: {  	s17 =	sshll.u32 s0, $0xA;
	s2 =	sadd.s32 s3, s2  }
0x8d: {  	s2 =	sadd.s32 s2, s17  }
0x8e: {  	[smem:$0x3FC2] =	sst s2  }
0x8f: {  	_ = 	snop  }
0x90: {  	s2 =	sld [smem:$0x3FD0];
	(tm) =	ssettm $0x1  }
0x91: {  	s18 =	sld [smem:$0x3FFB];
	_ =	sdelay $0x3  }
0x92: {  	_ =	strace s18  }
0x93: {  	s3 =	sld [smem:$0x3FFC];
	_ =	sdelay $0x3  }
0x94: {  	_ =	strace s3  }
0x95: {  	s3 =	sld [smem:$0x3FFD];
	_ =	sdelay $0x3  }
0x96: {  	_ =	strace s3  }
0x97: {  	_ =	strace $0x8FFFFFFF  }
0x98: {  	s19 =	sld [smem:$0x3FDB];
	_ =	sdelay $0x1  }
0x99: {  	s4 =	simm.s32 $_scs_section_size  }
0x9a: {  	s5 =	simm.s32 $_size__tile_overlayer_lowered;
	s6 =	simm.s32 $_tile_overlayer_lowered  }
0x9b: {  	s22 =	simm.s32 $0x1BFF;
	s21 =	sshll.u32 s6, $0x1;
	s3 =	sadd.s32 s4, s19  }
0x9c: {  	s7 =	simm.s32 $0x0;
	s20 =	sshll.u32 s5, $0x1;
	s5 =	sadd.s32 s21, s3  }
0x9d: {  	[timem:s7], [sflag:s22] =	dma.local [hbm:s5], s20  }
0x9e: {  	_ =	swait.ge [sflag:s22], s20  }
0x9f: {  	s4 =	ssub.s32 $0x0, s20;
	[sflag:s22] =	ssyncset.done $0x0  }
0xa0: {  	[sflag:s22] =	ssyncadd.s32 s4;
	_ =	sdelay $0x1  }
0xa1: {  	s23 =	simm.s32 $0x1B8B  }
0xa2: {  	_ =	swait.ge [sflag:s23], $0x1  }
0xa3: {  	[sflag:s23] =	ssyncset.done $0x0  }
0xa4: {  	s25 =	simm.s32 $0x1B8E;
	s24 =	sld [smem:$0x3FFE];
	[sflag:s23] =	ssyncadd.s32 $0xFFFFFFFF  }
0xa5: {  	s26 =	simm.s32 $execute0_lowered;
	[smem:$0x3FD2] =	sst s25  }
0xa6: {  	s5 =	sshll.u32 s26, $0x1;
	_ =	strace $0x80000049;
	[dreg:$0x1] =	wrdreg $0xFFFFFFFF  }
0xa7: {  	s28 =	simm.s32 $_size_execute0_lowered;
	s3 =	sadd.s32 s3, s5;
	[dreg:$0x0] =	wrdreg $0x0  }
0xa8: {  	s5 =	sshll.u32 s28, $0x1;
	[dreg:$0x2] =	wrdreg s3  }
0xa9: {  	[dreg:$0x3] =	wrdreg s5  }
0xaa: {  	[dreg:$0x4] =	wrdreg $0xC0  }
0xab: {  	_ =	task [dreg:s7], $0x5FFFF  }
0xac: {  	[dreg:$0x1] =	wrdreg $0xFFFFFFFF  }
0xad: {  	[dreg:$0x0] =	wrdreg $0x60  }
0xae: {  	[dreg:$0x2] =	wrdreg s24  }
0xaf: {  	[dreg:$0x3] =	wrdreg s2  }
0xb0: {  	[dreg:$0x4] =	wrdreg $0xB0000  }
0xb1: {  	[dreg:$0x5] =	wrdreg $0x9  }
0xb2: {  	_ =	task.clear_ibuf [dreg:s7], $0x6FFFF;
	_ =	strace $0x90000049  }
0xb3: {  	s29 =	simm.s32 $0x9;
	_ =	strace $0x8000004B  }
0xb4: {  	_ =	swait.ge [sflag:s29], $0x1  }
0xb5: {  	[sflag:s29] =	ssyncadd.s32 $0xFFFFFFFF  }
0xb6: {  	_ =	strace $0x9000004B  }
0xb7: {  	_ =	sfence  }
0xb8: {  	s30 =	sld [smem:$0x0];
	_ =	sdelay $0x2  }
0xb9: {  	s31 =	sshll.u32 s1, $0xD;
	s1 =	sshrl.u32 s1, $0x2  }
0xba: {  	s3 =	sand.u32 $0x4000, s31;
	s1 =	sadd.s32 s1, s30  }
0xbb: {  	s0 =	sor.u32 s3, s0;
	s1 =	sshll.u32 s1, $0x11  }
0xbc: {  	s0 =	sor.u32 s1, s0  }
0xbd: {  	s0 =	sadd.s32 $0x8F2B, s0  }
0xbe: {  	[sflag:s0] =	ssyncadd.remote.s32 $0x1  }
0xbf: {  	_ =	sfence.sel $0xFFFF  }
0xc0: {  	[dreg:$0x0] =	wrdreg $0xFFFFFFFF;
	(pc) =	sbr.abs _section_cstart, $3  }
0xc1: {  	[dreg:$0x1] =	wrdreg $0xFFFFFFFF  }
0xc2: {  	_ =	task.clear_ibuf [dreg:s7], $0x2FFFF;
	_ =	strace $0x9FFFFFFF  }
0xc3: {  	(tm) =	ssettm $0x7FFFFFFF  }
tec
execute0_lowered:
.L_overlay_start_1:
0x0: {  	(tag) =	ssettag $0x1  }
0x1: {  	s0 =	rddreg [dreg:$0x0]  }
0x2: {  	s3 =	rddreg [dreg:$0x1]  }
0x3: {  	s1 =	rddreg [dreg:$0x2];
	s2 =	simm.s32 $0x0;
	s6 =	srdreg.scid  }
0x4: {  	s14 =	stileid.u32;
	s29 =	simm.s32 $0x80;
	s30 =	simm.s32 $0xA  }
0x5: {  	s31 =	simm.s32 $0xB;
	[smem:$0x7FF] =	sst s2;
	s8 =	smul.u32 $0x50000, s14  }
0x6: {  	s4 =	sadd.s32 $0x79E00, s0;
	s5 =	sadd.s32 $0x17C00, s0;
	s9 =	smul.u32 $0xA00, s14  }
0x7: {  	s7 =	sand.u32 $0x1, s6;
	s6 =	sadd.s32 $0x3200, s0;
	s12 =	smul.u32 $0x27000, s14  }
0x8: {  	_ =	strace $0x8000004A;
	s22 =	ssub.s32 $0x2, s7;
	p0 =	seq.s32 s7, $0x0  }
0x9: {  	s11 =	smul.u32 $0x271000, s7;
	s10 =	sshrl.u32 s22, $0x1;
	s8 =	sshrl.u32 s8, $0x2  }
0xa: {  	s7 =	sadd.s32 $0xA000, s9;
	s0 =	ssub.s32 s22, s10;
	s8 =	sadd.s32 s8, s1  }
0xb: {  	s7 =	smov.u32 @p0 s9;
	s24 =	sadd.s32 s12, s11;
	s12 =	sshrl.u32 s12, $0x1  }
0xc: {  	s13 =	sshrl.u32 s11, $0x4;
	p0 =	sne.s32 s14, $0xF;
	s9 =	sadd.s32 s5, s7  }
0xd: {  	s23 =	sadd.s32 s6, s7;
	s25 =	sadd.s32 s12, s1;
	s0 =	smax.u32 s0, $0x1  }
0xe: {  	s26 =	sadd.s32 $0x2000, s8;
	s28 =	sadd.s32 $0x4000, s8;
	s16 =	sadd.s32 $0x6000, s8  }
0xf: {  	s17 =	sadd.s32 $0x8000, s8;
	s18 =	sadd.s32 $0xA000, s8;
	[dreg:$0x4] =	wrdreg s9  }
0x10: {  	s19 =	sadd.s32 $0xC000, s8;
	s20 =	sadd.s32 $0xE000, s8;
	[dreg:$0x5] =	wrdreg s23  }
0x11: {  	s21 =	sadd.s32 $0x10000, s8;
	s22 =	sadd.s32 $0x12000, s8;
	[dreg:$0x8] =	wrdreg s0  }
.Ltmp0:
0x12: {  	s9 =	sshrl.u32 s24, $0x4;
	[dreg:$0x9] =	wrdreg s26;
	(pc) =	sbr.rel .LBB2_1-.Ltmp0, $4  }
0x13: {  	[dreg:$0xa] =	wrdreg s28;
	s9 =	sadd.s32 s3, s9;
	s3 =	sadd.s32 s3, s13  }
0x14: {  	s23 =	simm.s32 $0x1000;
	s24 =	sshrl.u32 s25, $0x3;
	s3 =	sadd.s32 $0x27000, s3  }
0x15: {  	s26 =	simm.s32 $0xC;
	[dreg:$0x7] =	wrdreg s3;
	s3 =	sadd.s32 $0x138000, s1  }
0x16: {  	v0 =	vimm.bf16 $0.0e+00;
	s0 =	simm.s32 $0x0;
	[dreg:$0x6] =	wrdreg s9;
	s25 =	sshrl.u32 @!p0 s3, $0x3  }
.LBB2_11:
0x17: {  	_ =	swait.ge [sflag:s30], $0x2000  }
0x18: {  	[sflag:s30] =	ssyncset.done $0x0  }
0x19: {  	s3 =	stileid.u32;
	[sflag:s30] =	ssyncadd.s32 $0xFFFFE000  }
0x1a: {  	s3 =	sshll.u32 s3, $0x6;
	[bflag:$0x0] =	sbarrier.arrive $0xFFFF  }
0x1b: {  	s3 =	sor.u32 $0x1C0C, s3;
	s9 =	rddreg [dreg:$0x6]  }
0x1c: {  	[hbm:s9], [sflag:s3] =	dma.local [spmem:s24], $0x2700  }
0x1d: {  	_ =	swait.ge [sflag:s26], $0x2700  }
0x1e: {  	[sflag:s26] =	ssyncset.done $0x0  }
0x1f: {  	s9 =	rddreg [dreg:$0x7];
	[sflag:s26] =	ssyncadd.s32 $0xFFFFD900  }
0x20: {  	[hbm:s9], [sflag:s3] =	dma.local @!p0 [spmem:s25], $0x100  }
0x21: {  	s3 =	simm.s32 @!p0 $0xC  }
0x22: {  	_ =	swait.ge @!p0 [sflag:s3], $0x100  }
0x23: {  	s0 =	sadd.s32 $0x1, s0;
	s28 =	rddreg [dreg:$0x8]  }
0x24: {  	p1 =	sne.s32 s0, s28  }
.Ltmp1:
0x25: {  	_ = 	snop;
	(pc) =	sbr.rel @!p1 .LBB2_12-.Ltmp1, $3  }
0x26: {  	_ =	sdelay $0x1  }
0x27: {  	[sflag:s3] =	ssyncset.done @!p0 $0x0  }
0x28: {  	[sflag:s3] =	ssyncadd.s32 @!p0 $0xFFFFFF00  }
.LBB2_1:
0x29: {  	s3 =	simm.s32 $0x1;
	[tilespmem:s23+$0x0] =	vst v0;
	s9 =	simm.s32 $0x1000  }
.LBB2_2:
0x2a: {  	p1 =	sne.s32 s3, $0x1FF  }
.Ltmp2:
0x2b: {  	_ = 	snop;
	(pc) =	sbr.rel @p1 .LBB2_2-.Ltmp2, $3  }
0x2c: {  	_ =	sdelay $0x1  }
0x2d: {  	s3 =	sadd.s32 $0x1, s3;
	s9 =	sadd.s32 $0x10, s9  }
0x2e: {  	[tilespmem:s9+$0x0] =	vst v0  }
0x2f: {  	[spmem:s8] =	stream.linear.scatter [tilespmem:s23], [sflag:$0xC], $0x2000, $0x38;
	[tilespmem:$0x1F000] =	vst v63  }
0x30: {  	_ =	swait.ge [sflag:s26], $0x2000  }
0x31: {  	[sflag:s26] =	ssyncset.done $0x0  }
0x32: {  	s3 =	rddreg [dreg:$0x9];
	[sflag:s26] =	ssyncadd.s32 $0xFFFFE000  }
0x33: {  	[spmem:s3] =	stream.linear.scatter [tilespmem:s23], [sflag:$0xC], $0x2000, $0x38;
	[tilespmem:$0x1F000] =	vst v63  }
0x34: {  	_ =	swait.ge [sflag:s26], $0x2000  }
0x35: {  	[sflag:s26] =	ssyncset.done $0x0  }
0x36: {  	s14 =	rddreg [dreg:$0xa];
	[sflag:s26] =	ssyncadd.s32 $0xFFFFE000  }
0x37: {  	[spmem:s14] =	stream.linear.scatter [tilespmem:s23], [sflag:$0xC], $0x2000, $0x38;
	[tilespmem:$0x1F000] =	vst v63  }
0x38: {  	_ =	swait.ge [sflag:s26], $0x2000  }
0x39: {  	[sflag:s26] =	ssyncset.done $0x0  }
0x3a: {  	[sflag:s26] =	ssyncadd.s32 $0xFFFFE000  }
0x3b: {  	[spmem:s16] =	stream.linear.scatter [tilespmem:s23], [sflag:$0xC], $0x2000, $0x38;
	[tilespmem:$0x1F000] =	vst v63  }
0x3c: {  	_ =	swait.ge [sflag:s26], $0x2000  }
0x3d: {  	[sflag:s26] =	ssyncset.done $0x0  }
0x3e: {  	[sflag:s26] =	ssyncadd.s32 $0xFFFFE000  }
0x3f: {  	[spmem:s17] =	stream.linear.scatter [tilespmem:s23], [sflag:$0xC], $0x2000, $0x38;
	[tilespmem:$0x1F000] =	vst v63  }
0x40: {  	_ =	swait.ge [sflag:s26], $0x2000  }
0x41: {  	[sflag:s26] =	ssyncset.done $0x0  }
0x42: {  	[sflag:s26] =	ssyncadd.s32 $0xFFFFE000  }
0x43: {  	[spmem:s18] =	stream.linear.scatter [tilespmem:s23], [sflag:$0xC], $0x2000, $0x38;
	[tilespmem:$0x1F000] =	vst v63  }
0x44: {  	_ =	swait.ge [sflag:s26], $0x2000  }
0x45: {  	[sflag:s26] =	ssyncset.done $0x0  }
0x46: {  	[sflag:s26] =	ssyncadd.s32 $0xFFFFE000  }
0x47: {  	[spmem:s19] =	stream.linear.scatter [tilespmem:s23], [sflag:$0xC], $0x2000, $0x38;
	[tilespmem:$0x1F000] =	vst v63  }
0x48: {  	_ =	swait.ge [sflag:s26], $0x2000  }
0x49: {  	[sflag:s26] =	ssyncset.done $0x0  }
0x4a: {  	[sflag:s26] =	ssyncadd.s32 $0xFFFFE000  }
0x4b: {  	[spmem:s20] =	stream.linear.scatter [tilespmem:s23], [sflag:$0xC], $0x2000, $0x38;
	[tilespmem:$0x1F000] =	vst v63  }
0x4c: {  	_ =	swait.ge [sflag:s26], $0x2000  }
0x4d: {  	[sflag:s26] =	ssyncset.done $0x0  }
0x4e: {  	[sflag:s26] =	ssyncadd.s32 $0xFFFFE000  }
0x4f: {  	[spmem:s21] =	stream.linear.scatter [tilespmem:s23], [sflag:$0xC], $0x2000, $0x38;
	[tilespmem:$0x1F000] =	vst v63  }
0x50: {  	_ =	swait.ge [sflag:s26], $0x2000  }
0x51: {  	[sflag:s26] =	ssyncset.done $0x0  }
0x52: {  	[sflag:s26] =	ssyncadd.s32 $0xFFFFE000  }
0x53: {  	[spmem:s22] =	stream.linear.scatter [tilespmem:s23], [sflag:$0xC], $0x2000, $0x38;
	[tilespmem:$0x1F000] =	vst v63  }
0x54: {  	_ =	swait.ge [sflag:s26], $0x2000  }
0x55: {  	[sflag:s26] =	ssyncset.done $0x0  }
0x56: {  	s3 =	simm.s32 $0x0;
	s9 =	rddreg [dreg:$0x4];
	[sflag:s26] =	ssyncadd.s32 $0xFFFFE000  }
0x57: {  	[tilespmem:s3], [sflag:$0xC] =	stream.linear.gather [hbm4b:s9+s3], $0x400, $0x38;
	[tilespmem:$0x1F000] =	vst v63  }
0x58: {  	_ =	swait.ge [sflag:s26], $0x400  }
0x59: {  	[sflag:s26] =	ssyncset.done $0x0  }
0x5a: {  	s10 =	simm.s32 $0x800;
	s15 =	rddreg [dreg:$0x5];
	[sflag:s26] =	ssyncadd.s32 $0xFFFFFC00  }
0x5b: {  	[tilespmem:s10], [sflag:$0xC] =	stream.linear.gather [hbm4b:s15+s3], $0x400, $0x38;
	[tilespmem:$0x1F000] =	vst v63  }
0x5c: {  	_ =	swait.ge [sflag:s26], $0x400  }
0x5d: {  	[sflag:s26] =	ssyncset.done $0x0  }
0x5e: {  	[sflag:s26] =	ssyncadd.s32 $0xFFFFFC00  }
0x5f: {  	[bflag:$0x0] =	sbarrier.arrive $0xFFFF  }
0x60: {  	[tilespmem:s23], [sflag:$0x1] =	stream.indirect.gather [hbm4b:s4+s29], $0x40, s3, s29, $0xb8;
	[tilespmem:$0x1F000] =	vst v63  }
0x61: {  	s11 =	simm.s32 $0x3000  }
0x62: {  	[tilespmem:s11], [sflag:$0x2] =	stream.indirect.gather [hbm4b:s4+s29], $0x40, s29, s29, $0xb8;
	[tilespmem:$0x1F000] =	vst v63  }
0x63: {  	s12 =	simm.s32 $0x100;
	s13 =	simm.s32 $0x5000  }
0x64: {  	[tilespmem:s13], [sflag:$0x3] =	stream.indirect.gather [hbm4b:s4+s29], $0x40, s12, s29, $0xb8;
	[tilespmem:$0x1F000] =	vst v63  }
0x65: {  	s28 =	simm.s32 $0x200;
	s14 =	simm.s32 $0x180;
	s15 =	simm.s32 $0x7000  }
0x66: {  	[tilespmem:s15], [sflag:$0x4] =	stream.indirect.gather [hbm4b:s4+s29], $0x40, s14, s29, $0xb8;
	[tilespmem:$0x1F000] =	vst v63  }
.LBB2_4:
0x67: {  	s9 =	smul.u32 $0xCD, s3;
	_ =	sdelay $0x1  }
0x68: {  	s9 =	sshrl.u32 s9, $0xA  }
0x69: {  	s9 =	sand.u32 $0x3F, s9  }
0x6a: {  	p1 =	seq.s32 s3, $0x0;
	s9 =	smul.u32 $0x5, s9  }
0x6b: {  	s12 =	sadd.s32 @!p1 $0xFFFFFFFF, s3  }
0x6c: {  	s13 =	sand.u32 @!p1 $0xFF, s12;
	s9 =	ssub.s32 s3, s9  }
0x6d: {  	s13 =	smul.u32 @!p1 $0xCD, s13;
	s10 =	sand.u32 $0xFF, s9  }
0x6e: {  	s15 =	sshll.u32 s3, $0x7;
	s11 =	sadd.s32 $0x1, s10  }
0x6f: {  	p2 =	sgt.u32 s3, $0x97;
	s13 =	sshrl.u32 @!p1 s13, $0xA;
	_ =	swait.ge [sflag:s11], $0x2000  }
0x70: {  	s13 =	smul.u32 @!p1 $0x5, s13;
	s9 =	sand.u32 $0x7, s3;
	[sflag:s11] =	ssyncset.done $0x0  }
0x71: {  	[sflag:s11] =	ssyncadd.s32 $0xFFFFE000;
	s11 =	sand.u32 $0x400, s15;
	s15 =	sshll.u32 s9, $0x7  }
0x72: {  	s14 =	sshll.u32 s10, $0xD;
	s10 =	sadd.s32 $0x6, s10;
	s11 =	sor.u32 s15, s11  }
0x73: {  	p3 =	sne.s32 @!p2 s9, $0x0;
	s14 =	sor.u32 $0x1000, s14;
	s11 =	sor.u32 $0x800, s11  }
0x74: {  	[spmem:s1] =	stream.indirect.scatter.add.bf16 [tilespmem:s14], [sflag:s10], $0x40, s11, s29, $0xb8;
	[tilespmem:$0x1F000] =	vst v63  }
0x75: {  	p3 =	por p2, p3;
	s10 =	ssub.s32 @!p1 s12, s13  }
.Ltmp3:
0x76: {  	s10 =	sand.u32 @!p1 $0xFF, s10;
	(pc) =	sbr.rel @p3 .LBB2_6-.Ltmp3, $4  }
0x77: {  	s10 =	sadd.s32 @!p1 $0x6, s10  }
0x78: {  	_ =	swait.ge @!p1 [sflag:s10], $0x2000  }
0x79: {  	[sflag:s10] =	ssyncset.done @!p1 $0x0  }
0x7a: {  	[sflag:s10] =	ssyncadd.s32 @!p1 $0xFFFFE000  }
0x7b: {  	s9 =	sshrl.u32 s3, $0x3  }
0x7c: {  	s9 =	sadd.s32 $0x1, s9  }
0x7d: {  	s10 =	sshll.u32 s9, $0x7  }
.Ltmp4:
0x7e: {  	s9 =	sshll.u32 s9, $0xA;
	s10 =	sadd.s32 s7, s10;
	(pc) =	sbr.rel .LBB2_9-.Ltmp4, $4  }
0x7f: {  	s9 =	sand.u32 $0x400, s9;
	s11 =	sadd.s32 s5, s10  }
0x80: {  	[tilespmem:s9], [sflag:$0xB] =	stream.linear.gather [hbm4b:s11+s2], $0x400, $0x38;
	[tilespmem:$0x1F000] =	vst v63  }
0x81: {  	s10 =	sadd.s32 s6, s10;
	s9 =	sor.u32 $0x800, s9  }
0x82: {  	[tilespmem:s9], [sflag:$0xB] =	stream.linear.gather [hbm4b:s10+s2], $0x400, $0x38;
	[tilespmem:$0x1F000] =	vst v63  }
.LBB2_6:
0x83: {  	p1 =	sne.s32 @!p2 s9, $0x4  }
0x84: {  	p1 =	por p2, p1  }
.Ltmp5:
0x85: {  	_ = 	snop;
	(pc) =	sbr.rel @p1 .LBB2_8-.Ltmp5, $1  }
0x86: {  	_ =	sdelay $0x3  }
0x87: {  	_ =	swait.ge [sflag:s31], $0x400  }
0x88: {  	[sflag:s31] =	ssyncset.done $0x0  }
0x89: {  	[sflag:s31] =	ssyncadd.s32 $0xFFFFFC00  }
0x8a: {  	_ =	swait.ge [sflag:s31], $0x400  }
0x8b: {  	[sflag:s31] =	ssyncset.done $0x0  }
0x8c: {  	[sflag:s31] =	ssyncadd.s32 $0xFFFFFC00  }
.LBB2_9:
0x8d: {  	s9 =	sadd.s32 $0x4, s3  }
0x8e: {  	s10 =	smul.u32 $0xCD, s9;
	_ =	sdelay $0x1  }
0x8f: {  	s10 =	sshrl.u32 s10, $0xA  }
0x90: {  	s10 =	sand.u32 $0x3F, s10  }
0x91: {  	s10 =	smul.u32 $0x5, s10;
	_ =	sdelay $0x1  }
0x92: {  	s9 =	ssub.s32 s9, s10  }
0x93: {  	s9 =	sand.u32 $0xFF, s9  }
0x94: {  	s15 =	sshll.u32 s9, $0xD  }
0x95: {  	s11 =	sand.u32 $0x7FFF0780, s28;
	s9 =	sadd.s32 $0x1, s9;
	s10 =	sor.u32 $0x1000, s15  }
0x96: {  	[tilespmem:s10], [sflag:s9] =	stream.indirect.gather [hbm4b:s4+s29], $0x40, s11, s29, $0xb8;
	[tilespmem:$0x1F000] =	vst v63  }
.LBB2_10:
0x97: {  	s3 =	sadd.s32 $0x1, s3  }
0x98: {  	p1 =	sne.s32 s3, $0xA0  }
.Ltmp6:
0x99: {  	_ = 	snop;
	(pc) =	sbr.rel @p1 .LBB2_4-.Ltmp6, $4  }
.Ltmp7:
0x9a: {  	_ = 	snop;
	(pc) =	sbr.rel @!p1 .LBB2_11-.Ltmp7, $4  }
0x9b: {  	_ = 	snop  }
0x9c: {  	_ = 	snop  }
0x9d: {  	s28 =	sadd.s32 $0x80, s28  }
0x9e: {  	_ = 	snop  }
.LBB2_8:
0x9f: {  	p1 =	sgt.u32 s3, $0x9B  }
.Ltmp8:
0xa0: {  	_ = 	snop;
	(pc) =	sbr.rel @p1 .LBB2_10-.Ltmp8, $4  }
.Ltmp9:
0xa1: {  	_ = 	snop;
	(pc) =	sbr.rel @!p1 .LBB2_9-.Ltmp9, $4  }
0xa2: {  	_ = 	snop  }
0xa3: {  	_ = 	snop  }
0xa4: {  	_ = 	snop  }
0xa5: {  	_ = 	snop  }
.LBB2_12:
0xa6: {  	_ =	sfence.sel $0x180000  }
0xa7: {  	[bflag:$0x0] =	sbarrier.arrive $0xFFFF  }
0xa8: {  	_ =	strace $0x9000004A  }
0xa9: {  	s0 =	stileid.u32;
	[bflag:$0x2] =	sbarrier.arrive $0xFFFF  }
0xaa: {  	p0 =	sne.s32 s0, $0x0;
	s0 =	rddreg [dreg:$0x3]  }
0xab: {  	s0 =	sadd.s32 @!p0 $0x100000, s0  }
0xac: {  	[sflag:s0] =	ssyncadd.tile.s32 @!p0 $0x1;
	_ =	shalt  }
.Lfunc_end2:
_tile_overlayer_lowered:
.L_overlay_start_2:
0xad: {  	(tag) =	ssettag $0x2  }
0xae: {  	s0 =	rddreg [dreg:$0x0];
	s2 =	stileid.u32  }
0xaf: {  	s1 =	rddreg [dreg:$0x1];
	p0 =	sne.s32 s2, $0x0  }
0xb0: {  	s3 =	rddreg [dreg:$0x2];
	[bflag:$0x3] =	sbarrier.arrive $0xFFFF;
	s2 =	simm.s32 @!p0 $0x1C0C  }
0xb1: {  	[timem:s3], [sflag:s2] =	dma.local @!p0 [hbm:s0], s1  }
0xb2: {  	s0 =	simm.s32 @!p0 $0xC  }
0xb3: {  	_ =	swait.ge @!p0 [sflag:s0], s1  }
0xb4: {  	s1 =	ssub.s32 @!p0 $0x0, s1;
	[sflag:s0] =	ssyncset.done @!p0 $0x0  }
0xb5: {  	[sflag:s0] =	ssyncadd.s32 @!p0 s1  }
0xb6: {  	[bflag:$0x3] =	sbarrier.arrive $0xFFFF  }
0xb7: {  	_ =	shalt  }

// kernel: kernel.15.cloned.1.call-start
scs
__scs_entry_jumppad:
0x0: {  	(pc) =	sbr.rel $0x88, $3  }
0x1: {  	(tag) =	ssettag $0x0;
	lr =	simm.s32 $0x1  }
0x2: {  	[smem:$0x3F9B] =	sst lr;
	_ =	strace $0xD0000000  }
0x3: {  	_ = 	snop  }
0x4: {  	_ = 	snop  }
0x5: {  	_ = 	snop  }
0x6: {  	_ = 	snop  }
0x7: {  	_ = 	snop  }
__scs_overlays_trampoline_lowered:
0x8: {  	[smem:$0x3FAA] =	sst s0  }
0x9: {  	[smem:$0x3FAB] =	sst s1  }
0xa: {  	[smem:$0x3FAC] =	sst s2  }
0xb: {  	[smem:$0x3FAD] =	sst s3  }
0xc: {  	[smem:$0x3FAE] =	sst s4  }
0xd: {  	[smem:$0x3FAF] =	sst s5  }
0xe: {  	[smem:$0x3FB0] =	sst s6  }
0xf: {  	[smem:$0x3FB1] =	sst s7  }
0x10: {  	[smem:$0x3FB2] =	sst s8  }
0x11: {  	[smem:$0x3FB3] =	sst s9;
	s0 =	simm.s32 @!p0 $0x0  }
0x12: {  	s1 =	sld [smem:$0x3F99];
	s0 =	simm.s32 @p0 $0x1  }
0x13: {  	[smem:$0x3FB4] =	sst s0;
	s0 =	simm.s32 @!p1 $0x0  }
0x14: {  	s2 =	sld [smem:$0x3F98];
	s0 =	simm.s32 @p1 $0x1  }
0x15: {  	[smem:$0x3FB5] =	sst s0;
	s0 =	simm.s32 @!p2 $0x0  }
0x16: {  	s3 =	sld [smem:$0x3FDB];
	s0 =	simm.s32 @p2 $0x1  }
0x17: {  	s4 =	simm.s32 $0x1BF5;
	[smem:$0x3FB7] =	sst s0  }
0x18: {  	s0 =	sld [smem:$0x3F9A];
	_ =	swait.ge [sflag:s4], $0x0  }
0x19: {  	s7 =	sld [smem:$0x3F9B]  }
0x1a: {  	s8 =	sadd.s32 $0xFFFFE003, lr  }
0x1b: {  	s9 =	sadd.s32 $0xFFFFFEF7, lr;
	s5 =	simm.s32 $0xFFFFFFFF;
	p2 =	slt.u32 s8, $0xFFFFF086  }
0x1c: {  	p1 =	slt.u32 s9, $0xF7A;
	s5 =	simm.s32 @!p2 $0x0  }
0x1d: {  	s5 =	simm.s32 @p1 $0x1;
	p0 =	seq.s32 s7, s2  }
0x1e: {  	s7 =	smul.u32 @!p0 $0xF7A, s2;
	p2 =	seq.s32 @!p0 s5, $0x0  }
0x1f: {  	s9 =	smul.u32 $0xF7A, s1;
	s8 =	simm.s32 @!p0 $0x1BF5;
	p2 =	por !p2, p0  }
0x20: {  	[sflag:s8] =	ssyncset.s32 @!p0 $0xFFFFF086;
	s6 =	sadd.s32 @!p0 s3, s7;
	s7 =	simm.s32 @!p0 $0x108  }
0x21: {  	s3 =	sadd.s32 s3, s9;
	s6 =	sadd.s32 @!p0 $0x88, s6;
	s7 =	simm.s32 @p2 $0x1082  }
0x22: {  	[simem:s7], [sflag:s8] =	dma.local @!p0 [hbm:s6], $0xF7A  }
0x23: {  	s9 =	sor.u32 $0xD0000000, s2;
	s6 =	simm.s32 $0x108;
	_ =	swait.ge @!p0 [sflag:s8], $0x0  }
0x24: {  	s3 =	sadd.s32 $0x88, s3;
	s6 =	simm.s32 @!p1 $0x1082;
	[sflag:s4] =	ssyncset.s32 $0xFFFFF086  }
0x25: {  	[simem:s6], [sflag:s4] =	dma.local [hbm:s3], $0xF7A  }
0x26: {  	[smem:$0x3F9B] =	sst s1;
	(tag) =	ssettag s2;
	_ =	strace s9  }
0x27: {  	s1 =	sld [smem:$0x3FAB]  }
0x28: {  	s2 =	sld [smem:$0x3FAC]  }
0x29: {  	s4 =	sld [smem:$0x3FAE]  }
0x2a: {  	p0 =	seq.s32 s5, $0x0;
	s5 =	sld [smem:$0x3FAF]  }
0x2b: {  	s6 =	sld [smem:$0x3FB0]  }
0x2c: {  	s7 =	sld [smem:$0x3FB1]  }
0x2d: {  	s3 =	simm.s32 $0x108;
	s8 =	sld [smem:$0x3FB2]  }
0x2e: {  	s3 =	simm.s32 @!p0 $0x1082;
	s9 =	sld [smem:$0x3FB3]  }
0x2f: {  	lr =	sadd.s32 s0, s3;
	s0 =	sld [smem:$0x3FAA]  }
0x30: {  	s3 =	sld [smem:$0x3FAD]  }
0x31: {  	[smem:$0x3FB6] =	sst s10  }
0x32: {  	s10 =	sld [smem:$0x3FB4];
	_ =	sdelay $0x3  }
0x33: {  	p0 =	seq.s32 s10, $0x1;
	s10 =	sld [smem:$0x3FB6];
	_ =	sdelay $0x3  }
0x34: {  	[smem:$0x3FB6] =	sst s10  }
0x35: {  	s10 =	sld [smem:$0x3FB5];
	_ =	sdelay $0x3  }
0x36: {  	p1 =	seq.s32 s10, $0x1;
	s10 =	sld [smem:$0x3FB6];
	_ =	sdelay $0x3  }
0x37: {  	[smem:$0x3FB6] =	sst s10  }
0x38: {  	s10 =	sld [smem:$0x3FB7]  }
0x39: {  	_ = 	snop;
	(pc) =	sbr.ind lr, $3  }
0x3a: {  	_ = 	snop  }
0x3b: {  	_ = 	snop  }
0x3c: {  	p2 =	seq.s32 s10, $0x1;
	s10 =	sld [smem:$0x3FB6]  }
0x3d: {  	_ =	shalt  }
0x3e: {  	_ =	shalt  }
0x3f: {  	_ =	shalt  }
0x40: {  	_ =	shalt  }
0x41: {  	_ =	shalt  }
0x42: {  	_ =	shalt  }
0x43: {  	_ =	shalt  }
0x44: {  	_ =	shalt  }
0x45: {  	_ =	shalt  }
0x46: {  	_ =	shalt  }
0x47: {  	_ =	shalt  }
0x48: {  	_ =	shalt  }
0x49: {  	_ =	shalt  }
0x4a: {  	_ =	shalt  }
0x4b: {  	_ =	shalt  }
0x4c: {  	_ =	shalt  }
0x4d: {  	_ =	shalt  }
0x4e: {  	_ =	shalt  }
0x4f: {  	_ =	shalt  }
0x50: {  	_ =	shalt  }
0x51: {  	_ =	shalt  }
0x52: {  	_ =	shalt  }
0x53: {  	_ =	shalt  }
0x54: {  	_ =	shalt  }
0x55: {  	_ =	shalt  }
0x56: {  	_ =	shalt  }
0x57: {  	_ =	shalt  }
0x58: {  	_ =	shalt  }
0x59: {  	_ =	shalt  }
0x5a: {  	_ =	shalt  }
0x5b: {  	_ =	shalt  }
0x5c: {  	_ =	shalt  }
0x5d: {  	_ =	shalt  }
0x5e: {  	_ =	shalt  }
0x5f: {  	_ =	shalt  }
0x60: {  	_ =	shalt  }
0x61: {  	_ =	shalt  }
0x62: {  	_ =	shalt  }
0x63: {  	_ =	shalt  }
0x64: {  	_ =	shalt  }
0x65: {  	_ =	shalt  }
0x66: {  	_ =	shalt  }
0x67: {  	_ =	shalt  }
0x68: {  	_ =	shalt  }
0x69: {  	_ =	shalt  }
0x6a: {  	_ =	shalt  }
0x6b: {  	_ =	shalt  }
0x6c: {  	_ =	shalt  }
0x6d: {  	_ =	shalt  }
0x6e: {  	_ =	shalt  }
0x6f: {  	_ =	shalt  }
0x70: {  	_ =	shalt  }
0x71: {  	_ =	shalt  }
0x72: {  	_ =	shalt  }
0x73: {  	_ =	shalt  }
0x74: {  	_ =	shalt  }
0x75: {  	_ =	shalt  }
0x76: {  	_ =	shalt  }
0x77: {  	_ =	shalt  }
0x78: {  	_ =	shalt  }
0x79: {  	_ =	shalt  }
0x7a: {  	_ =	shalt  }
0x7b: {  	_ =	shalt  }
0x7c: {  	_ =	shalt  }
0x7d: {  	_ =	shalt  }
0x7e: {  	_ =	shalt  }
0x7f: {  	_ =	shalt  }
0x80: {  	_ =	shalt  }
0x81: {  	_ =	shalt  }
0x82: {  	_ =	shalt  }
0x83: {  	_ =	shalt  }
0x84: {  	_ =	shalt  }
0x85: {  	_ =	shalt  }
0x86: {  	_ =	shalt  }
0x87: {  	_ =	shalt  }
.Lfunc_end0:
.L_simem_size_0:
called_computation.2_lowered:
.L_overlay_start_0:
0x88: {  	s2 =	sld [smem:$0x3FD9]  }
0x89: {  	s3 =	sld [smem:$0x3FFE];
	_ =	sdelay $0x1  }
0x8a: {  	s1 =	srdreg.scid  }
0x8b: {  	s0 =	sand.u32 $0x1, s1  }
0x8c: {  	s16 =	sshll.u32 s0, $0xA;
	s2 =	sadd.s32 s3, s2  }
0x8d: {  	s2 =	sadd.s32 s2, s16  }
0x8e: {  	[smem:$0x3FC2] =	sst s2  }
0x8f: {  	_ = 	snop  }
0x90: {  	(tm) =	ssettm $0x1  }
0x91: {  	s17 =	sld [smem:$0x3FFB];
	_ =	sdelay $0x3  }
0x92: {  	_ =	strace s17  }
0x93: {  	s2 =	sld [smem:$0x3FFC];
	_ =	sdelay $0x3  }
0x94: {  	_ =	strace s2  }
0x95: {  	s2 =	sld [smem:$0x3FFD];
	_ =	sdelay $0x3  }
0x96: {  	_ =	strace s2  }
0x97: {  	_ =	strace $0x8FFFFFFF  }
0x98: {  	s18 =	sld [smem:$0x3FDB];
	_ =	sdelay $0x1  }
0x99: {  	s19 =	simm.s32 $_scs_section_size  }
0x9a: {  	s4 =	simm.s32 $_size__tile_overlayer_lowered;
	s5 =	simm.s32 $_tile_overlayer_lowered  }
0x9b: {  	s22 =	simm.s32 $0x1BFF;
	s21 =	sshll.u32 s5, $0x1;
	s2 =	sadd.s32 s19, s18  }
0x9c: {  	s6 =	simm.s32 $0x0;
	s20 =	sshll.u32 s4, $0x1;
	s4 =	sadd.s32 s21, s2  }
0x9d: {  	[timem:s6], [sflag:s22] =	dma.local [hbm:s4], s20  }
0x9e: {  	_ =	swait.ge [sflag:s22], s20  }
0x9f: {  	s3 =	ssub.s32 $0x0, s20;
	[sflag:s22] =	ssyncset.done $0x0  }
0xa0: {  	[sflag:s22] =	ssyncadd.s32 s3;
	_ =	sdelay $0x1  }
0xa1: {  	s23 =	simm.s32 $0x1B8B  }
0xa2: {  	_ =	swait.ge [sflag:s23], $0x1  }
0xa3: {  	[sflag:s23] =	ssyncset.done $0x0  }
0xa4: {  	s25 =	simm.s32 $0x1B8E;
	s24 =	sld [smem:$0x3FFE];
	[sflag:s23] =	ssyncadd.s32 $0xFFFFFFFF  }
0xa5: {  	s26 =	simm.s32 $execute0_lowered;
	[smem:$0x3FD2] =	sst s25  }
0xa6: {  	s4 =	sshll.u32 s26, $0x1;
	_ =	strace $0x8000004C;
	[dreg:$0x1] =	wrdreg $0xFFFFFFFF  }
0xa7: {  	s28 =	simm.s32 $_size_execute0_lowered;
	s2 =	sadd.s32 s2, s4;
	[dreg:$0x0] =	wrdreg $0x0  }
0xa8: {  	s4 =	sshll.u32 s28, $0x1;
	[dreg:$0x2] =	wrdreg s2  }
0xa9: {  	[dreg:$0x3] =	wrdreg s4  }
0xaa: {  	[dreg:$0x4] =	wrdreg $0xC0  }
0xab: {  	_ =	task [dreg:s6], $0x5FFFF  }
0xac: {  	[dreg:$0x1] =	wrdreg $0xFFFFFFFF  }
0xad: {  	[dreg:$0x0] =	wrdreg $0x60  }
0xae: {  	[dreg:$0x2] =	wrdreg s24  }
0xaf: {  	[dreg:$0x3] =	wrdreg $0xB0000  }
0xb0: {  	[dreg:$0x4] =	wrdreg $0x9  }
0xb1: {  	_ =	task.clear_ibuf [dreg:s6], $0x5FFFF;
	_ =	strace $0x9000004C  }
0xb2: {  	s29 =	simm.s32 $0x9;
	_ =	strace $0x8000004E  }
0xb3: {  	_ =	swait.ge [sflag:s29], $0x1  }
0xb4: {  	[sflag:s29] =	ssyncadd.s32 $0xFFFFFFFF  }
0xb5: {  	_ =	strace $0x9000004E  }
0xb6: {  	_ =	sfence  }
0xb7: {  	s30 =	sld [smem:$0x0];
	_ =	sdelay $0x2  }
0xb8: {  	s31 =	sshll.u32 s1, $0xD;
	s1 =	sshrl.u32 s1, $0x2  }
0xb9: {  	s3 =	sand.u32 $0x4000, s31;
	s1 =	sadd.s32 s1, s30  }
0xba: {  	s0 =	sor.u32 s3, s0;
	s1 =	sshll.u32 s1, $0x11  }
0xbb: {  	s0 =	sor.u32 s1, s0  }
0xbc: {  	s0 =	sadd.s32 $0x8F2B, s0  }
0xbd: {  	[sflag:s0] =	ssyncadd.remote.s32 $0x1  }
0xbe: {  	_ =	sfence.sel $0xFFFF  }
0xbf: {  	[dreg:$0x0] =	wrdreg $0xFFFFFFFF;
	(pc) =	sbr.abs _section_cstart, $3  }
0xc0: {  	[dreg:$0x1] =	wrdreg $0xFFFFFFFF  }
0xc1: {  	_ =	task.clear_ibuf [dreg:s6], $0x2FFFF;
	_ =	strace $0x9FFFFFFF  }
0xc2: {  	(tm) =	ssettm $0x7FFFFFFF  }
0xc3: {  	_ =	shalt  }
tec
execute0_lowered:
.L_overlay_start_1:
0x0: {  	(tag) =	ssettag $0x1  }
0x1: {  	s0 =	rddreg [dreg:$0x0]  }
0x2: {  	s1 =	rddreg [dreg:$0x1]  }
0x3: {  	s2 =	simm.s32 $0x0;
	s3 =	srdreg.scid;
	s14 =	stileid.u32  }
0x4: {  	s29 =	simm.s32 $0x80;
	s30 =	simm.s32 $0xA;
	s31 =	simm.s32 $0xB  }
0x5: {  	[smem:$0x7FF] =	sst s2;
	s4 =	sadd.s32 $0x79E00, s0;
	s7 =	smul.u32 $0x50000, s14  }
0x6: {  	s5 =	sadd.s32 $0x17C00, s0;
	s6 =	sadd.s32 $0x3200, s0;
	s9 =	smul.u32 $0xA00, s14  }
0x7: {  	s3 =	sand.u32 $0x1, s3;
	s0 =	sadd.s32 $0xA1000, s0;
	s12 =	smul.u32 $0x27000, s14  }
0x8: {  	_ =	strace $0x8000004D;
	s8 =	ssub.s32 $0x2, s3;
	p0 =	seq.s32 s3, $0x0  }
0x9: {  	s3 =	smul.u32 $0x271000, s3;
	s10 =	sshrl.u32 s8, $0x1;
	s11 =	sshrl.u32 s7, $0x2  }
0xa: {  	s7 =	sadd.s32 $0xA000, s9;
	s13 =	ssub.s32 s8, s10;
	s8 =	sadd.s32 s11, s1  }
0xb: {  	s7 =	smov.u32 @p0 s9;
	s23 =	sadd.s32 s12, s3;
	s12 =	sshrl.u32 s12, $0x1  }
0xc: {  	s3 =	sshrl.u32 s3, $0x4;
	p0 =	sne.s32 s14, $0xF;
	s9 =	sadd.s32 s5, s7  }
0xd: {  	s22 =	sadd.s32 s6, s7;
	s24 =	sadd.s32 s12, s1;
	s25 =	smax.u32 s13, $0x1  }
0xe: {  	s26 =	sadd.s32 $0x2000, s8;
	s28 =	sadd.s32 $0x4000, s8;
	[dreg:$0x3] =	wrdreg s9  }
0xf: {  	s16 =	sadd.s32 $0x6000, s8;
	s17 =	sadd.s32 $0x8000, s8;
	[dreg:$0x4] =	wrdreg s22  }
0x10: {  	s18 =	sadd.s32 $0xA000, s8;
	s19 =	sadd.s32 $0xC000, s8;
	[dreg:$0x7] =	wrdreg s25  }
0x11: {  	s20 =	sadd.s32 $0xE000, s8;
	s21 =	sadd.s32 $0x10000, s8;
	[dreg:$0x8] =	wrdreg s26  }
.Ltmp0:
0x12: {  	s9 =	sshrl.u32 s23, $0x4;
	[dreg:$0x9] =	wrdreg s28;
	(pc) =	sbr.rel .LBB2_1-.Ltmp0, $4  }
0x13: {  	s22 =	sadd.s32 $0x12000, s8;
	s9 =	sadd.s32 s0, s9;
	s0 =	sadd.s32 s0, s3  }
0x14: {  	s23 =	simm.s32 $0x1000;
	s24 =	sshrl.u32 s24, $0x3;
	s0 =	sadd.s32 $0x27000, s0  }
0x15: {  	s26 =	simm.s32 $0xC;
	[dreg:$0x6] =	wrdreg s0;
	s0 =	sadd.s32 $0x138000, s1  }
0x16: {  	v0 =	vimm.bf16 $0.0e+00;
	[dreg:$0x5] =	wrdreg s9;
	s25 =	sshrl.u32 @!p0 s0, $0x3;
	s0 =	simm.s32 $0x0  }
.LBB2_11:
0x17: {  	_ =	swait.ge [sflag:s30], $0x2000  }
0x18: {  	[sflag:s30] =	ssyncset.done $0x0  }
0x19: {  	s3 =	stileid.u32;
	[sflag:s30] =	ssyncadd.s32 $0xFFFFE000  }
0x1a: {  	s3 =	sshll.u32 s3, $0x6;
	[bflag:$0x0] =	sbarrier.arrive $0xFFFF  }
0x1b: {  	s3 =	sor.u32 $0x1C0C, s3;
	s9 =	rddreg [dreg:$0x5]  }
0x1c: {  	[hbm:s9], [sflag:s3] =	dma.local [spmem:s24], $0x2700  }
0x1d: {  	_ =	swait.ge [sflag:s26], $0x2700  }
0x1e: {  	[sflag:s26] =	ssyncset.done $0x0  }
0x1f: {  	s9 =	rddreg [dreg:$0x6];
	[sflag:s26] =	ssyncadd.s32 $0xFFFFD900  }
0x20: {  	[hbm:s9], [sflag:s3] =	dma.local @!p0 [spmem:s25], $0x100  }
0x21: {  	s3 =	simm.s32 @!p0 $0xC  }
0x22: {  	_ =	swait.ge @!p0 [sflag:s3], $0x100  }
0x23: {  	s0 =	sadd.s32 $0x1, s0;
	s28 =	rddreg [dreg:$0x7]  }
0x24: {  	p1 =	sne.s32 s0, s28  }
.Ltmp1:
0x25: {  	_ = 	snop;
	(pc) =	sbr.rel @!p1 .LBB2_12-.Ltmp1, $3  }
0x26: {  	_ =	sdelay $0x1  }
0x27: {  	[sflag:s3] =	ssyncset.done @!p0 $0x0  }
0x28: {  	[sflag:s3] =	ssyncadd.s32 @!p0 $0xFFFFFF00  }
.LBB2_1:
0x29: {  	s3 =	simm.s32 $0x1;
	[tilespmem:s23+$0x0] =	vst v0;
	s9 =	simm.s32 $0x1000  }
.LBB2_2:
0x2a: {  	p1 =	sne.s32 s3, $0x1FF  }
.Ltmp2:
0x2b: {  	_ = 	snop;
	(pc) =	sbr.rel @p1 .LBB2_2-.Ltmp2, $3  }
0x2c: {  	_ =	sdelay $0x1  }
0x2d: {  	s3 =	sadd.s32 $0x1, s3;
	s9 =	sadd.s32 $0x10, s9  }
0x2e: {  	[tilespmem:s9+$0x0] =	vst v0  }
0x2f: {  	[spmem:s8] =	stream.linear.scatter [tilespmem:s23], [sflag:$0xC], $0x2000, $0x38;
	[tilespmem:$0x1F000] =	vst v63  }
0x30: {  	_ =	swait.ge [sflag:s26], $0x2000  }
0x31: {  	[sflag:s26] =	ssyncset.done $0x0  }
0x32: {  	s3 =	rddreg [dreg:$0x8];
	[sflag:s26] =	ssyncadd.s32 $0xFFFFE000  }
0x33: {  	[spmem:s3] =	stream.linear.scatter [tilespmem:s23], [sflag:$0xC], $0x2000, $0x38;
	[tilespmem:$0x1F000] =	vst v63  }
0x34: {  	_ =	swait.ge [sflag:s26], $0x2000  }
0x35: {  	[sflag:s26] =	ssyncset.done $0x0  }
0x36: {  	s14 =	rddreg [dreg:$0x9];
	[sflag:s26] =	ssyncadd.s32 $0xFFFFE000  }
0x37: {  	[spmem:s14] =	stream.linear.scatter [tilespmem:s23], [sflag:$0xC], $0x2000, $0x38;
	[tilespmem:$0x1F000] =	vst v63  }
0x38: {  	_ =	swait.ge [sflag:s26], $0x2000  }
0x39: {  	[sflag:s26] =	ssyncset.done $0x0  }
0x3a: {  	[sflag:s26] =	ssyncadd.s32 $0xFFFFE000  }
0x3b: {  	[spmem:s16] =	stream.linear.scatter [tilespmem:s23], [sflag:$0xC], $0x2000, $0x38;
	[tilespmem:$0x1F000] =	vst v63  }
0x3c: {  	_ =	swait.ge [sflag:s26], $0x2000  }
0x3d: {  	[sflag:s26] =	ssyncset.done $0x0  }
0x3e: {  	[sflag:s26] =	ssyncadd.s32 $0xFFFFE000  }
0x3f: {  	[spmem:s17] =	stream.linear.scatter [tilespmem:s23], [sflag:$0xC], $0x2000, $0x38;
	[tilespmem:$0x1F000] =	vst v63  }
0x40: {  	_ =	swait.ge [sflag:s26], $0x2000  }
0x41: {  	[sflag:s26] =	ssyncset.done $0x0  }
0x42: {  	[sflag:s26] =	ssyncadd.s32 $0xFFFFE000  }
0x43: {  	[spmem:s18] =	stream.linear.scatter [tilespmem:s23], [sflag:$0xC], $0x2000, $0x38;
	[tilespmem:$0x1F000] =	vst v63  }
0x44: {  	_ =	swait.ge [sflag:s26], $0x2000  }
0x45: {  	[sflag:s26] =	ssyncset.done $0x0  }
0x46: {  	[sflag:s26] =	ssyncadd.s32 $0xFFFFE000  }
0x47: {  	[spmem:s19] =	stream.linear.scatter [tilespmem:s23], [sflag:$0xC], $0x2000, $0x38;
	[tilespmem:$0x1F000] =	vst v63  }
0x48: {  	_ =	swait.ge [sflag:s26], $0x2000  }
0x49: {  	[sflag:s26] =	ssyncset.done $0x0  }
0x4a: {  	[sflag:s26] =	ssyncadd.s32 $0xFFFFE000  }
0x4b: {  	[spmem:s20] =	stream.linear.scatter [tilespmem:s23], [sflag:$0xC], $0x2000, $0x38;
	[tilespmem:$0x1F000] =	vst v63  }
0x4c: {  	_ =	swait.ge [sflag:s26], $0x2000  }
0x4d: {  	[sflag:s26] =	ssyncset.done $0x0  }
0x4e: {  	[sflag:s26] =	ssyncadd.s32 $0xFFFFE000  }
0x4f: {  	[spmem:s21] =	stream.linear.scatter [tilespmem:s23], [sflag:$0xC], $0x2000, $0x38;
	[tilespmem:$0x1F000] =	vst v63  }
0x50: {  	_ =	swait.ge [sflag:s26], $0x2000  }
0x51: {  	[sflag:s26] =	ssyncset.done $0x0  }
0x52: {  	[sflag:s26] =	ssyncadd.s32 $0xFFFFE000  }
0x53: {  	[spmem:s22] =	stream.linear.scatter [tilespmem:s23], [sflag:$0xC], $0x2000, $0x38;
	[tilespmem:$0x1F000] =	vst v63  }
0x54: {  	_ =	swait.ge [sflag:s26], $0x2000  }
0x55: {  	[sflag:s26] =	ssyncset.done $0x0  }
0x56: {  	s3 =	simm.s32 $0x0;
	s9 =	rddreg [dreg:$0x3];
	[sflag:s26] =	ssyncadd.s32 $0xFFFFE000  }
0x57: {  	[tilespmem:s3], [sflag:$0xC] =	stream.linear.gather [hbm4b:s9+s3], $0x400, $0x38;
	[tilespmem:$0x1F000] =	vst v63  }
0x58: {  	_ =	swait.ge [sflag:s26], $0x400  }
0x59: {  	[sflag:s26] =	ssyncset.done $0x0  }
0x5a: {  	s10 =	simm.s32 $0x800;
	s15 =	rddreg [dreg:$0x4];
	[sflag:s26] =	ssyncadd.s32 $0xFFFFFC00  }
0x5b: {  	[tilespmem:s10], [sflag:$0xC] =	stream.linear.gather [hbm4b:s15+s3], $0x400, $0x38;
	[tilespmem:$0x1F000] =	vst v63  }
0x5c: {  	_ =	swait.ge [sflag:s26], $0x400  }
0x5d: {  	[sflag:s26] =	ssyncset.done $0x0  }
0x5e: {  	[sflag:s26] =	ssyncadd.s32 $0xFFFFFC00  }
0x5f: {  	[bflag:$0x0] =	sbarrier.arrive $0xFFFF  }
0x60: {  	[tilespmem:s23], [sflag:$0x1] =	stream.indirect.gather [hbm4b:s4+s29], $0x40, s3, s29, $0xb8;
	[tilespmem:$0x1F000] =	vst v63  }
0x61: {  	s11 =	simm.s32 $0x3000  }
0x62: {  	[tilespmem:s11], [sflag:$0x2] =	stream.indirect.gather [hbm4b:s4+s29], $0x40, s29, s29, $0xb8;
	[tilespmem:$0x1F000] =	vst v63  }
0x63: {  	s12 =	simm.s32 $0x100;
	s13 =	simm.s32 $0x5000  }
0x64: {  	[tilespmem:s13], [sflag:$0x3] =	stream.indirect.gather [hbm4b:s4+s29], $0x40, s12, s29, $0xb8;
	[tilespmem:$0x1F000] =	vst v63  }
0x65: {  	s28 =	simm.s32 $0x200;
	s14 =	simm.s32 $0x180;
	s15 =	simm.s32 $0x7000  }
0x66: {  	[tilespmem:s15], [sflag:$0x4] =	stream.indirect.gather [hbm4b:s4+s29], $0x40, s14, s29, $0xb8;
	[tilespmem:$0x1F000] =	vst v63  }
.LBB2_4:
0x67: {  	s9 =	smul.u32 $0xCD, s3;
	_ =	sdelay $0x1  }
0x68: {  	s9 =	sshrl.u32 s9, $0xA  }
0x69: {  	s9 =	sand.u32 $0x3F, s9  }
0x6a: {  	p1 =	seq.s32 s3, $0x0;
	s9 =	smul.u32 $0x5, s9  }
0x6b: {  	s12 =	sadd.s32 @!p1 $0xFFFFFFFF, s3  }
0x6c: {  	s13 =	sand.u32 @!p1 $0xFF, s12;
	s9 =	ssub.s32 s3, s9  }
0x6d: {  	s13 =	smul.u32 @!p1 $0xCD, s13;
	s10 =	sand.u32 $0xFF, s9  }
0x6e: {  	s15 =	sshll.u32 s3, $0x7;
	s11 =	sadd.s32 $0x1, s10  }
0x6f: {  	p2 =	sgt.u32 s3, $0x97;
	s13 =	sshrl.u32 @!p1 s13, $0xA;
	_ =	swait.ge [sflag:s11], $0x2000  }
0x70: {  	s13 =	smul.u32 @!p1 $0x5, s13;
	s9 =	sand.u32 $0x7, s3;
	[sflag:s11] =	ssyncset.done $0x0  }
0x71: {  	[sflag:s11] =	ssyncadd.s32 $0xFFFFE000;
	s11 =	sand.u32 $0x400, s15;
	s15 =	sshll.u32 s9, $0x7  }
0x72: {  	s14 =	sshll.u32 s10, $0xD;
	s10 =	sadd.s32 $0x6, s10;
	s11 =	sor.u32 s15, s11  }
0x73: {  	p3 =	sne.s32 @!p2 s9, $0x0;
	s14 =	sor.u32 $0x1000, s14;
	s11 =	sor.u32 $0x800, s11  }
0x74: {  	[spmem:s1] =	stream.indirect.scatter.add.bf16 [tilespmem:s14], [sflag:s10], $0x40, s11, s29, $0xb8;
	[tilespmem:$0x1F000] =	vst v63  }
0x75: {  	p3 =	por p2, p3;
	s10 =	ssub.s32 @!p1 s12, s13  }
.Ltmp3:
0x76: {  	s10 =	sand.u32 @!p1 $0xFF, s10;
	(pc) =	sbr.rel @p3 .LBB2_6-.Ltmp3, $4  }
0x77: {  	s10 =	sadd.s32 @!p1 $0x6, s10  }
0x78: {  	_ =	swait.ge @!p1 [sflag:s10], $0x2000  }
0x79: {  	[sflag:s10] =	ssyncset.done @!p1 $0x0  }
0x7a: {  	[sflag:s10] =	ssyncadd.s32 @!p1 $0xFFFFE000  }
0x7b: {  	s9 =	sshrl.u32 s3, $0x3  }
0x7c: {  	s9 =	sadd.s32 $0x1, s9  }
0x7d: {  	s10 =	sshll.u32 s9, $0x7  }
.Ltmp4:
0x7e: {  	s9 =	sshll.u32 s9, $0xA;
	s10 =	sadd.s32 s7, s10;
	(pc) =	sbr.rel .LBB2_9-.Ltmp4, $4  }
0x7f: {  	s9 =	sand.u32 $0x400, s9;
	s11 =	sadd.s32 s5, s10  }
0x80: {  	[tilespmem:s9], [sflag:$0xB] =	stream.linear.gather [hbm4b:s11+s2], $0x400, $0x38;
	[tilespmem:$0x1F000] =	vst v63  }
0x81: {  	s10 =	sadd.s32 s6, s10;
	s9 =	sor.u32 $0x800, s9  }
0x82: {  	[tilespmem:s9], [sflag:$0xB] =	stream.linear.gather [hbm4b:s10+s2], $0x400, $0x38;
	[tilespmem:$0x1F000] =	vst v63  }
.LBB2_6:
0x83: {  	p1 =	sne.s32 @!p2 s9, $0x4  }
0x84: {  	p1 =	por p2, p1  }
.Ltmp5:
0x85: {  	_ = 	snop;
	(pc) =	sbr.rel @p1 .LBB2_8-.Ltmp5, $1  }
0x86: {  	_ =	sdelay $0x3  }
0x87: {  	_ =	swait.ge [sflag:s31], $0x400  }
0x88: {  	[sflag:s31] =	ssyncset.done $0x0  }
0x89: {  	[sflag:s31] =	ssyncadd.s32 $0xFFFFFC00  }
0x8a: {  	_ =	swait.ge [sflag:s31], $0x400  }
0x8b: {  	[sflag:s31] =	ssyncset.done $0x0  }
0x8c: {  	[sflag:s31] =	ssyncadd.s32 $0xFFFFFC00  }
.LBB2_9:
0x8d: {  	s9 =	sadd.s32 $0x4, s3  }
0x8e: {  	s10 =	smul.u32 $0xCD, s9;
	_ =	sdelay $0x1  }
0x8f: {  	s10 =	sshrl.u32 s10, $0xA  }
0x90: {  	s10 =	sand.u32 $0x3F, s10  }
0x91: {  	s10 =	smul.u32 $0x5, s10;
	_ =	sdelay $0x1  }
0x92: {  	s9 =	ssub.s32 s9, s10  }
0x93: {  	s9 =	sand.u32 $0xFF, s9  }
0x94: {  	s15 =	sshll.u32 s9, $0xD  }
0x95: {  	s11 =	sand.u32 $0x7FFF0780, s28;
	s9 =	sadd.s32 $0x1, s9;
	s10 =	sor.u32 $0x1000, s15  }
0x96: {  	[tilespmem:s10], [sflag:s9] =	stream.indirect.gather [hbm4b:s4+s29], $0x40, s11, s29, $0xb8;
	[tilespmem:$0x1F000] =	vst v63  }
.LBB2_10:
0x97: {  	s3 =	sadd.s32 $0x1, s3  }
0x98: {  	p1 =	sne.s32 s3, $0xA0  }
.Ltmp6:
0x99: {  	_ = 	snop;
	(pc) =	sbr.rel @p1 .LBB2_4-.Ltmp6, $4  }
.Ltmp7:
0x9a: {  	_ = 	snop;
	(pc) =	sbr.rel @!p1 .LBB2_11-.Ltmp7, $4  }
0x9b: {  	_ = 	snop  }
0x9c: {  	_ = 	snop  }
0x9d: {  	s28 =	sadd.s32 $0x80, s28  }
0x9e: {  	_ = 	snop  }
.LBB2_8:
0x9f: {  	p1 =	sgt.u32 s3, $0x9B  }
.Ltmp8:
0xa0: {  	_ = 	snop;
	(pc) =	sbr.rel @p1 .LBB2_10-.Ltmp8, $4  }
.Ltmp9:
0xa1: {  	_ = 	snop;
	(pc) =	sbr.rel @!p1 .LBB2_9-.Ltmp9, $4  }
0xa2: {  	_ = 	snop  }
0xa3: {  	_ = 	snop  }
0xa4: {  	_ = 	snop  }
0xa5: {  	_ = 	snop  }
.LBB2_12:
0xa6: {  	_ =	sfence.sel $0x180000  }
0xa7: {  	[bflag:$0x0] =	sbarrier.arrive $0xFFFF  }
0xa8: {  	_ =	strace $0x9000004D  }
0xa9: {  	s0 =	stileid.u32;
	[bflag:$0x2] =	sbarrier.arrive $0xFFFF  }
0xaa: {  	p0 =	sne.s32 s0, $0x0;
	s0 =	rddreg [dreg:$0x2]  }
0xab: {  	s0 =	sadd.s32 @!p0 $0x100000, s0  }
0xac: {  	[sflag:s0] =	ssyncadd.tile.s32 @!p0 $0x1;
	_ =	shalt  }
.Lfunc_end2:
_tile_overlayer_lowered:
.L_overlay_start_2:
0xad: {  	(tag) =	ssettag $0x2  }
0xae: {  	s0 =	rddreg [dreg:$0x0];
	s2 =	stileid.u32  }
0xaf: {  	s1 =	rddreg [dreg:$0x1];
	p0 =	sne.s32 s2, $0x0  }
0xb0: {  	s3 =	rddreg [dreg:$0x2];
	[bflag:$0x3] =	sbarrier.arrive $0xFFFF;
	s2 =	simm.s32 @!p0 $0x1C0C  }
0xb1: {  	[timem:s3], [sflag:s2] =	dma.local @!p0 [hbm:s0], s1  }
0xb2: {  	s0 =	simm.s32 @!p0 $0xC  }
0xb3: {  	_ =	swait.ge @!p0 [sflag:s0], s1  }
0xb4: {  	s1 =	ssub.s32 @!p0 $0x0, s1;
	[sflag:s0] =	ssyncset.done @!p0 $0x0  }
0xb5: {  	[sflag:s0] =	ssyncadd.s32 @!p0 s1  }
0xb6: {  	[bflag:$0x3] =	sbarrier.arrive $0xFFFF  }
0xb7: {  	_ =	shalt  }

// kernel: kernel.9.cloned.1.call-start
scs
__scs_entry_jumppad:
0x0: {  	(pc) =	sbr.rel $0x88, $3  }
0x1: {  	(tag) =	ssettag $0x0;
	lr =	simm.s32 $0x1  }
0x2: {  	[smem:$0x3F9B] =	sst lr;
	_ =	strace $0xD0000000  }
0x3: {  	_ = 	snop  }
0x4: {  	_ = 	snop  }
0x5: {  	_ = 	snop  }
0x6: {  	_ = 	snop  }
0x7: {  	_ = 	snop  }
__scs_overlays_trampoline_lowered:
0x8: {  	[smem:$0x3FAA] =	sst s0  }
0x9: {  	[smem:$0x3FAB] =	sst s1  }
0xa: {  	[smem:$0x3FAC] =	sst s2  }
0xb: {  	[smem:$0x3FAD] =	sst s3  }
0xc: {  	[smem:$0x3FAE] =	sst s4  }
0xd: {  	[smem:$0x3FAF] =	sst s5  }
0xe: {  	[smem:$0x3FB0] =	sst s6  }
0xf: {  	[smem:$0x3FB1] =	sst s7  }
0x10: {  	[smem:$0x3FB2] =	sst s8  }
0x11: {  	[smem:$0x3FB3] =	sst s9;
	s0 =	simm.s32 @!p0 $0x0  }
0x12: {  	s1 =	sld [smem:$0x3F99];
	s0 =	simm.s32 @p0 $0x1  }
0x13: {  	[smem:$0x3FB4] =	sst s0;
	s0 =	simm.s32 @!p1 $0x0  }
0x14: {  	s2 =	sld [smem:$0x3F98];
	s0 =	simm.s32 @p1 $0x1  }
0x15: {  	[smem:$0x3FB5] =	sst s0;
	s0 =	simm.s32 @!p2 $0x0  }
0x16: {  	s3 =	sld [smem:$0x3FDB];
	s0 =	simm.s32 @p2 $0x1  }
0x17: {  	s4 =	simm.s32 $0x1BF5;
	[smem:$0x3FB7] =	sst s0  }
0x18: {  	s0 =	sld [smem:$0x3F9A];
	_ =	swait.ge [sflag:s4], $0x0  }
0x19: {  	s7 =	sld [smem:$0x3F9B]  }
0x1a: {  	s8 =	sadd.s32 $0xFFFFE003, lr  }
0x1b: {  	s9 =	sadd.s32 $0xFFFFFEF7, lr;
	s5 =	simm.s32 $0xFFFFFFFF;
	p2 =	slt.u32 s8, $0xFFFFF086  }
0x1c: {  	p1 =	slt.u32 s9, $0xF7A;
	s5 =	simm.s32 @!p2 $0x0  }
0x1d: {  	s5 =	simm.s32 @p1 $0x1;
	p0 =	seq.s32 s7, s2  }
0x1e: {  	s7 =	smul.u32 @!p0 $0xF7A, s2;
	p2 =	seq.s32 @!p0 s5, $0x0  }
0x1f: {  	s9 =	smul.u32 $0xF7A, s1;
	s8 =	simm.s32 @!p0 $0x1BF5;
	p2 =	por !p2, p0  }
0x20: {  	[sflag:s8] =	ssyncset.s32 @!p0 $0xFFFFF086;
	s6 =	sadd.s32 @!p0 s3, s7;
	s7 =	simm.s32 @!p0 $0x108  }
0x21: {  	s3 =	sadd.s32 s3, s9;
	s6 =	sadd.s32 @!p0 $0x88, s6;
	s7 =	simm.s32 @p2 $0x1082  }
0x22: {  	[simem:s7], [sflag:s8] =	dma.local @!p0 [hbm:s6], $0xF7A  }
0x23: {  	s9 =	sor.u32 $0xD0000000, s2;
	s6 =	simm.s32 $0x108;
	_ =	swait.ge @!p0 [sflag:s8], $0x0  }
0x24: {  	s3 =	sadd.s32 $0x88, s3;
	s6 =	simm.s32 @!p1 $0x1082;
	[sflag:s4] =	ssyncset.s32 $0xFFFFF086  }
0x25: {  	[simem:s6], [sflag:s4] =	dma.local [hbm:s3], $0xF7A  }
0x26: {  	[smem:$0x3F9B] =	sst s1;
	(tag) =	ssettag s2;
	_ =	strace s9  }
0x27: {  	s1 =	sld [smem:$0x3FAB]  }
0x28: {  	s2 =	sld [smem:$0x3FAC]  }
0x29: {  	s4 =	sld [smem:$0x3FAE]  }
0x2a: {  	p0 =	seq.s32 s5, $0x0;
	s5 =	sld [smem:$0x3FAF]  }
0x2b: {  	s6 =	sld [smem:$0x3FB0]  }
0x2c: {  	s7 =	sld [smem:$0x3FB1]  }
0x2d: {  	s3 =	simm.s32 $0x108;
	s8 =	sld [smem:$0x3FB2]  }
0x2e: {  	s3 =	simm.s32 @!p0 $0x1082;
	s9 =	sld [smem:$0x3FB3]  }
0x2f: {  	lr =	sadd.s32 s0, s3;
	s0 =	sld [smem:$0x3FAA]  }
0x30: {  	s3 =	sld [smem:$0x3FAD]  }
0x31: {  	[smem:$0x3FB6] =	sst s10  }
0x32: {  	s10 =	sld [smem:$0x3FB4];
	_ =	sdelay $0x3  }
0x33: {  	p0 =	seq.s32 s10, $0x1;
	s10 =	sld [smem:$0x3FB6];
	_ =	sdelay $0x3  }
0x34: {  	[smem:$0x3FB6] =	sst s10  }
0x35: {  	s10 =	sld [smem:$0x3FB5];
	_ =	sdelay $0x3  }
0x36: {  	p1 =	seq.s32 s10, $0x1;
	s10 =	sld [smem:$0x3FB6];
	_ =	sdelay $0x3  }
0x37: {  	[smem:$0x3FB6] =	sst s10  }
0x38: {  	s10 =	sld [smem:$0x3FB7]  }
0x39: {  	_ = 	snop;
	(pc) =	sbr.ind lr, $3  }
0x3a: {  	_ = 	snop  }
0x3b: {  	_ = 	snop  }
0x3c: {  	p2 =	seq.s32 s10, $0x1;
	s10 =	sld [smem:$0x3FB6]  }
0x3d: {  	_ =	shalt  }
0x3e: {  	_ =	shalt  }
0x3f: {  	_ =	shalt  }
0x40: {  	_ =	shalt  }
0x41: {  	_ =	shalt  }
0x42: {  	_ =	shalt  }
0x43: {  	_ =	shalt  }
0x44: {  	_ =	shalt  }
0x45: {  	_ =	shalt  }
0x46: {  	_ =	shalt  }
0x47: {  	_ =	shalt  }
0x48: {  	_ =	shalt  }
0x49: {  	_ =	shalt  }
0x4a: {  	_ =	shalt  }
0x4b: {  	_ =	shalt  }
0x4c: {  	_ =	shalt  }
0x4d: {  	_ =	shalt  }
0x4e: {  	_ =	shalt  }
0x4f: {  	_ =	shalt  }
0x50: {  	_ =	shalt  }
0x51: {  	_ =	shalt  }
0x52: {  	_ =	shalt  }
0x53: {  	_ =	shalt  }
0x54: {  	_ =	shalt  }
0x55: {  	_ =	shalt  }
0x56: {  	_ =	shalt  }
0x57: {  	_ =	shalt  }
0x58: {  	_ =	shalt  }
0x59: {  	_ =	shalt  }
0x5a: {  	_ =	shalt  }
0x5b: {  	_ =	shalt  }
0x5c: {  	_ =	shalt  }
0x5d: {  	_ =	shalt  }
0x5e: {  	_ =	shalt  }
0x5f: {  	_ =	shalt  }
0x60: {  	_ =	shalt  }
0x61: {  	_ =	shalt  }
0x62: {  	_ =	shalt  }
0x63: {  	_ =	shalt  }
0x64: {  	_ =	shalt  }
0x65: {  	_ =	shalt  }
0x66: {  	_ =	shalt  }
0x67: {  	_ =	shalt  }
0x68: {  	_ =	shalt  }
0x69: {  	_ =	shalt  }
0x6a: {  	_ =	shalt  }
0x6b: {  	_ =	shalt  }
0x6c: {  	_ =	shalt  }
0x6d: {  	_ =	shalt  }
0x6e: {  	_ =	shalt  }
0x6f: {  	_ =	shalt  }
0x70: {  	_ =	shalt  }
0x71: {  	_ =	shalt  }
0x72: {  	_ =	shalt  }
0x73: {  	_ =	shalt  }
0x74: {  	_ =	shalt  }
0x75: {  	_ =	shalt  }
0x76: {  	_ =	shalt  }
0x77: {  	_ =	shalt  }
0x78: {  	_ =	shalt  }
0x79: {  	_ =	shalt  }
0x7a: {  	_ =	shalt  }
0x7b: {  	_ =	shalt  }
0x7c: {  	_ =	shalt  }
0x7d: {  	_ =	shalt  }
0x7e: {  	_ =	shalt  }
0x7f: {  	_ =	shalt  }
0x80: {  	_ =	shalt  }
0x81: {  	_ =	shalt  }
0x82: {  	_ =	shalt  }
0x83: {  	_ =	shalt  }
0x84: {  	_ =	shalt  }
0x85: {  	_ =	shalt  }
0x86: {  	_ =	shalt  }
0x87: {  	_ =	shalt  }
.Lfunc_end0:
.L_simem_size_0:
called_computation_lowered:
.L_overlay_start_0:
0x88: {  	s2 =	sld [smem:$0x3FD9]  }
0x89: {  	s3 =	sld [smem:$0x3FFE];
	_ =	sdelay $0x1  }
0x8a: {  	s1 =	srdreg.scid  }
0x8b: {  	s0 =	sand.u32 $0x1, s1  }
0x8c: {  	s17 =	sshll.u32 s0, $0xA;
	s2 =	sadd.s32 s3, s2  }
0x8d: {  	s2 =	sadd.s32 s2, s17  }
0x8e: {  	[smem:$0x3FC2] =	sst s2  }
0x8f: {  	_ = 	snop  }
0x90: {  	s2 =	sld [smem:$0x3FD0];
	(tm) =	ssettm $0x1  }
0x91: {  	s18 =	sld [smem:$0x3FFB];
	_ =	sdelay $0x3  }
0x92: {  	_ =	strace s18  }
0x93: {  	s3 =	sld [smem:$0x3FFC];
	_ =	sdelay $0x3  }
0x94: {  	_ =	strace s3  }
0x95: {  	s3 =	sld [smem:$0x3FFD];
	_ =	sdelay $0x3  }
0x96: {  	_ =	strace s3  }
0x97: {  	_ =	strace $0x8FFFFFFF  }
0x98: {  	s19 =	sld [smem:$0x3FDB];
	_ =	sdelay $0x1  }
0x99: {  	s4 =	simm.s32 $_scs_section_size  }
0x9a: {  	s5 =	simm.s32 $_size__tile_overlayer_lowered;
	s6 =	simm.s32 $_tile_overlayer_lowered  }
0x9b: {  	s22 =	simm.s32 $0x1BFF;
	s21 =	sshll.u32 s6, $0x1;
	s3 =	sadd.s32 s4, s19  }
0x9c: {  	s7 =	simm.s32 $0x0;
	s20 =	sshll.u32 s5, $0x1;
	s5 =	sadd.s32 s21, s3  }
0x9d: {  	[timem:s7], [sflag:s22] =	dma.local [hbm:s5], s20  }
0x9e: {  	_ =	swait.ge [sflag:s22], s20  }
0x9f: {  	s4 =	ssub.s32 $0x0, s20;
	[sflag:s22] =	ssyncset.done $0x0  }
0xa0: {  	[sflag:s22] =	ssyncadd.s32 s4;
	_ =	sdelay $0x1  }
0xa1: {  	s23 =	simm.s32 $0x1B8B  }
0xa2: {  	_ =	swait.ge [sflag:s23], $0x1  }
0xa3: {  	[sflag:s23] =	ssyncset.done $0x0  }
0xa4: {  	s25 =	simm.s32 $0x1B8E;
	s24 =	sld [smem:$0x3FFE];
	[sflag:s23] =	ssyncadd.s32 $0xFFFFFFFF  }
0xa5: {  	s26 =	simm.s32 $execute0_lowered;
	[smem:$0x3FD2] =	sst s25  }
0xa6: {  	s5 =	sshll.u32 s26, $0x1;
	_ =	strace $0x80000046;
	[dreg:$0x1] =	wrdreg $0xFFFFFFFF  }
0xa7: {  	s28 =	simm.s32 $_size_execute0_lowered;
	s3 =	sadd.s32 s3, s5;
	[dreg:$0x0] =	wrdreg $0x0  }
0xa8: {  	s5 =	sshll.u32 s28, $0x1;
	[dreg:$0x2] =	wrdreg s3  }
0xa9: {  	[dreg:$0x3] =	wrdreg s5  }
0xaa: {  	[dreg:$0x4] =	wrdreg $0xC0  }
0xab: {  	_ =	task [dreg:s7], $0x5FFFF  }
0xac: {  	[dreg:$0x1] =	wrdreg $0xFFFFFFFF  }
0xad: {  	[dreg:$0x0] =	wrdreg $0x60  }
0xae: {  	[dreg:$0x2] =	wrdreg s24  }
0xaf: {  	[dreg:$0x3] =	wrdreg s2  }
0xb0: {  	[dreg:$0x4] =	wrdreg $0x9  }
0xb1: {  	_ =	task.clear_ibuf [dreg:s7], $0x5FFFF;
	_ =	strace $0x90000046  }
0xb2: {  	s29 =	simm.s32 $0x9;
	_ =	strace $0x80000048  }
0xb3: {  	_ =	swait.ge [sflag:s29], $0x1  }
0xb4: {  	[sflag:s29] =	ssyncadd.s32 $0xFFFFFFFF  }
0xb5: {  	_ =	strace $0x90000048  }
0xb6: {  	_ =	sfence  }
0xb7: {  	s30 =	sld [smem:$0x0];
	_ =	sdelay $0x2  }
0xb8: {  	s31 =	sshll.u32 s1, $0xD;
	s1 =	sshrl.u32 s1, $0x2  }
0xb9: {  	s3 =	sand.u32 $0x4000, s31;
	s1 =	sadd.s32 s1, s30  }
0xba: {  	s0 =	sor.u32 s3, s0;
	s1 =	sshll.u32 s1, $0x11  }
0xbb: {  	s0 =	sor.u32 s1, s0  }
0xbc: {  	s0 =	sadd.s32 $0x8F2B, s0  }
0xbd: {  	[sflag:s0] =	ssyncadd.remote.s32 $0x1  }
0xbe: {  	_ =	sfence.sel $0xFFFF  }
0xbf: {  	[dreg:$0x0] =	wrdreg $0xFFFFFFFF;
	(pc) =	sbr.abs _section_cstart, $3  }
0xc0: {  	[dreg:$0x1] =	wrdreg $0xFFFFFFFF  }
0xc1: {  	_ =	task.clear_ibuf [dreg:s7], $0x2FFFF;
	_ =	strace $0x9FFFFFFF  }
0xc2: {  	(tm) =	ssettm $0x7FFFFFFF  }
0xc3: {  	_ =	shalt  }
tec
execute0_lowered:
.L_overlay_start_1:
0x0: {  	(tag) =	ssettag $0x1  }
0x1: {  	s3 =	rddreg [dreg:$0x0];
	s1 =	srdreg.scid  }
0x2: {  	s0 =	stileid.u32;
	s5 =	rddreg [dreg:$0x1]  }
0x3: {  	s9 =	simm.s32 $0x80;
	s10 =	simm.s32 $0x400;
	s11 =	simm.s32 $0x0  }
0x4: {  	s4 =	sand.u32 $0x1, s1;
	s2 =	sshll.u32 s0, $0x1;
	s8 =	sshrl.u32 s0, $0x2  }
0x5: {  	s1 =	rddreg [dreg:$0x2];
	s6 =	sor.u32 s4, s2;
	s8 =	smul.u32 $0x28000, s8  }
0x6: {  	s2 =	simm.s32 $0x0;
	s4 =	ssub.s32 $0x2, s4;
	s7 =	smul.u32 $0xA00, s6  }
0x7: {  	[smem:$0x7FF] =	sst s2;
	s6 =	sshll.u32 s6, $0x7;
	s31 =	sshrl.u32 s4, $0x1  }
0x8: {  	_ =	strace $0x80000047;
	s6 =	sand.u32 $0x380, s6;
	s7 =	sadd.s32 s7, s3  }
0x9: {  	s6 =	sor.u32 s8, s6;
	s3 =	sadd.s32 $0x17200, s3;
	s8 =	ssub.s32 s4, s31  }
0xa: {  	s6 =	sshrl.u32 s6, $0x3;
	s4 =	sadd.s32 $0x3200, s7;
	s7 =	simm.s32 $0x1  }
0xb: {  	v0 =	vimm.f32 $1.000000000e+00;
	s5 =	sadd.s32 s5, s6;
	s6 =	smax.u32 s8, $0x1;
	s8 =	simm.s32 $0x5000  }
.LBB2_1:
0xc: {  	[tilespmem:s2], [sflag:$0x1] =	stream.linear.gather [hbm4b:s3+s2], $0x5000, $0x38;
	[tilespmem:$0xA000] =	vst v63  }
0xd: {  	s12 =	simm.s32 $0x0;
	_ =	swait.ge [sflag:s7], $0x5000  }
0xe: {  	s13 =	sand.u32 $0xFFFFFF80, s12;
	[sflag:s7] =	ssyncset.done $0x0  }
0xf: {  	s13 =	ssub.s32 $0x0, s13;
	[sflag:s7] =	ssyncadd.s32 $0xFFFFB000  }
0x10: {  	[tilespmem:s8], [sflag:$0x1] =	stream.linear.gather [hbm4b:s4+s2], $0x5000, $0x38;
	[tilespmem:$0xA000] =	vst v63  }
0x11: {  	s12 =	sand.u32 $0x3FFFFF80, s12;
	s13 =	sand.u32 $0xFFFFFF80, s13;
	_ =	swait.ge [sflag:s7], $0x5000  }
0x12: {  	s14 =	sand.u32 $0x70, s2;
	s12 =	sadd.s32 s13, s12;
	[sflag:s7] =	ssyncset.done $0x0  }
0x13: {  	s12 =	sor.u32 s14, s12;
	[sflag:s7] =	ssyncadd.s32 $0xFFFFB000  }
0x14: {  	v1 =	vld [tilespmem:s12+$0x5000];
	_ =	sdelay $0x2  }
0x15: {  	s13 =	simm.s32 $0x2;
	s14 =	simm.s32 $0x10;
	s12 =	simm.s32 $0x0  }
.LBB2_2:
0x16: {  	p0 =	sne.s32 s13, $0x4FF;
	s15 =	sand.u32 $0xFFFFFF80, s14;
	s12 =	sadd.s32 $0x10, s12  }
0x17: {  	s15 =	ssub.s32 s12, s15  }
0x18: {  	s14 =	sand.u32 $0x3FFFFF80, s14;
	s15 =	sand.u32 $0xFFFFFF80, s15  }
0x19: {  	s16 =	sand.u32 $0x70, s12;
	s14 =	sadd.s32 s15, s14  }
.Ltmp0:
0x1a: {  	s14 =	sor.u32 s16, s14;
	[tilespmem:v1+s2+$0x0] =	vst.idx.add.f32.msk $0xffff, v0;
	(pc) =	sbr.rel @p0 .LBB2_2-.Ltmp0, $2  }
0x1b: {  	v1 =	vld [tilespmem:s14+$0x5000];
	_ =	sdelay $0x2  }
0x1c: {  	s14 =	sshll.u32 s13, $0x4;
	s13 =	sadd.s32 $0x1, s13  }
0x1d: {  	_ = 	snop  }
0x1e: {  	s13 =	sand.u32 $0xFFFFFF80, s14;
	s12 =	sadd.s32 $0x10, s12  }
0x1f: {  	s13 =	ssub.s32 s12, s13  }
0x20: {  	s31 =	sand.u32 $0x3FFFFF80, s14;
	s13 =	sand.u32 $0xFFFFFF80, s13  }
0x21: {  	s12 =	sand.u32 $0x70, s12;
	s13 =	sadd.s32 s13, s31  }
0x22: {  	[tilespmem:v1+s2+$0x0] =	vst.idx.add.f32.msk $0xffff, v0;
	s12 =	sor.u32 s12, s13  }
0x23: {  	v1 =	vld [tilespmem:s12+$0x5000];
	_ =	sdelay $0x5  }
0x24: {  	s11 =	sadd.s32 $0x1, s11  }
0x25: {  	p0 =	sne.s32 s11, s6  }
.Ltmp1:
0x26: {  	[tilespmem:v1+s2+$0x0] =	vst.idx.add.f32.msk $0xffff, v0;
	(pc) =	sbr.rel @p0 .LBB2_1-.Ltmp1, $4  }
0x27: {  	[hbm4b:s5+s9] =	stream.strided.scatter [tilespmem:s2], [sflag:$0x1], $0x5000, s10, s9, $0x38;
	[tilespmem:$0xA000] =	vst v63  }
0x28: {  	_ =	swait.ge [sflag:s7], $0x5000  }
0x29: {  	[sflag:s7] =	ssyncset.done $0x0  }
0x2a: {  	[sflag:s7] =	ssyncadd.s32 $0xFFFFB000  }
0x2b: {  	_ =	sfence.sel $0x180000  }
0x2c: {  	[bflag:$0x0] =	sbarrier.arrive $0xFFFF  }
0x2d: {  	p0 =	sne.s32 s0, $0x0;
	_ =	strace $0x90000047  }
0x2e: {  	s0 =	sadd.s32 @!p0 $0x100000, s1;
	[bflag:$0x2] =	sbarrier.arrive $0xFFFF  }
0x2f: {  	[sflag:s0] =	ssyncadd.tile.s32 @!p0 $0x1;
	_ =	shalt  }
.Lfunc_end2:
_tile_overlayer_lowered:
.L_overlay_start_2:
0x30: {  	(tag) =	ssettag $0x2  }
0x31: {  	s0 =	rddreg [dreg:$0x0];
	s2 =	stileid.u32  }
0x32: {  	s1 =	rddreg [dreg:$0x1];
	p0 =	sne.s32 s2, $0x0  }
0x33: {  	s3 =	rddreg [dreg:$0x2];
	[bflag:$0x3] =	sbarrier.arrive $0xFFFF;
	s2 =	simm.s32 @!p0 $0x1C01  }
0x34: {  	[timem:s3], [sflag:s2] =	dma.local @!p0 [hbm:s0], s1  }
0x35: {  	s0 =	simm.s32 @!p0 $0x1  }
0x36: {  	_ =	swait.ge @!p0 [sflag:s0], s1  }
0x37: {  	s1 =	ssub.s32 @!p0 $0x0, s1;
	[sflag:s0] =	ssyncset.done @!p0 $0x0  }
0x38: {  	[sflag:s0] =	ssyncadd.s32 @!p0 s1  }
0x39: {  	[bflag:$0x3] =	sbarrier.arrive $0xFFFF  }
0x3a: {  	_ =	shalt  }

</sc_bundles>
